<compile_context>
chip_gen: v7x
topology: tpu7x:2x2x1
jax: 0.10.2.dev20260603
libtpu: 0.0.44.dev20260713+nightly
codegen_flags: <defaults>
</compile_context>

<pallas_src>
import functools

import jax
import jax.numpy as jnp
from jax import lax
from jax.experimental import pallas as pl
from jax.experimental.pallas import tpu as pltpu
from jax.experimental.pallas import tpu_sc as plsc

_DIM = 1024
_B = 4
_S = 8192
_SCALE = float(_DIM) ** (-0.5)

_NC = 2
_NS = 16
_NW = _NC * _NS
_L = 16

_ROWS_PER_W = _S // _NW
_CHUNKS = (32,) * 8
_MAX_CHUNK = max(_CHUNKS)
_OFFS = tuple(sum(_CHUNKS[:k]) for k in range(len(_CHUNKS)))
_N_CHUNKS = len(_CHUNKS)


def _make_sc_broadcast():
    mesh = plsc.VectorSubcoreMesh(core_axis_name="c", subcore_axis_name="s")

    @functools.partial(
        pl.kernel,
        mesh=mesh,
        out_type=jax.ShapeDtypeStruct((_B, _S, _DIM), jnp.float32),
        scratch_types=[
            pltpu.VMEM((_MAX_CHUNK, _DIM), jnp.float32),
            pltpu.VMEM((_MAX_CHUNK, _DIM), jnp.float32),
            pltpu.SemaphoreType.DMA,
            pltpu.SemaphoreType.DMA,
            pltpu.SemaphoreType.DMA,
            pltpu.SemaphoreType.DMA,
        ],
    )
    def sc_broadcast(table_hbm, out_hbm, buf0, buf1, si0, si1, so0, so1):
        bufs = (buf0, buf1)
        sem_in = (si0, si1)
        sem_out = (so0, so1)
        wid = lax.axis_index("s") * _NC + lax.axis_index("c")
        base = wid * _ROWS_PER_W

        def start_in(i):
            cr = _CHUNKS[i]
            return pltpu.async_copy(
                table_hbm.at[pl.ds(base + _OFFS[i], cr), :],
                bufs[i % 2].at[pl.ds(0, cr), :],
                sem_in[i % 2],
            )

        def start_outs(i):
            cr = _CHUNKS[i]
            return [
                pltpu.async_copy(
                    bufs[i % 2].at[pl.ds(0, cr), :],
                    out_hbm.at[b, pl.ds(base + _OFFS[i], cr), :],
                    sem_out[i % 2],
                )
                for b in range(_B)
            ]

        in_h = start_in(0)
        out_hs = {}
        for i in range(_N_CHUNKS):
            buf = bufs[i % 2]
            in_h.wait()
            if i >= 1:
                for h in out_hs.pop(i - 1):
                    h.wait()
            if i + 1 < _N_CHUNKS:
                in_h = start_in(i + 1)

            def scale_row(r, c, buf=buf):
                def scale_vec(j, c2, buf=buf, r=r):
                    sl = pl.ds(j * _L, _L)
                    buf[r, sl] = buf[r, sl] * _SCALE
                    return c2

                return lax.fori_loop(0, _DIM // _L, scale_vec, c, unroll=8)

            lax.fori_loop(0, _CHUNKS[i], scale_row, 0)
            out_hs[i] = start_outs(i)
        for h in out_hs.pop(_N_CHUNKS - 1):
            h.wait()

    return sc_broadcast


_sc_broadcast = _make_sc_broadcast()


def kernel(x, table):
    del x
    return _sc_broadcast(table)

# --- scband reference (transcript-rebuilt; emitter-appended) ---
"""Pipeline reference for scband-positional-embedding-40922448396901 (READ-ONLY COPY).

The authoritative reference and input builder live on the scoring server;
editing this copy changes nothing except your own understanding.
"""

import jax, jax.numpy as jnp
import numpy as np

DIM = 1024
MAX_LENGTH = 8192
B = 4
S = 8192

def setup_inputs(seed: int = 0) -> dict:
    key = jax.random.key(seed)
    k1, k2 = jax.random.split(key)
    x = jax.random.normal(k1, (B, S, DIM), dtype=jnp.float32)
    # nn.Embedding default init: N(0, 1)
    table = jax.random.normal(k2, (MAX_LENGTH, DIM), dtype=jnp.float32)
    return {"x": x, "table": table}

def reference(x, table):
    scale = DIM ** (-0.5)
    positions = jnp.arange(x.shape[1], dtype=jnp.int32)
    positions = jnp.broadcast_to(positions[None, :], (x.shape[0], x.shape[1]))
    emb = jnp.take(table, positions, axis=0)  # [B, S, DIM]
    return emb * scale

if __name__ == "__main__":
    import jax
    _d = setup_inputs()
    print(jax.jit(kernel)(*tuple(_d.values())))

</pallas_src>

<mosaic_0001>
#map = affine_map<(d0, d1) -> (0, 0)>
#map1 = affine_map<(d0, d1) -> (0, 0, 0)>
module attributes {stable_mosaic.version = 14 : i64} {
  func.func @sc_broadcast(%arg0: i32, %arg1: i32, %arg2: memref<8192x1024xf32, #tpu.memory_space<hbm>>, %arg3: memref<4x8192x1024xf32, #tpu.memory_space<hbm>>, %arg4: memref<32x1024xf32, #tpu.memory_space<vmem>>, %arg5: memref<32x1024xf32, #tpu.memory_space<vmem>>, %arg6: memref<!tpu.dma_semaphore, #tpu.memory_space<semaphore_mem>>, %arg7: memref<!tpu.dma_semaphore, #tpu.memory_space<semaphore_mem>>, %arg8: memref<!tpu.dma_semaphore, #tpu.memory_space<semaphore_mem>>, %arg9: memref<!tpu.dma_semaphore, #tpu.memory_space<semaphore_mem>>) attributes {dimension_semantics = [#tpu.dimension_semantics<core_parallel>, #tpu.dimension_semantics<subcore_parallel>], iteration_bounds = array<i64: 2, 16>, scalar_prefetch = 0 : i64, scratch_operands = 6 : i64, tpu.core_type = #tpu.core_type<sc_vector_subcore>, window_params = [{transform_indices = #map}, {transform_indices = #map1}]} {
    %mul3A = arith.constant 2 : i32
    %mul3A_0 = arith.muli %arg1, %mul3A : i32
    %add3A = arith.addi %mul3A_0, %arg0 : i32
    %mul3A_1 = arith.constant 256 : i32
    %mul3A_2 = arith.muli %add3A, %mul3A_1 : i32
    %add3A_3 = arith.constant 0 : i32
    %add3A_4 = arith.addi %mul3A_2, %add3A_3 : i32
    %dma_start3A = arith.constant 0 : i32
    %dma_start3A_5 = arith.constant 0 : i32
    %dma_start3A_6 = tpu.memref_slice %arg4[%dma_start3A, %dma_start3A_5] : memref<32x1024xf32, #tpu.memory_space<vmem>> -> memref<32x1024xf32, #tpu.memory_space<vmem>>
    %dma_start3A_7 = arith.constant 0 : i32
    %dma_start3A_8 = tpu.memref_slice %arg2[%add3A_4, %dma_start3A_7] : memref<8192x1024xf32, #tpu.memory_space<hbm>> -> memref<32x1024xf32, #tpu.memory_space<hbm>>
    %dma_start3A_9 = arith.constant 0 : i32
    %dma_start3A_10 = arith.constant 0 : i32
    %dma_start3A_11 = tpu.memref_slice %arg4[%dma_start3A_9, %dma_start3A_10] : memref<32x1024xf32, #tpu.memory_space<vmem>> -> memref<32x1024xf32, #tpu.memory_space<vmem>>
    %dma_start3A_12 = arith.constant 0 : i32
    %dma_start3A_13 = tpu.memref_slice %arg2[%add3A_4, %dma_start3A_12] : memref<8192x1024xf32, #tpu.memory_space<hbm>> -> memref<32x1024xf32, #tpu.memory_space<hbm>>
    tpu.enqueue_dma source(%dma_start3A_13 : memref<32x1024xf32, #tpu.memory_space<hbm>>) target(%dma_start3A_11 : memref<32x1024xf32, #tpu.memory_space<vmem>>) target_semaphore(%arg6 : memref<!tpu.dma_semaphore, #tpu.memory_space<semaphore_mem>>)
    %dma_wait3A = arith.constant 0 : i32
    %dma_wait3A_14 = arith.constant 0 : i32
    %dma_wait3A_15 = tpu.memref_slice %arg4[%dma_wait3A, %dma_wait3A_14] : memref<32x1024xf32, #tpu.memory_space<vmem>> -> memref<32x1024xf32, #tpu.memory_space<vmem>>
    %dma_wait3A_16 = arith.constant 0 : i32
    %dma_wait3A_17 = tpu.memref_slice %arg2[%add3A_4, %dma_wait3A_16] : memref<8192x1024xf32, #tpu.memory_space<hbm>> -> memref<32x1024xf32, #tpu.memory_space<hbm>>
    %dma_wait3A_18 = arith.constant 0 : i32
    %dma_wait3A_19 = arith.constant 0 : i32
    %dma_wait3A_20 = tpu.memref_slice %arg4[%dma_wait3A_18, %dma_wait3A_19] : memref<32x1024xf32, #tpu.memory_space<vmem>> -> memref<32x1024xf32, #tpu.memory_space<vmem>>
    %dma_wait3A_21 = arith.constant 0 : i32
    %dma_wait3A_22 = tpu.memref_slice %arg2[%add3A_4, %dma_wait3A_21] : memref<8192x1024xf32, #tpu.memory_space<hbm>> -> memref<32x1024xf32, #tpu.memory_space<hbm>>
    tpu.wait_dma2 semaphore(%arg6 : memref<!tpu.dma_semaphore, #tpu.memory_space<semaphore_mem>>) src(%dma_wait3A_22 : memref<32x1024xf32, #tpu.memory_space<hbm>>) dst(%dma_wait3A_20 : memref<32x1024xf32, #tpu.memory_space<vmem>>)
    %add3A_23 = arith.constant 32 : i32
    %add3A_24 = arith.addi %mul3A_2, %add3A_23 : i32
    %dma_start3A_25 = arith.constant 0 : i32
    %dma_start3A_26 = arith.constant 0 : i32
    %dma_start3A_27 = tpu.memref_slice %arg5[%dma_start3A_25, %dma_start3A_26] : memref<32x1024xf32, #tpu.memory_space<vmem>> -> memref<32x1024xf32, #tpu.memory_space<vmem>>
    %dma_start3A_28 = arith.constant 0 : i32
    %dma_start3A_29 = tpu.memref_slice %arg2[%add3A_24, %dma_start3A_28] : memref<8192x1024xf32, #tpu.memory_space<hbm>> -> memref<32x1024xf32, #tpu.memory_space<hbm>>
    %dma_start3A_30 = arith.constant 0 : i32
    %dma_start3A_31 = arith.constant 0 : i32
    %dma_start3A_32 = tpu.memref_slice %arg5[%dma_start3A_30, %dma_start3A_31] : memref<32x1024xf32, #tpu.memory_space<vmem>> -> memref<32x1024xf32, #tpu.memory_space<vmem>>
    %dma_start3A_33 = arith.constant 0 : i32
    %dma_start3A_34 = tpu.memref_slice %arg2[%add3A_24, %dma_start3A_33] : memref<8192x1024xf32, #tpu.memory_space<hbm>> -> memref<32x1024xf32, #tpu.memory_space<hbm>>
    tpu.enqueue_dma source(%dma_start3A_34 : memref<32x1024xf32, #tpu.memory_space<hbm>>) target(%dma_start3A_32 : memref<32x1024xf32, #tpu.memory_space<vmem>>) target_semaphore(%arg7 : memref<!tpu.dma_semaphore, #tpu.memory_space<semaphore_mem>>)
    %scan3A = arith.constant 0 : i32
    %scan3A_35 = arith.constant 0 : i32
    %scan3A_36 = arith.constant 32 : i32
    %scan3A_37 = arith.addi %scan3A_35, %scan3A_36 : i32
    %scan3A_38 = arith.constant 1 : i32
    scf.for %scan3A_1120 = %scan3A_35 to %scan3A_37 step %scan3A_38  : i32 {
      %scan3A_1121 = arith.constant 0 : i32
      %scan3A_1122 = arith.constant 64 : i32
      %scan3A_1123 = arith.addi %scan3A_1121, %scan3A_1122 : i32
      %scan3A_1124 = arith.constant 8 : i32
      scf.for %scan3A_1126 = %scan3A_1121 to %scan3A_1123 step %scan3A_1124  : i32 {
        %mul3A_1127 = arith.constant 16 : i32
        %mul3A_1128 = arith.muli %scan3A_1126, %mul3A_1127 : i32
        %get3A = arith.index_cast %scan3A_1120 : i32 to index
        %get3A_1129 = arith.index_cast %mul3A_1128 : i32 to index
        %get3A_1130 = tpu.vector_load %arg4[%get3A, %get3A_1129] {strides = array<i32>} : memref<32x1024xf32, #tpu.memory_space<vmem>>, vector<1x16xf32>,
        %get3A_1131 = vector.shape_cast %get3A_1130 : vector<1x16xf32> to vector<16xf32>
        %mul3A_1132 = arith.constant 3.125000e-02 : f32
        %mul3A_1133 = vector.broadcast %mul3A_1132 : f32 to vector<16xf32>
        %mul3A_1134 = arith.mulf %get3A_1131, %mul3A_1133 : vector<16xf32>
        %swap3A = arith.index_cast %scan3A_1120 : i32 to index
        %swap3A_1135 = arith.index_cast %mul3A_1128 : i32 to index
        %swap3A_1136 = tpu.vector_load %arg4[%swap3A, %swap3A_1135] {strides = array<i32>} : memref<32x1024xf32, #tpu.memory_space<vmem>>, vector<1x16xf32>,
        %swap3A_1137 = vector.shape_cast %swap3A_1136 : vector<1x16xf32> to vector<16xf32>
        %swap3A_1138 = vector.shape_cast %mul3A_1134 : vector<16xf32> to vector<1x16xf32>
        tpu.vector_store %arg4[%swap3A, %swap3A_1135], %swap3A_1138 {strides = array<i32>} : memref<32x1024xf32, #tpu.memory_space<vmem>>, vector<1x16xf32>,
        %scan3A_1139 = arith.constant 1 : i32
        %scan3A_1140 = arith.addi %scan3A_1126, %scan3A_1139 : i32
        %mul3A_1141 = arith.constant 16 : i32
        %mul3A_1142 = arith.muli %scan3A_1140, %mul3A_1141 : i32
        %get3A_1143 = arith.index_cast %scan3A_1120 : i32 to index
        %get3A_1144 = arith.index_cast %mul3A_1142 : i32 to index
        %get3A_1145 = tpu.vector_load %arg4[%get3A_1143, %get3A_1144] {strides = array<i32>} : memref<32x1024xf32, #tpu.memory_space<vmem>>, vector<1x16xf32>,
        %get3A_1146 = vector.shape_cast %get3A_1145 : vector<1x16xf32> to vector<16xf32>
        %mul3A_1147 = arith.constant 3.125000e-02 : f32
        %mul3A_1148 = vector.broadcast %mul3A_1147 : f32 to vector<16xf32>
        %mul3A_1149 = arith.mulf %get3A_1146, %mul3A_1148 : vector<16xf32>
        %swap3A_1150 = arith.index_cast %scan3A_1120 : i32 to index
        %swap3A_1151 = arith.index_cast %mul3A_1142 : i32 to index
        %swap3A_1152 = tpu.vector_load %arg4[%swap3A_1150, %swap3A_1151] {strides = array<i32>} : memref<32x1024xf32, #tpu.memory_space<vmem>>, vector<1x16xf32>,
        %swap3A_1153 = vector.shape_cast %swap3A_1152 : vector<1x16xf32> to vector<16xf32>
        %swap3A_1154 = vector.shape_cast %mul3A_1149 : vector<16xf32> to vector<1x16xf32>
        tpu.vector_store %arg4[%swap3A_1150, %swap3A_1151], %swap3A_1154 {strides = array<i32>} : memref<32x1024xf32, #tpu.memory_space<vmem>>, vector<1x16xf32>,
        %scan3A_1155 = arith.constant 2 : i32
        %scan3A_1156 = arith.addi %scan3A_1126, %scan3A_1155 : i32
        %mul3A_1157 = arith.constant 16 : i32
        %mul3A_1158 = arith.muli %scan3A_1156, %mul3A_1157 : i32
        %get3A_1159 = arith.index_cast %scan3A_1120 : i32 to index
        %get3A_1160 = arith.index_cast %mul3A_1158 : i32 to index
        %get3A_1161 = tpu.vector_load %arg4[%get3A_1159, %get3A_1160] {strides = array<i32>} : memref<32x1024xf32, #tpu.memory_space<vmem>>, vector<1x16xf32>,
        %get3A_1162 = vector.shape_cast %get3A_1161 : vector<1x16xf32> to vector<16xf32>
        %mul3A_1163 = arith.constant 3.125000e-02 : f32
        %mul3A_1164 = vector.broadcast %mul3A_1163 : f32 to vector<16xf32>
        %mul3A_1165 = arith.mulf %get3A_1162, %mul3A_1164 : vector<16xf32>
        %swap3A_1166 = arith.index_cast %scan3A_1120 : i32 to index
        %swap3A_1167 = arith.index_cast %mul3A_1158 : i32 to index
        %swap3A_1168 = tpu.vector_load %arg4[%swap3A_1166, %swap3A_1167] {strides = array<i32>} : memref<32x1024xf32, #tpu.memory_space<vmem>>, vector<1x16xf32>,
        %swap3A_1169 = vector.shape_cast %swap3A_1168 : vector<1x16xf32> to vector<16xf32>
        %swap3A_1170 = vector.shape_cast %mul3A_1165 : vector<16xf32> to vector<1x16xf32>
        tpu.vector_store %arg4[%swap3A_1166, %swap3A_1167], %swap3A_1170 {strides = array<i32>} : memref<32x1024xf32, #tpu.memory_space<vmem>>, vector<1x16xf32>,
        %scan3A_1171 = arith.constant 3 : i32
        %scan3A_1172 = arith.addi %scan3A_1126, %scan3A_1171 : i32
        %mul3A_1173 = arith.constant 16 : i32
        %mul3A_1174 = arith.muli %scan3A_1172, %mul3A_1173 : i32
        %get3A_1175 = arith.index_cast %scan3A_1120 : i32 to index
        %get3A_1176 = arith.index_cast %mul3A_1174 : i32 to index
        %get3A_1177 = tpu.vector_load %arg4[%get3A_1175, %get3A_1176] {strides = array<i32>} : memref<32x1024xf32, #tpu.memory_space<vmem>>, vector<1x16xf32>,
        %get3A_1178 = vector.shape_cast %get3A_1177 : vector<1x16xf32> to vector<16xf32>
        %mul3A_1179 = arith.constant 3.125000e-02 : f32
        %mul3A_1180 = vector.broadcast %mul3A_1179 : f32 to vector<16xf32>
        %mul3A_1181 = arith.mulf %get3A_1178, %mul3A_1180 : vector<16xf32>
        %swap3A_1182 = arith.index_cast %scan3A_1120 : i32 to index
        %swap3A_1183 = arith.index_cast %mul3A_1174 : i32 to index
        %swap3A_1184 = tpu.vector_load %arg4[%swap3A_1182, %swap3A_1183] {strides = array<i32>} : memref<32x1024xf32, #tpu.memory_space<vmem>>, vector<1x16xf32>,
        %swap3A_1185 = vector.shape_cast %swap3A_1184 : vector<1x16xf32> to vector<16xf32>
        %swap3A_1186 = vector.shape_cast %mul3A_1181 : vector<16xf32> to vector<1x16xf32>
        tpu.vector_store %arg4[%swap3A_1182, %swap3A_1183], %swap3A_1186 {strides = array<i32>} : memref<32x1024xf32, #tpu.memory_space<vmem>>, vector<1x16xf32>,
        %scan3A_1187 = arith.constant 4 : i32
        %scan3A_1188 = arith.addi %scan3A_1126, %scan3A_1187 : i32
        %mul3A_1189 = arith.constant 16 : i32
        %mul3A_1190 = arith.muli %scan3A_1188, %mul3A_1189 : i32
        %get3A_1191 = arith.index_cast %scan3A_1120 : i32 to index
        %get3A_1192 = arith.index_cast %mul3A_1190 : i32 to index
        %get3A_1193 = tpu.vector_load %arg4[%get3A_1191, %get3A_1192] {strides = array<i32>} : memref<32x1024xf32, #tpu.memory_space<vmem>>, vector<1x16xf32>,
        %get3A_1194 = vector.shape_cast %get3A_1193 : vector<1x16xf32> to vector<16xf32>
        %mul3A_1195 = arith.constant 3.125000e-02 : f32
        %mul3A_1196 = vector.broadcast %mul3A_1195 : f32 to vector<16xf32>
        %mul3A_1197 = arith.mulf %get3A_1194, %mul3A_1196 : vector<16xf32>
        %swap3A_1198 = arith.index_cast %scan3A_1120 : i32 to index
        %swap3A_1199 = arith.index_cast %mul3A_1190 : i32 to index
        %swap3A_1200 = tpu.vector_load %arg4[%swap3A_1198, %swap3A_1199] {strides = array<i32>} : memref<32x1024xf32, #tpu.memory_space<vmem>>, vector<1x16xf32>,
        %swap3A_1201 = vector.shape_cast %swap3A_1200 : vector<1x16xf32> to vector<16xf32>
        %swap3A_1202 = vector.shape_cast %mul3A_1197 : vector<16xf32> to vector<1x16xf32>
        tpu.vector_store %arg4[%swap3A_1198, %swap3A_1199], %swap3A_1202 {strides = array<i32>} : memref<32x1024xf32, #tpu.memory_space<vmem>>, vector<1x16xf32>,
        %scan3A_1203 = arith.constant 5 : i32
        %scan3A_1204 = arith.addi %scan3A_1126, %scan3A_1203 : i32
        %mul3A_1205 = arith.constant 16 : i32
        %mul3A_1206 = arith.muli %scan3A_1204, %mul3A_1205 : i32
        %get3A_1207 = arith.index_cast %scan3A_1120 : i32 to index
        %get3A_1208 = arith.index_cast %mul3A_1206 : i32 to index
        %get3A_1209 = tpu.vector_load %arg4[%get3A_1207, %get3A_1208] {strides = array<i32>} : memref<32x1024xf32, #tpu.memory_space<vmem>>, vector<1x16xf32>,
        %get3A_1210 = vector.shape_cast %get3A_1209 : vector<1x16xf32> to vector<16xf32>
        %mul3A_1211 = arith.constant 3.125000e-02 : f32
        %mul3A_1212 = vector.broadcast %mul3A_1211 : f32 to vector<16xf32>
        %mul3A_1213 = arith.mulf %get3A_1210, %mul3A_1212 : vector<16xf32>
        %swap3A_1214 = arith.index_cast %scan3A_1120 : i32 to index
        %swap3A_1215 = arith.index_cast %mul3A_1206 : i32 to index
        %swap3A_1216 = tpu.vector_load %arg4[%swap3A_1214, %swap3A_1215] {strides = array<i32>} : memref<32x1024xf32, #tpu.memory_space<vmem>>, vector<1x16xf32>,
        %swap3A_1217 = vector.shape_cast %swap3A_1216 : vector<1x16xf32> to vector<16xf32>
        %swap3A_1218 = vector.shape_cast %mul3A_1213 : vector<16xf32> to vector<1x16xf32>
        tpu.vector_store %arg4[%swap3A_1214, %swap3A_1215], %swap3A_1218 {strides = array<i32>} : memref<32x1024xf32, #tpu.memory_space<vmem>>, vector<1x16xf32>,
        %scan3A_1219 = arith.constant 6 : i32
        %scan3A_1220 = arith.addi %scan3A_1126, %scan3A_1219 : i32
        %mul3A_1221 = arith.constant 16 : i32
        %mul3A_1222 = arith.muli %scan3A_1220, %mul3A_1221 : i32
        %get3A_1223 = arith.index_cast %scan3A_1120 : i32 to index
        %get3A_1224 = arith.index_cast %mul3A_1222 : i32 to index
        %get3A_1225 = tpu.vector_load %arg4[%get3A_1223, %get3A_1224] {strides = array<i32>} : memref<32x1024xf32, #tpu.memory_space<vmem>>, vector<1x16xf32>,
        %get3A_1226 = vector.shape_cast %get3A_1225 : vector<1x16xf32> to vector<16xf32>
        %mul3A_1227 = arith.constant 3.125000e-02 : f32
        %mul3A_1228 = vector.broadcast %mul3A_1227 : f32 to vector<16xf32>
        %mul3A_1229 = arith.mulf %get3A_1226, %mul3A_1228 : vector<16xf32>
        %swap3A_1230 = arith.index_cast %scan3A_1120 : i32 to index
        %swap3A_1231 = arith.index_cast %mul3A_1222 : i32 to index
        %swap3A_1232 = tpu.vector_load %arg4[%swap3A_1230, %swap3A_1231] {strides = array<i32>} : memref<32x1024xf32, #tpu.memory_space<vmem>>, vector<1x16xf32>,
        %swap3A_1233 = vector.shape_cast %swap3A_1232 : vector<1x16xf32> to vector<16xf32>
        %swap3A_1234 = vector.shape_cast %mul3A_1229 : vector<16xf32> to vector<1x16xf32>
        tpu.vector_store %arg4[%swap3A_1230, %swap3A_1231], %swap3A_1234 {strides = array<i32>} : memref<32x1024xf32, #tpu.memory_space<vmem>>, vector<1x16xf32>,
        %scan3A_1235 = arith.constant 7 : i32
        %scan3A_1236 = arith.addi %scan3A_1126, %scan3A_1235 : i32
        %mul3A_1237 = arith.constant 16 : i32
        %mul3A_1238 = arith.muli %scan3A_1236, %mul3A_1237 : i32
        %get3A_1239 = arith.index_cast %scan3A_1120 : i32 to index
        %get3A_1240 = arith.index_cast %mul3A_1238 : i32 to index
        %get3A_1241 = tpu.vector_load %arg4[%get3A_1239, %get3A_1240] {strides = array<i32>} : memref<32x1024xf32, #tpu.memory_space<vmem>>, vector<1x16xf32>,
        %get3A_1242 = vector.shape_cast %get3A_1241 : vector<1x16xf32> to vector<16xf32>
        %mul3A_1243 = arith.constant 3.125000e-02 : f32
        %mul3A_1244 = vector.broadcast %mul3A_1243 : f32 to vector<16xf32>
        %mul3A_1245 = arith.mulf %get3A_1242, %mul3A_1244 : vector<16xf32>
        %swap3A_1246 = arith.index_cast %scan3A_1120 : i32 to index
        %swap3A_1247 = arith.index_cast %mul3A_1238 : i32 to index
        %swap3A_1248 = tpu.vector_load %arg4[%swap3A_1246, %swap3A_1247] {strides = array<i32>} : memref<32x1024xf32, #tpu.memory_space<vmem>>, vector<1x16xf32>,
        %swap3A_1249 = vector.shape_cast %swap3A_1248 : vector<1x16xf32> to vector<16xf32>
        %swap3A_1250 = vector.shape_cast %mul3A_1245 : vector<16xf32> to vector<1x16xf32>
        tpu.vector_store %arg4[%swap3A_1246, %swap3A_1247], %swap3A_1250 {strides = array<i32>} : memref<32x1024xf32, #tpu.memory_space<vmem>>, vector<1x16xf32>,
      }
      %scan3A_1125 = arith.constant 64 : i32
    }
    %scan3A_39 = arith.constant 32 : i32
    %add3A_40 = arith.constant 0 : i32
    %add3A_41 = arith.addi %mul3A_2, %add3A_40 : i32
    %dma_start3A_42 = arith.constant 0 : i32
    %dma_start3A_43 = arith.constant 0 : i32
    %dma_start3A_44 = arith.constant 0 : i32
    %dma_start3A_45 = tpu.memref_slice %arg4[%dma_start3A_43, %dma_start3A_44] : memref<32x1024xf32, #tpu.memory_space<vmem>> -> memref<32x1024xf32, #tpu.memory_space<vmem>>
    %dma_start3A_46 = arith.constant 0 : i32
    %dma_start3A_47 = tpu.memref_slice %arg3[%dma_start3A_42, %add3A_41, %dma_start3A_46] : memref<4x8192x1024xf32, #tpu.memory_space<hbm>> -> memref<1x32x1024xf32, #tpu.memory_space<hbm>>
    %dma_start3A_48 = tpu.memref_squeeze %dma_start3A_47 : memref<1x32x1024xf32, #tpu.memory_space<hbm>> -> memref<32x1024xf32, #tpu.memory_space<hbm>>
    %dma_start3A_49 = arith.constant 0 : i32
    %dma_start3A_50 = tpu.memref_slice %arg3[%dma_start3A_42, %add3A_41, %dma_start3A_49] : memref<4x8192x1024xf32, #tpu.memory_space<hbm>> -> memref<1x32x1024xf32, #tpu.memory_space<hbm>>
    %dma_start3A_51 = tpu.memref_squeeze %dma_start3A_50 : memref<1x32x1024xf32, #tpu.memory_space<hbm>> -> memref<32x1024xf32, #tpu.memory_space<hbm>>
    %dma_start3A_52 = arith.constant 0 : i32
    %dma_start3A_53 = arith.constant 0 : i32
    %dma_start3A_54 = tpu.memref_slice %arg4[%dma_start3A_52, %dma_start3A_53] : memref<32x1024xf32, #tpu.memory_space<vmem>> -> memref<32x1024xf32, #tpu.memory_space<vmem>>
    tpu.enqueue_dma source(%dma_start3A_54 : memref<32x1024xf32, #tpu.memory_space<vmem>>) target(%dma_start3A_51 : memref<32x1024xf32, #tpu.memory_space<hbm>>) target_semaphore(%arg8 : memref<!tpu.dma_semaphore, #tpu.memory_space<semaphore_mem>>)
    %add3A_55 = arith.constant 0 : i32
    %add3A_56 = arith.addi %mul3A_2, %add3A_55 : i32
    %dma_start3A_57 = arith.constant 1 : i32
    %dma_start3A_58 = arith.constant 0 : i32
    %dma_start3A_59 = arith.constant 0 : i32
    %dma_start3A_60 = tpu.memref_slice %arg4[%dma_start3A_58, %dma_start3A_59] : memref<32x1024xf32, #tpu.memory_space<vmem>> -> memref<32x1024xf32, #tpu.memory_space<vmem>>
    %dma_start3A_61 = arith.constant 0 : i32
    %dma_start3A_62 = tpu.memref_slice %arg3[%dma_start3A_57, %add3A_56, %dma_start3A_61] : memref<4x8192x1024xf32, #tpu.memory_space<hbm>> -> memref<1x32x1024xf32, #tpu.memory_space<hbm>>
    %dma_start3A_63 = tpu.memref_squeeze %dma_start3A_62 : memref<1x32x1024xf32, #tpu.memory_space<hbm>> -> memref<32x1024xf32, #tpu.memory_space<hbm>>
    %dma_start3A_64 = arith.constant 0 : i32
    %dma_start3A_65 = tpu.memref_slice %arg3[%dma_start3A_57, %add3A_56, %dma_start3A_64] : memref<4x8192x1024xf32, #tpu.memory_space<hbm>> -> memref<1x32x1024xf32, #tpu.memory_space<hbm>>
    %dma_start3A_66 = tpu.memref_squeeze %dma_start3A_65 : memref<1x32x1024xf32, #tpu.memory_space<hbm>> -> memref<32x1024xf32, #tpu.memory_space<hbm>>
    %dma_start3A_67 = arith.constant 0 : i32
    %dma_start3A_68 = arith.constant 0 : i32
    %dma_start3A_69 = tpu.memref_slice %arg4[%dma_start3A_67, %dma_start3A_68] : memref<32x1024xf32, #tpu.memory_space<vmem>> -> memref<32x1024xf32, #tpu.memory_space<vmem>>
    tpu.enqueue_dma source(%dma_start3A_69 : memref<32x1024xf32, #tpu.memory_space<vmem>>) target(%dma_start3A_66 : memref<32x1024xf32, #tpu.memory_space<hbm>>) target_semaphore(%arg8 : memref<!tpu.dma_semaphore, #tpu.memory_space<semaphore_mem>>)
    %add3A_70 = arith.constant 0 : i32
    %add3A_71 = arith.addi %mul3A_2, %add3A_70 : i32
    %dma_start3A_72 = arith.constant 2 : i32
    %dma_start3A_73 = arith.constant 0 : i32
    %dma_start3A_74 = arith.constant 0 : i32
    %dma_start3A_75 = tpu.memref_slice %arg4[%dma_start3A_73, %dma_start3A_74] : memref<32x1024xf32, #tpu.memory_space<vmem>> -> memref<32x1024xf32, #tpu.memory_space<vmem>>
    %dma_start3A_76 = arith.constant 0 : i32
    %dma_start3A_77 = tpu.memref_slice %arg3[%dma_start3A_72, %add3A_71, %dma_start3A_76] : memref<4x8192x1024xf32, #tpu.memory_space<hbm>> -> memref<1x32x1024xf32, #tpu.memory_space<hbm>>
    %dma_start3A_78 = tpu.memref_squeeze %dma_start3A_77 : memref<1x32x1024xf32, #tpu.memory_space<hbm>> -> memref<32x1024xf32, #tpu.memory_space<hbm>>
    %dma_start3A_79 = arith.constant 0 : i32
    %dma_start3A_80 = tpu.memref_slice %arg3[%dma_start3A_72, %add3A_71, %dma_start3A_79] : memref<4x8192x1024xf32, #tpu.memory_space<hbm>> -> memref<1x32x1024xf32, #tpu.memory_space<hbm>>
    %dma_start3A_81 = tpu.memref_squeeze %dma_start3A_80 : memref<1x32x1024xf32, #tpu.memory_space<hbm>> -> memref<32x1024xf32, #tpu.memory_space<hbm>>
    %dma_start3A_82 = arith.constant 0 : i32
    %dma_start3A_83 = arith.constant 0 : i32
    %dma_start3A_84 = tpu.memref_slice %arg4[%dma_start3A_82, %dma_start3A_83] : memref<32x1024xf32, #tpu.memory_space<vmem>> -> memref<32x1024xf32, #tpu.memory_space<vmem>>
    tpu.enqueue_dma source(%dma_start3A_84 : memref<32x1024xf32, #tpu.memory_space<vmem>>) target(%dma_start3A_81 : memref<32x1024xf32, #tpu.memory_space<hbm>>) target_semaphore(%arg8 : memref<!tpu.dma_semaphore, #tpu.memory_space<semaphore_mem>>)
    %add3A_85 = arith.constant 0 : i32
    %add3A_86 = arith.addi %mul3A_2, %add3A_85 : i32
    %dma_start3A_87 = arith.constant 3 : i32
    %dma_start3A_88 = arith.constant 0 : i32
    %dma_start3A_89 = arith.constant 0 : i32
    %dma_start3A_90 = tpu.memref_slice %arg4[%dma_start3A_88, %dma_start3A_89] : memref<32x1024xf32, #tpu.memory_space<vmem>> -> memref<32x1024xf32, #tpu.memory_space<vmem>>
    %dma_start3A_91 = arith.constant 0 : i32
    %dma_start3A_92 = tpu.memref_slice %arg3[%dma_start3A_87, %add3A_86, %dma_start3A_91] : memref<4x8192x1024xf32, #tpu.memory_space<hbm>> -> memref<1x32x1024xf32, #tpu.memory_space<hbm>>
    %dma_start3A_93 = tpu.memref_squeeze %dma_start3A_92 : memref<1x32x1024xf32, #tpu.memory_space<hbm>> -> memref<32x1024xf32, #tpu.memory_space<hbm>>
    %dma_start3A_94 = arith.constant 0 : i32
    %dma_start3A_95 = tpu.memref_slice %arg3[%dma_start3A_87, %add3A_86, %dma_start3A_94] : memref<4x8192x1024xf32, #tpu.memory_space<hbm>> -> memref<1x32x1024xf32, #tpu.memory_space<hbm>>
    %dma_start3A_96 = tpu.memref_squeeze %dma_start3A_95 : memref<1x32x1024xf32, #tpu.memory_space<hbm>> -> memref<32x1024xf32, #tpu.memory_space<hbm>>
    %dma_start3A_97 = arith.constant 0 : i32
    %dma_start3A_98 = arith.constant 0 : i32
    %dma_start3A_99 = tpu.memref_slice %arg4[%dma_start3A_97, %dma_start3A_98] : memref<32x1024xf32, #tpu.memory_space<vmem>> -> memref<32x1024xf32, #tpu.memory_space<vmem>>
    tpu.enqueue_dma source(%dma_start3A_99 : memref<32x1024xf32, #tpu.memory_space<vmem>>) target(%dma_start3A_96 : memref<32x1024xf32, #tpu.memory_space<hbm>>) target_semaphore(%arg8 : memref<!tpu.dma_semaphore, #tpu.memory_space<semaphore_mem>>)
    %dma_wait3A_100 = arith.constant 0 : i32
    %dma_wait3A_101 = arith.constant 0 : i32
    %dma_wait3A_102 = tpu.memref_slice %arg5[%dma_wait3A_100, %dma_wait3A_101] : memref<32x1024xf32, #tpu.memory_space<vmem>> -> memref<32x1024xf32, #tpu.memory_space<vmem>>
    %dma_wait3A_103 = arith.constant 0 : i32
    %dma_wait3A_104 = tpu.memref_slice %arg2[%add3A_24, %dma_wait3A_103] : memref<8192x1024xf32, #tpu.memory_space<hbm>> -> memref<32x1024xf32, #tpu.memory_space<hbm>>
    %dma_wait3A_105 = arith.constant 0 : i32
    %dma_wait3A_106 = arith.constant 0 : i32
    %dma_wait3A_107 = tpu.memref_slice %arg5[%dma_wait3A_105, %dma_wait3A_106] : memref<32x1024xf32, #tpu.memory_space<vmem>> -> memref<32x1024xf32, #tpu.memory_space<vmem>>
    %dma_wait3A_108 = arith.constant 0 : i32
    %dma_wait3A_109 = tpu.memref_slice %arg2[%add3A_24, %dma_wait3A_108] : memref<8192x1024xf32, #tpu.memory_space<hbm>> -> memref<32x1024xf32, #tpu.memory_space<hbm>>
    tpu.wait_dma2 semaphore(%arg7 : memref<!tpu.dma_semaphore, #tpu.memory_space<semaphore_mem>>) src(%dma_wait3A_109 : memref<32x1024xf32, #tpu.memory_space<hbm>>) dst(%dma_wait3A_107 : memref<32x1024xf32, #tpu.memory_space<vmem>>)
    %dma_wait3A_110 = arith.constant 0 : i32
    %dma_wait3A_111 = arith.constant 0 : i32
    %dma_wait3A_112 = arith.constant 0 : i32
    %dma_wait3A_113 = tpu.memref_slice %arg4[%dma_wait3A_111, %dma_wait3A_112] : memref<32x1024xf32, #tpu.memory_space<vmem>> -> memref<32x1024xf32, #tpu.memory_space<vmem>>
    %dma_wait3A_114 = arith.constant 0 : i32
    %dma_wait3A_115 = tpu.memref_slice %arg3[%dma_wait3A_110, %add3A_41, %dma_wait3A_114] : memref<4x8192x1024xf32, #tpu.memory_space<hbm>> -> memref<1x32x1024xf32, #tpu.memory_space<hbm>>
    %dma_wait3A_116 = tpu.memref_squeeze %dma_wait3A_115 : memref<1x32x1024xf32, #tpu.memory_space<hbm>> -> memref<32x1024xf32, #tpu.memory_space<hbm>>
    %dma_wait3A_117 = arith.constant 0 : i32
    %dma_wait3A_118 = tpu.memref_slice %arg3[%dma_wait3A_110, %add3A_41, %dma_wait3A_117] : memref<4x8192x1024xf32, #tpu.memory_space<hbm>> -> memref<1x32x1024xf32, #tpu.memory_space<hbm>>
    %dma_wait3A_119 = tpu.memref_squeeze %dma_wait3A_118 : memref<1x32x1024xf32, #tpu.memory_space<hbm>> -> memref<32x1024xf32, #tpu.memory_space<hbm>>
    %dma_wait3A_120 = arith.constant 0 : i32
    %dma_wait3A_121 = arith.constant 0 : i32
    %dma_wait3A_122 = tpu.memref_slice %arg4[%dma_wait3A_120, %dma_wait3A_121] : memref<32x1024xf32, #tpu.memory_space<vmem>> -> memref<32x1024xf32, #tpu.memory_space<vmem>>
    tpu.wait_dma2 semaphore(%arg8 : memref<!tpu.dma_semaphore, #tpu.memory_space<semaphore_mem>>) src(%dma_wait3A_122 : memref<32x1024xf32, #tpu.memory_space<vmem>>) dst(%dma_wait3A_119 : memref<32x1024xf32, #tpu.memory_space<hbm>>)
    %dma_wait3A_123 = arith.constant 1 : i32
    %dma_wait3A_124 = arith.constant 0 : i32
    %dma_wait3A_125 = arith.constant 0 : i32
    %dma_wait3A_126 = tpu.memref_slice %arg4[%dma_wait3A_124, %dma_wait3A_125] : memref<32x1024xf32, #tpu.memory_space<vmem>> -> memref<32x1024xf32, #tpu.memory_space<vmem>>
    %dma_wait3A_127 = arith.constant 0 : i32
    %dma_wait3A_128 = tpu.memref_slice %arg3[%dma_wait3A_123, %add3A_56, %dma_wait3A_127] : memref<4x8192x1024xf32, #tpu.memory_space<hbm>> -> memref<1x32x1024xf32, #tpu.memory_space<hbm>>
    %dma_wait3A_129 = tpu.memref_squeeze %dma_wait3A_128 : memref<1x32x1024xf32, #tpu.memory_space<hbm>> -> memref<32x1024xf32, #tpu.memory_space<hbm>>
    %dma_wait3A_130 = arith.constant 0 : i32
    %dma_wait3A_131 = tpu.memref_slice %arg3[%dma_wait3A_123, %add3A_56, %dma_wait3A_130] : memref<4x8192x1024xf32, #tpu.memory_space<hbm>> -> memref<1x32x1024xf32, #tpu.memory_space<hbm>>
    %dma_wait3A_132 = tpu.memref_squeeze %dma_wait3A_131 : memref<1x32x1024xf32, #tpu.memory_space<hbm>> -> memref<32x1024xf32, #tpu.memory_space<hbm>>
    %dma_wait3A_133 = arith.constant 0 : i32
    %dma_wait3A_134 = arith.constant 0 : i32
    %dma_wait3A_135 = tpu.memref_slice %arg4[%dma_wait3A_133, %dma_wait3A_134] : memref<32x1024xf32, #tpu.memory_space<vmem>> -> memref<32x1024xf32, #tpu.memory_space<vmem>>
    tpu.wait_dma2 semaphore(%arg8 : memref<!tpu.dma_semaphore, #tpu.memory_space<semaphore_mem>>) src(%dma_wait3A_135 : memref<32x1024xf32, #tpu.memory_space<vmem>>) dst(%dma_wait3A_132 : memref<32x1024xf32, #tpu.memory_space<hbm>>)
    %dma_wait3A_136 = arith.constant 2 : i32
    %dma_wait3A_137 = arith.constant 0 : i32
    %dma_wait3A_138 = arith.constant 0 : i32
    %dma_wait3A_139 = tpu.memref_slice %arg4[%dma_wait3A_137, %dma_wait3A_138] : memref<32x1024xf32, #tpu.memory_space<vmem>> -> memref<32x1024xf32, #tpu.memory_space<vmem>>
    %dma_wait3A_140 = arith.constant 0 : i32
    %dma_wait3A_141 = tpu.memref_slice %arg3[%dma_wait3A_136, %add3A_71, %dma_wait3A_140] : memref<4x8192x1024xf32, #tpu.memory_space<hbm>> -> memref<1x32x1024xf32, #tpu.memory_space<hbm>>
    %dma_wait3A_142 = tpu.memref_squeeze %dma_wait3A_141 : memref<1x32x1024xf32, #tpu.memory_space<hbm>> -> memref<32x1024xf32, #tpu.memory_space<hbm>>
    %dma_wait3A_143 = arith.constant 0 : i32
    %dma_wait3A_144 = tpu.memref_slice %arg3[%dma_wait3A_136, %add3A_71, %dma_wait3A_143] : memref<4x8192x1024xf32, #tpu.memory_space<hbm>> -> memref<1x32x1024xf32, #tpu.memory_space<hbm>>
    %dma_wait3A_145 = tpu.memref_squeeze %dma_wait3A_144 : memref<1x32x1024xf32, #tpu.memory_space<hbm>> -> memref<32x1024xf32, #tpu.memory_space<hbm>>
    %dma_wait3A_146 = arith.constant 0 : i32
    %dma_wait3A_147 = arith.constant 0 : i32
    %dma_wait3A_148 = tpu.memref_slice %arg4[%dma_wait3A_146, %dma_wait3A_147] : memref<32x1024xf32, #tpu.memory_space<vmem>> -> memref<32x1024xf32, #tpu.memory_space<vmem>>
    tpu.wait_dma2 semaphore(%arg8 : memref<!tpu.dma_semaphore, #tpu.memory_space<semaphore_mem>>) src(%dma_wait3A_148 : memref<32x1024xf32, #tpu.memory_space<vmem>>) dst(%dma_wait3A_145 : memref<32x1024xf32, #tpu.memory_space<hbm>>)
    %dma_wait3A_149 = arith.constant 3 : i32
    %dma_wait3A_150 = arith.constant 0 : i32
    %dma_wait3A_151 = arith.constant 0 : i32
    %dma_wait3A_152 = tpu.memref_slice %arg4[%dma_wait3A_150, %dma_wait3A_151] : memref<32x1024xf32, #tpu.memory_space<vmem>> -> memref<32x1024xf32, #tpu.memory_space<vmem>>
    %dma_wait3A_153 = arith.constant 0 : i32
    %dma_wait3A_154 = tpu.memref_slice %arg3[%dma_wait3A_149, %add3A_86, %dma_wait3A_153] : memref<4x8192x1024xf32, #tpu.memory_space<hbm>> -> memref<1x32x1024xf32, #tpu.memory_space<hbm>>
    %dma_wait3A_155 = tpu.memref_squeeze %dma_wait3A_154 : memref<1x32x1024xf32, #tpu.memory_space<hbm>> -> memref<32x1024xf32, #tpu.memory_space<hbm>>
    %dma_wait3A_156 = arith.constant 0 : i32
    %dma_wait3A_157 = tpu.memref_slice %arg3[%dma_wait3A_149, %add3A_86, %dma_wait3A_156] : memref<4x8192x1024xf32, #tpu.memory_space<hbm>> -> memref<1x32x1024xf32, #tpu.memory_space<hbm>>
    %dma_wait3A_158 = tpu.memref_squeeze %dma_wait3A_157 : memref<1x32x1024xf32, #tpu.memory_space<hbm>> -> memref<32x1024xf32, #tpu.memory_space<hbm>>
    %dma_wait3A_159 = arith.constant 0 : i32
    %dma_wait3A_160 = arith.constant 0 : i32
    %dma_wait3A_161 = tpu.memref_slice %arg4[%dma_wait3A_159, %dma_wait3A_160] : memref<32x1024xf32, #tpu.memory_space<vmem>> -> memref<32x1024xf32, #tpu.memory_space<vmem>>
    tpu.wait_dma2 semaphore(%arg8 : memref<!tpu.dma_semaphore, #tpu.memory_space<semaphore_mem>>) src(%dma_wait3A_161 : memref<32x1024xf32, #tpu.memory_space<vmem>>) dst(%dma_wait3A_158 : memref<32x1024xf32, #tpu.memory_space<hbm>>)
    %add3A_162 = arith.constant 64 : i32
    %add3A_163 = arith.addi %mul3A_2, %add3A_162 : i32
    %dma_start3A_164 = arith.constant 0 : i32
    %dma_start3A_165 = arith.constant 0 : i32
    %dma_start3A_166 = tpu.memref_slice %arg4[%dma_start3A_164, %dma_start3A_165] : memref<32x1024xf32, #tpu.memory_space<vmem>> -> memref<32x1024xf32, #tpu.memory_space<vmem>>
    %dma_start3A_167 = arith.constant 0 : i32
    %dma_start3A_168 = tpu.memref_slice %arg2[%add3A_163, %dma_start3A_167] : memref<8192x1024xf32, #tpu.memory_space<hbm>> -> memref<32x1024xf32, #tpu.memory_space<hbm>>
    %dma_start3A_169 = arith.constant 0 : i32
    %dma_start3A_170 = arith.constant 0 : i32
    %dma_start3A_171 = tpu.memref_slice %arg4[%dma_start3A_169, %dma_start3A_170] : memref<32x1024xf32, #tpu.memory_space<vmem>> -> memref<32x1024xf32, #tpu.memory_space<vmem>>
    %dma_start3A_172 = arith.constant 0 : i32
    %dma_start3A_173 = tpu.memref_slice %arg2[%add3A_163, %dma_start3A_172] : memref<8192x1024xf32, #tpu.memory_space<hbm>> -> memref<32x1024xf32, #tpu.memory_space<hbm>>
    tpu.enqueue_dma source(%dma_start3A_173 : memref<32x1024xf32, #tpu.memory_space<hbm>>) target(%dma_start3A_171 : memref<32x1024xf32, #tpu.memory_space<vmem>>) target_semaphore(%arg6 : memref<!tpu.dma_semaphore, #tpu.memory_space<semaphore_mem>>)
    %scan3A_174 = arith.constant 0 : i32
    %scan3A_175 = arith.constant 0 : i32
    %scan3A_176 = arith.constant 32 : i32
    %scan3A_177 = arith.addi %scan3A_175, %scan3A_176 : i32
    %scan3A_178 = arith.constant 1 : i32
    scf.for %scan3A_1120 = %scan3A_175 to %scan3A_177 step %scan3A_178  : i32 {
      %scan3A_1121 = arith.constant 0 : i32
      %scan3A_1122 = arith.constant 64 : i32
      %scan3A_1123 = arith.addi %scan3A_1121, %scan3A_1122 : i32
      %scan3A_1124 = arith.constant 8 : i32
      scf.for %scan3A_1126 = %scan3A_1121 to %scan3A_1123 step %scan3A_1124  : i32 {
        %mul3A_1127 = arith.constant 16 : i32
        %mul3A_1128 = arith.muli %scan3A_1126, %mul3A_1127 : i32
        %get3A = arith.index_cast %scan3A_1120 : i32 to index
        %get3A_1129 = arith.index_cast %mul3A_1128 : i32 to index
        %get3A_1130 = tpu.vector_load %arg5[%get3A, %get3A_1129] {strides = array<i32>} : memref<32x1024xf32, #tpu.memory_space<vmem>>, vector<1x16xf32>,
        %get3A_1131 = vector.shape_cast %get3A_1130 : vector<1x16xf32> to vector<16xf32>
        %mul3A_1132 = arith.constant 3.125000e-02 : f32
        %mul3A_1133 = vector.broadcast %mul3A_1132 : f32 to vector<16xf32>
        %mul3A_1134 = arith.mulf %get3A_1131, %mul3A_1133 : vector<16xf32>
        %swap3A = arith.index_cast %scan3A_1120 : i32 to index
        %swap3A_1135 = arith.index_cast %mul3A_1128 : i32 to index
        %swap3A_1136 = tpu.vector_load %arg5[%swap3A, %swap3A_1135] {strides = array<i32>} : memref<32x1024xf32, #tpu.memory_space<vmem>>, vector<1x16xf32>,
        %swap3A_1137 = vector.shape_cast %swap3A_1136 : vector<1x16xf32> to vector<16xf32>
        %swap3A_1138 = vector.shape_cast %mul3A_1134 : vector<16xf32> to vector<1x16xf32>
        tpu.vector_store %arg5[%swap3A, %swap3A_1135], %swap3A_1138 {strides = array<i32>} : memref<32x1024xf32, #tpu.memory_space<vmem>>, vector<1x16xf32>,
        %scan3A_1139 = arith.constant 1 : i32
        %scan3A_1140 = arith.addi %scan3A_1126, %scan3A_1139 : i32
        %mul3A_1141 = arith.constant 16 : i32
        %mul3A_1142 = arith.muli %scan3A_1140, %mul3A_1141 : i32
        %get3A_1143 = arith.index_cast %scan3A_1120 : i32 to index
        %get3A_1144 = arith.index_cast %mul3A_1142 : i32 to index
        %get3A_1145 = tpu.vector_load %arg5[%get3A_1143, %get3A_1144] {strides = array<i32>} : memref<32x1024xf32, #tpu.memory_space<vmem>>, vector<1x16xf32>,
        %get3A_1146 = vector.shape_cast %get3A_1145 : vector<1x16xf32> to vector<16xf32>
        %mul3A_1147 = arith.constant 3.125000e-02 : f32
        %mul3A_1148 = vector.broadcast %mul3A_1147 : f32 to vector<16xf32>
        %mul3A_1149 = arith.mulf %get3A_1146, %mul3A_1148 : vector<16xf32>
        %swap3A_1150 = arith.index_cast %scan3A_1120 : i32 to index
        %swap3A_1151 = arith.index_cast %mul3A_1142 : i32 to index
        %swap3A_1152 = tpu.vector_load %arg5[%swap3A_1150, %swap3A_1151] {strides = array<i32>} : memref<32x1024xf32, #tpu.memory_space<vmem>>, vector<1x16xf32>,
        %swap3A_1153 = vector.shape_cast %swap3A_1152 : vector<1x16xf32> to vector<16xf32>
        %swap3A_1154 = vector.shape_cast %mul3A_1149 : vector<16xf32> to vector<1x16xf32>
        tpu.vector_store %arg5[%swap3A_1150, %swap3A_1151], %swap3A_1154 {strides = array<i32>} : memref<32x1024xf32, #tpu.memory_space<vmem>>, vector<1x16xf32>,
        %scan3A_1155 = arith.constant 2 : i32
        %scan3A_1156 = arith.addi %scan3A_1126, %scan3A_1155 : i32
        %mul3A_1157 = arith.constant 16 : i32
        %mul3A_1158 = arith.muli %scan3A_1156, %mul3A_1157 : i32
        %get3A_1159 = arith.index_cast %scan3A_1120 : i32 to index
        %get3A_1160 = arith.index_cast %mul3A_1158 : i32 to index
        %get3A_1161 = tpu.vector_load %arg5[%get3A_1159, %get3A_1160] {strides = array<i32>} : memref<32x1024xf32, #tpu.memory_space<vmem>>, vector<1x16xf32>,
        %get3A_1162 = vector.shape_cast %get3A_1161 : vector<1x16xf32> to vector<16xf32>
        %mul3A_1163 = arith.constant 3.125000e-02 : f32
        %mul3A_1164 = vector.broadcast %mul3A_1163 : f32 to vector<16xf32>
        %mul3A_1165 = arith.mulf %get3A_1162, %mul3A_1164 : vector<16xf32>
        %swap3A_1166 = arith.index_cast %scan3A_1120 : i32 to index
        %swap3A_1167 = arith.index_cast %mul3A_1158 : i32 to index
        %swap3A_1168 = tpu.vector_load %arg5[%swap3A_1166, %swap3A_1167] {strides = array<i32>} : memref<32x1024xf32, #tpu.memory_space<vmem>>, vector<1x16xf32>,
        %swap3A_1169 = vector.shape_cast %swap3A_1168 : vector<1x16xf32> to vector<16xf32>
        %swap3A_1170 = vector.shape_cast %mul3A_1165 : vector<16xf32> to vector<1x16xf32>
        tpu.vector_store %arg5[%swap3A_1166, %swap3A_1167], %swap3A_1170 {strides = array<i32>} : memref<32x1024xf32, #tpu.memory_space<vmem>>, vector<1x16xf32>,
        %scan3A_1171 = arith.constant 3 : i32
        %scan3A_1172 = arith.addi %scan3A_1126, %scan3A_1171 : i32
        %mul3A_1173 = arith.constant 16 : i32
        %mul3A_1174 = arith.muli %scan3A_1172, %mul3A_1173 : i32
        %get3A_1175 = arith.index_cast %scan3A_1120 : i32 to index
        %get3A_1176 = arith.index_cast %mul3A_1174 : i32 to index
        %get3A_1177 = tpu.vector_load %arg5[%get3A_1175, %get3A_1176] {strides = array<i32>} : memref<32x1024xf32, #tpu.memory_space<vmem>>, vector<1x16xf32>,
        %get3A_1178 = vector.shape_cast %get3A_1177 : vector<1x16xf32> to vector<16xf32>
        %mul3A_1179 = arith.constant 3.125000e-02 : f32
        %mul3A_1180 = vector.broadcast %mul3A_1179 : f32 to vector<16xf32>
        %mul3A_1181 = arith.mulf %get3A_1178, %mul3A_1180 : vector<16xf32>
        %swap3A_1182 = arith.index_cast %scan3A_1120 : i32 to index
        %swap3A_1183 = arith.index_cast %mul3A_1174 : i32 to index
        %swap3A_1184 = tpu.vector_load %arg5[%swap3A_1182, %swap3A_1183] {strides = array<i32>} : memref<32x1024xf32, #tpu.memory_space<vmem>>, vector<1x16xf32>,
        %swap3A_1185 = vector.shape_cast %swap3A_1184 : vector<1x16xf32> to vector<16xf32>
        %swap3A_1186 = vector.shape_cast %mul3A_1181 : vector<16xf32> to vector<1x16xf32>
        tpu.vector_store %arg5[%swap3A_1182, %swap3A_1183], %swap3A_1186 {strides = array<i32>} : memref<32x1024xf32, #tpu.memory_space<vmem>>, vector<1x16xf32>,
        %scan3A_1187 = arith.constant 4 : i32
        %scan3A_1188 = arith.addi %scan3A_1126, %scan3A_1187 : i32
        %mul3A_1189 = arith.constant 16 : i32
        %mul3A_1190 = arith.muli %scan3A_1188, %mul3A_1189 : i32
        %get3A_1191 = arith.index_cast %scan3A_1120 : i32 to index
        %get3A_1192 = arith.index_cast %mul3A_1190 : i32 to index
        %get3A_1193 = tpu.vector_load %arg5[%get3A_1191, %get3A_1192] {strides = array<i32>} : memref<32x1024xf32, #tpu.memory_space<vmem>>, vector<1x16xf32>,
        %get3A_1194 = vector.shape_cast %get3A_1193 : vector<1x16xf32> to vector<16xf32>
        %mul3A_1195 = arith.constant 3.125000e-02 : f32
        %mul3A_1196 = vector.broadcast %mul3A_1195 : f32 to vector<16xf32>
        %mul3A_1197 = arith.mulf %get3A_1194, %mul3A_1196 : vector<16xf32>
        %swap3A_1198 = arith.index_cast %scan3A_1120 : i32 to index
        %swap3A_1199 = arith.index_cast %mul3A_1190 : i32 to index
        %swap3A_1200 = tpu.vector_load %arg5[%swap3A_1198, %swap3A_1199] {strides = array<i32>} : memref<32x1024xf32, #tpu.memory_space<vmem>>, vector<1x16xf32>,
        %swap3A_1201 = vector.shape_cast %swap3A_1200 : vector<1x16xf32> to vector<16xf32>
        %swap3A_1202 = vector.shape_cast %mul3A_1197 : vector<16xf32> to vector<1x16xf32>
        tpu.vector_store %arg5[%swap3A_1198, %swap3A_1199], %swap3A_1202 {strides = array<i32>} : memref<32x1024xf32, #tpu.memory_space<vmem>>, vector<1x16xf32>,
        %scan3A_1203 = arith.constant 5 : i32
        %scan3A_1204 = arith.addi %scan3A_1126, %scan3A_1203 : i32
        %mul3A_1205 = arith.constant 16 : i32
        %mul3A_1206 = arith.muli %scan3A_1204, %mul3A_1205 : i32
        %get3A_1207 = arith.index_cast %scan3A_1120 : i32 to index
        %get3A_1208 = arith.index_cast %mul3A_1206 : i32 to index
        %get3A_1209 = tpu.vector_load %arg5[%get3A_1207, %get3A_1208] {strides = array<i32>} : memref<32x1024xf32, #tpu.memory_space<vmem>>, vector<1x16xf32>,
        %get3A_1210 = vector.shape_cast %get3A_1209 : vector<1x16xf32> to vector<16xf32>
        %mul3A_1211 = arith.constant 3.125000e-02 : f32
        %mul3A_1212 = vector.broadcast %mul3A_1211 : f32 to vector<16xf32>
        %mul3A_1213 = arith.mulf %get3A_1210, %mul3A_1212 : vector<16xf32>
        %swap3A_1214 = arith.index_cast %scan3A_1120 : i32 to index
        %swap3A_1215 = arith.index_cast %mul3A_1206 : i32 to index
        %swap3A_1216 = tpu.vector_load %arg5[%swap3A_1214, %swap3A_1215] {strides = array<i32>} : memref<32x1024xf32, #tpu.memory_space<vmem>>, vector<1x16xf32>,
        %swap3A_1217 = vector.shape_cast %swap3A_1216 : vector<1x16xf32> to vector<16xf32>
        %swap3A_1218 = vector.shape_cast %mul3A_1213 : vector<16xf32> to vector<1x16xf32>
        tpu.vector_store %arg5[%swap3A_1214, %swap3A_1215], %swap3A_1218 {strides = array<i32>} : memref<32x1024xf32, #tpu.memory_space<vmem>>, vector<1x16xf32>,
        %scan3A_1219 = arith.constant 6 : i32
        %scan3A_1220 = arith.addi %scan3A_1126, %scan3A_1219 : i32
        %mul3A_1221 = arith.constant 16 : i32
        %mul3A_1222 = arith.muli %scan3A_1220, %mul3A_1221 : i32
        %get3A_1223 = arith.index_cast %scan3A_1120 : i32 to index
        %get3A_1224 = arith.index_cast %mul3A_1222 : i32 to index
        %get3A_1225 = tpu.vector_load %arg5[%get3A_1223, %get3A_1224] {strides = array<i32>} : memref<32x1024xf32, #tpu.memory_space<vmem>>, vector<1x16xf32>,
        %get3A_1226 = vector.shape_cast %get3A_1225 : vector<1x16xf32> to vector<16xf32>
        %mul3A_1227 = arith.constant 3.125000e-02 : f32
        %mul3A_1228 = vector.broadcast %mul3A_1227 : f32 to vector<16xf32>
        %mul3A_1229 = arith.mulf %get3A_1226, %mul3A_1228 : vector<16xf32>
        %swap3A_1230 = arith.index_cast %scan3A_1120 : i32 to index
        %swap3A_1231 = arith.index_cast %mul3A_1222 : i32 to index
        %swap3A_1232 = tpu.vector_load %arg5[%swap3A_1230, %swap3A_1231] {strides = array<i32>} : memref<32x1024xf32, #tpu.memory_space<vmem>>, vector<1x16xf32>,
        %swap3A_1233 = vector.shape_cast %swap3A_1232 : vector<1x16xf32> to vector<16xf32>
        %swap3A_1234 = vector.shape_cast %mul3A_1229 : vector<16xf32> to vector<1x16xf32>
        tpu.vector_store %arg5[%swap3A_1230, %swap3A_1231], %swap3A_1234 {strides = array<i32>} : memref<32x1024xf32, #tpu.memory_space<vmem>>, vector<1x16xf32>,
        %scan3A_1235 = arith.constant 7 : i32
        %scan3A_1236 = arith.addi %scan3A_1126, %scan3A_1235 : i32
        %mul3A_1237 = arith.constant 16 : i32
        %mul3A_1238 = arith.muli %scan3A_1236, %mul3A_1237 : i32
        %get3A_1239 = arith.index_cast %scan3A_1120 : i32 to index
        %get3A_1240 = arith.index_cast %mul3A_1238 : i32 to index
        %get3A_1241 = tpu.vector_load %arg5[%get3A_1239, %get3A_1240] {strides = array<i32>} : memref<32x1024xf32, #tpu.memory_space<vmem>>, vector<1x16xf32>,
        %get3A_1242 = vector.shape_cast %get3A_1241 : vector<1x16xf32> to vector<16xf32>
        %mul3A_1243 = arith.constant 3.125000e-02 : f32
        %mul3A_1244 = vector.broadcast %mul3A_1243 : f32 to vector<16xf32>
        %mul3A_1245 = arith.mulf %get3A_1242, %mul3A_1244 : vector<16xf32>
        %swap3A_1246 = arith.index_cast %scan3A_1120 : i32 to index
        %swap3A_1247 = arith.index_cast %mul3A_1238 : i32 to index
        %swap3A_1248 = tpu.vector_load %arg5[%swap3A_1246, %swap3A_1247] {strides = array<i32>} : memref<32x1024xf32, #tpu.memory_space<vmem>>, vector<1x16xf32>,
        %swap3A_1249 = vector.shape_cast %swap3A_1248 : vector<1x16xf32> to vector<16xf32>
        %swap3A_1250 = vector.shape_cast %mul3A_1245 : vector<16xf32> to vector<1x16xf32>
        tpu.vector_store %arg5[%swap3A_1246, %swap3A_1247], %swap3A_1250 {strides = array<i32>} : memref<32x1024xf32, #tpu.memory_space<vmem>>, vector<1x16xf32>,
      }
      %scan3A_1125 = arith.constant 64 : i32
    }
    %scan3A_179 = arith.constant 32 : i32
    %add3A_180 = arith.constant 32 : i32
    %add3A_181 = arith.addi %mul3A_2, %add3A_180 : i32
    %dma_start3A_182 = arith.constant 0 : i32
    %dma_start3A_183 = arith.constant 0 : i32
    %dma_start3A_184 = arith.constant 0 : i32
    %dma_start3A_185 = tpu.memref_slice %arg5[%dma_start3A_183, %dma_start3A_184] : memref<32x1024xf32, #tpu.memory_space<vmem>> -> memref<32x1024xf32, #tpu.memory_space<vmem>>
    %dma_start3A_186 = arith.constant 0 : i32
    %dma_start3A_187 = tpu.memref_slice %arg3[%dma_start3A_182, %add3A_181, %dma_start3A_186] : memref<4x8192x1024xf32, #tpu.memory_space<hbm>> -> memref<1x32x1024xf32, #tpu.memory_space<hbm>>
    %dma_start3A_188 = tpu.memref_squeeze %dma_start3A_187 : memref<1x32x1024xf32, #tpu.memory_space<hbm>> -> memref<32x1024xf32, #tpu.memory_space<hbm>>
    %dma_start3A_189 = arith.constant 0 : i32
    %dma_start3A_190 = tpu.memref_slice %arg3[%dma_start3A_182, %add3A_181, %dma_start3A_189] : memref<4x8192x1024xf32, #tpu.memory_space<hbm>> -> memref<1x32x1024xf32, #tpu.memory_space<hbm>>
    %dma_start3A_191 = tpu.memref_squeeze %dma_start3A_190 : memref<1x32x1024xf32, #tpu.memory_space<hbm>> -> memref<32x1024xf32, #tpu.memory_space<hbm>>
    %dma_start3A_192 = arith.constant 0 : i32
    %dma_start3A_193 = arith.constant 0 : i32
    %dma_start3A_194 = tpu.memref_slice %arg5[%dma_start3A_192, %dma_start3A_193] : memref<32x1024xf32, #tpu.memory_space<vmem>> -> memref<32x1024xf32, #tpu.memory_space<vmem>>
    tpu.enqueue_dma source(%dma_start3A_194 : memref<32x1024xf32, #tpu.memory_space<vmem>>) target(%dma_start3A_191 : memref<32x1024xf32, #tpu.memory_space<hbm>>) target_semaphore(%arg9 : memref<!tpu.dma_semaphore, #tpu.memory_space<semaphore_mem>>)
    %add3A_195 = arith.constant 32 : i32
    %add3A_196 = arith.addi %mul3A_2, %add3A_195 : i32
    %dma_start3A_197 = arith.constant 1 : i32
    %dma_start3A_198 = arith.constant 0 : i32
    %dma_start3A_199 = arith.constant 0 : i32
    %dma_start3A_200 = tpu.memref_slice %arg5[%dma_start3A_198, %dma_start3A_199] : memref<32x1024xf32, #tpu.memory_space<vmem>> -> memref<32x1024xf32, #tpu.memory_space<vmem>>
    %dma_start3A_201 = arith.constant 0 : i32
    %dma_start3A_202 = tpu.memref_slice %arg3[%dma_start3A_197, %add3A_196, %dma_start3A_201] : memref<4x8192x1024xf32, #tpu.memory_space<hbm>> -> memref<1x32x1024xf32, #tpu.memory_space<hbm>>
    %dma_start3A_203 = tpu.memref_squeeze %dma_start3A_202 : memref<1x32x1024xf32, #tpu.memory_space<hbm>> -> memref<32x1024xf32, #tpu.memory_space<hbm>>
    %dma_start3A_204 = arith.constant 0 : i32
    %dma_start3A_205 = tpu.memref_slice %arg3[%dma_start3A_197, %add3A_196, %dma_start3A_204] : memref<4x8192x1024xf32, #tpu.memory_space<hbm>> -> memref<1x32x1024xf32, #tpu.memory_space<hbm>>
    %dma_start3A_206 = tpu.memref_squeeze %dma_start3A_205 : memref<1x32x1024xf32, #tpu.memory_space<hbm>> -> memref<32x1024xf32, #tpu.memory_space<hbm>>
    %dma_start3A_207 = arith.constant 0 : i32
    %dma_start3A_208 = arith.constant 0 : i32
    %dma_start3A_209 = tpu.memref_slice %arg5[%dma_start3A_207, %dma_start3A_208] : memref<32x1024xf32, #tpu.memory_space<vmem>> -> memref<32x1024xf32, #tpu.memory_space<vmem>>
    tpu.enqueue_dma source(%dma_start3A_209 : memref<32x1024xf32, #tpu.memory_space<vmem>>) target(%dma_start3A_206 : memref<32x1024xf32, #tpu.memory_space<hbm>>) target_semaphore(%arg9 : memref<!tpu.dma_semaphore, #tpu.memory_space<semaphore_mem>>)
    %add3A_210 = arith.constant 32 : i32
    %add3A_211 = arith.addi %mul3A_2, %add3A_210 : i32
    %dma_start3A_212 = arith.constant 2 : i32
    %dma_start3A_213 = arith.constant 0 : i32
    %dma_start3A_214 = arith.constant 0 : i32
    %dma_start3A_215 = tpu.memref_slice %arg5[%dma_start3A_213, %dma_start3A_214] : memref<32x1024xf32, #tpu.memory_space<vmem>> -> memref<32x1024xf32, #tpu.memory_space<vmem>>
    %dma_start3A_216 = arith.constant 0 : i32
    %dma_start3A_217 = tpu.memref_slice %arg3[%dma_start3A_212, %add3A_211, %dma_start3A_216] : memref<4x8192x1024xf32, #tpu.memory_space<hbm>> -> memref<1x32x1024xf32, #tpu.memory_space<hbm>>
    %dma_start3A_218 = tpu.memref_squeeze %dma_start3A_217 : memref<1x32x1024xf32, #tpu.memory_space<hbm>> -> memref<32x1024xf32, #tpu.memory_space<hbm>>
    %dma_start3A_219 = arith.constant 0 : i32
    %dma_start3A_220 = tpu.memref_slice %arg3[%dma_start3A_212, %add3A_211, %dma_start3A_219] : memref<4x8192x1024xf32, #tpu.memory_space<hbm>> -> memref<1x32x1024xf32, #tpu.memory_space<hbm>>
    %dma_start3A_221 = tpu.memref_squeeze %dma_start3A_220 : memref<1x32x1024xf32, #tpu.memory_space<hbm>> -> memref<32x1024xf32, #tpu.memory_space<hbm>>
    %dma_start3A_222 = arith.constant 0 : i32
    %dma_start3A_223 = arith.constant 0 : i32
    %dma_start3A_224 = tpu.memref_slice %arg5[%dma_start3A_222, %dma_start3A_223] : memref<32x1024xf32, #tpu.memory_space<vmem>> -> memref<32x1024xf32, #tpu.memory_space<vmem>>
    tpu.enqueue_dma source(%dma_start3A_224 : memref<32x1024xf32, #tpu.memory_space<vmem>>) target(%dma_start3A_221 : memref<32x1024xf32, #tpu.memory_space<hbm>>) target_semaphore(%arg9 : memref<!tpu.dma_semaphore, #tpu.memory_space<semaphore_mem>>)
    %add3A_225 = arith.constant 32 : i32
    %add3A_226 = arith.addi %mul3A_2, %add3A_225 : i32
    %dma_start3A_227 = arith.constant 3 : i32
    %dma_start3A_228 = arith.constant 0 : i32
    %dma_start3A_229 = arith.constant 0 : i32
    %dma_start3A_230 = tpu.memref_slice %arg5[%dma_start3A_228, %dma_start3A_229] : memref<32x1024xf32, #tpu.memory_space<vmem>> -> memref<32x1024xf32, #tpu.memory_space<vmem>>
    %dma_start3A_231 = arith.constant 0 : i32
    %dma_start3A_232 = tpu.memref_slice %arg3[%dma_start3A_227, %add3A_226, %dma_start3A_231] : memref<4x8192x1024xf32, #tpu.memory_space<hbm>> -> memref<1x32x1024xf32, #tpu.memory_space<hbm>>
    %dma_start3A_233 = tpu.memref_squeeze %dma_start3A_232 : memref<1x32x1024xf32, #tpu.memory_space<hbm>> -> memref<32x1024xf32, #tpu.memory_space<hbm>>
    %dma_start3A_234 = arith.constant 0 : i32
    %dma_start3A_235 = tpu.memref_slice %arg3[%dma_start3A_227, %add3A_226, %dma_start3A_234] : memref<4x8192x1024xf32, #tpu.memory_space<hbm>> -> memref<1x32x1024xf32, #tpu.memory_space<hbm>>
    %dma_start3A_236 = tpu.memref_squeeze %dma_start3A_235 : memref<1x32x1024xf32, #tpu.memory_space<hbm>> -> memref<32x1024xf32, #tpu.memory_space<hbm>>
    %dma_start3A_237 = arith.constant 0 : i32
    %dma_start3A_238 = arith.constant 0 : i32
    %dma_start3A_239 = tpu.memref_slice %arg5[%dma_start3A_237, %dma_start3A_238] : memref<32x1024xf32, #tpu.memory_space<vmem>> -> memref<32x1024xf32, #tpu.memory_space<vmem>>
    tpu.enqueue_dma source(%dma_start3A_239 : memref<32x1024xf32, #tpu.memory_space<vmem>>) target(%dma_start3A_236 : memref<32x1024xf32, #tpu.memory_space<hbm>>) target_semaphore(%arg9 : memref<!tpu.dma_semaphore, #tpu.memory_space<semaphore_mem>>)
    %dma_wait3A_240 = arith.constant 0 : i32
    %dma_wait3A_241 = arith.constant 0 : i32
    %dma_wait3A_242 = tpu.memref_slice %arg4[%dma_wait3A_240, %dma_wait3A_241] : memref<32x1024xf32, #tpu.memory_space<vmem>> -> memref<32x1024xf32, #tpu.memory_space<vmem>>
    %dma_wait3A_243 = arith.constant 0 : i32
    %dma_wait3A_244 = tpu.memref_slice %arg2[%add3A_163, %dma_wait3A_243] : memref<8192x1024xf32, #tpu.memory_space<hbm>> -> memref<32x1024xf32, #tpu.memory_space<hbm>>
    %dma_wait3A_245 = arith.constant 0 : i32
    %dma_wait3A_246 = arith.constant 0 : i32
    %dma_wait3A_247 = tpu.memref_slice %arg4[%dma_wait3A_245, %dma_wait3A_246] : memref<32x1024xf32, #tpu.memory_space<vmem>> -> memref<32x1024xf32, #tpu.memory_space<vmem>>
    %dma_wait3A_248 = arith.constant 0 : i32
    %dma_wait3A_249 = tpu.memref_slice %arg2[%add3A_163, %dma_wait3A_248] : memref<8192x1024xf32, #tpu.memory_space<hbm>> -> memref<32x1024xf32, #tpu.memory_space<hbm>>
    tpu.wait_dma2 semaphore(%arg6 : memref<!tpu.dma_semaphore, #tpu.memory_space<semaphore_mem>>) src(%dma_wait3A_249 : memref<32x1024xf32, #tpu.memory_space<hbm>>) dst(%dma_wait3A_247 : memref<32x1024xf32, #tpu.memory_space<vmem>>)
    %dma_wait3A_250 = arith.constant 0 : i32
    %dma_wait3A_251 = arith.constant 0 : i32
    %dma_wait3A_252 = arith.constant 0 : i32
    %dma_wait3A_253 = tpu.memref_slice %arg5[%dma_wait3A_251, %dma_wait3A_252] : memref<32x1024xf32, #tpu.memory_space<vmem>> -> memref<32x1024xf32, #tpu.memory_space<vmem>>
    %dma_wait3A_254 = arith.constant 0 : i32
    %dma_wait3A_255 = tpu.memref_slice %arg3[%dma_wait3A_250, %add3A_181, %dma_wait3A_254] : memref<4x8192x1024xf32, #tpu.memory_space<hbm>> -> memref<1x32x1024xf32, #tpu.memory_space<hbm>>
    %dma_wait3A_256 = tpu.memref_squeeze %dma_wait3A_255 : memref<1x32x1024xf32, #tpu.memory_space<hbm>> -> memref<32x1024xf32, #tpu.memory_space<hbm>>
    %dma_wait3A_257 = arith.constant 0 : i32
    %dma_wait3A_258 = tpu.memref_slice %arg3[%dma_wait3A_250, %add3A_181, %dma_wait3A_257] : memref<4x8192x1024xf32, #tpu.memory_space<hbm>> -> memref<1x32x1024xf32, #tpu.memory_space<hbm>>
    %dma_wait3A_259 = tpu.memref_squeeze %dma_wait3A_258 : memref<1x32x1024xf32, #tpu.memory_space<hbm>> -> memref<32x1024xf32, #tpu.memory_space<hbm>>
    %dma_wait3A_260 = arith.constant 0 : i32
    %dma_wait3A_261 = arith.constant 0 : i32
    %dma_wait3A_262 = tpu.memref_slice %arg5[%dma_wait3A_260, %dma_wait3A_261] : memref<32x1024xf32, #tpu.memory_space<vmem>> -> memref<32x1024xf32, #tpu.memory_space<vmem>>
    tpu.wait_dma2 semaphore(%arg9 : memref<!tpu.dma_semaphore, #tpu.memory_space<semaphore_mem>>) src(%dma_wait3A_262 : memref<32x1024xf32, #tpu.memory_space<vmem>>) dst(%dma_wait3A_259 : memref<32x1024xf32, #tpu.memory_space<hbm>>)
    %dma_wait3A_263 = arith.constant 1 : i32
    %dma_wait3A_264 = arith.constant 0 : i32
    %dma_wait3A_265 = arith.constant 0 : i32
    %dma_wait3A_266 = tpu.memref_slice %arg5[%dma_wait3A_264, %dma_wait3A_265] : memref<32x1024xf32, #tpu.memory_space<vmem>> -> memref<32x1024xf32, #tpu.memory_space<vmem>>
    %dma_wait3A_267 = arith.constant 0 : i32
    %dma_wait3A_268 = tpu.memref_slice %arg3[%dma_wait3A_263, %add3A_196, %dma_wait3A_267] : memref<4x8192x1024xf32, #tpu.memory_space<hbm>> -> memref<1x32x1024xf32, #tpu.memory_space<hbm>>
    %dma_wait3A_269 = tpu.memref_squeeze %dma_wait3A_268 : memref<1x32x1024xf32, #tpu.memory_space<hbm>> -> memref<32x1024xf32, #tpu.memory_space<hbm>>
    %dma_wait3A_270 = arith.constant 0 : i32
    %dma_wait3A_271 = tpu.memref_slice %arg3[%dma_wait3A_263, %add3A_196, %dma_wait3A_270] : memref<4x8192x1024xf32, #tpu.memory_space<hbm>> -> memref<1x32x1024xf32, #tpu.memory_space<hbm>>
    %dma_wait3A_272 = tpu.memref_squeeze %dma_wait3A_271 : memref<1x32x1024xf32, #tpu.memory_space<hbm>> -> memref<32x1024xf32, #tpu.memory_space<hbm>>
    %dma_wait3A_273 = arith.constant 0 : i32
    %dma_wait3A_274 = arith.constant 0 : i32
    %dma_wait3A_275 = tpu.memref_slice %arg5[%dma_wait3A_273, %dma_wait3A_274] : memref<32x1024xf32, #tpu.memory_space<vmem>> -> memref<32x1024xf32, #tpu.memory_space<vmem>>
    tpu.wait_dma2 semaphore(%arg9 : memref<!tpu.dma_semaphore, #tpu.memory_space<semaphore_mem>>) src(%dma_wait3A_275 : memref<32x1024xf32, #tpu.memory_space<vmem>>) dst(%dma_wait3A_272 : memref<32x1024xf32, #tpu.memory_space<hbm>>)
    %dma_wait3A_276 = arith.constant 2 : i32
    %dma_wait3A_277 = arith.constant 0 : i32
    %dma_wait3A_278 = arith.constant 0 : i32
    %dma_wait3A_279 = tpu.memref_slice %arg5[%dma_wait3A_277, %dma_wait3A_278] : memref<32x1024xf32, #tpu.memory_space<vmem>> -> memref<32x1024xf32, #tpu.memory_space<vmem>>
    %dma_wait3A_280 = arith.constant 0 : i32
    %dma_wait3A_281 = tpu.memref_slice %arg3[%dma_wait3A_276, %add3A_211, %dma_wait3A_280] : memref<4x8192x1024xf32, #tpu.memory_space<hbm>> -> memref<1x32x1024xf32, #tpu.memory_space<hbm>>
    %dma_wait3A_282 = tpu.memref_squeeze %dma_wait3A_281 : memref<1x32x1024xf32, #tpu.memory_space<hbm>> -> memref<32x1024xf32, #tpu.memory_space<hbm>>
    %dma_wait3A_283 = arith.constant 0 : i32
    %dma_wait3A_284 = tpu.memref_slice %arg3[%dma_wait3A_276, %add3A_211, %dma_wait3A_283] : memref<4x8192x1024xf32, #tpu.memory_space<hbm>> -> memref<1x32x1024xf32, #tpu.memory_space<hbm>>
    %dma_wait3A_285 = tpu.memref_squeeze %dma_wait3A_284 : memref<1x32x1024xf32, #tpu.memory_space<hbm>> -> memref<32x1024xf32, #tpu.memory_space<hbm>>
    %dma_wait3A_286 = arith.constant 0 : i32
    %dma_wait3A_287 = arith.constant 0 : i32
    %dma_wait3A_288 = tpu.memref_slice %arg5[%dma_wait3A_286, %dma_wait3A_287] : memref<32x1024xf32, #tpu.memory_space<vmem>> -> memref<32x1024xf32, #tpu.memory_space<vmem>>
    tpu.wait_dma2 semaphore(%arg9 : memref<!tpu.dma_semaphore, #tpu.memory_space<semaphore_mem>>) src(%dma_wait3A_288 : memref<32x1024xf32, #tpu.memory_space<vmem>>) dst(%dma_wait3A_285 : memref<32x1024xf32, #tpu.memory_space<hbm>>)
    %dma_wait3A_289 = arith.constant 3 : i32
    %dma_wait3A_290 = arith.constant 0 : i32
    %dma_wait3A_291 = arith.constant 0 : i32
    %dma_wait3A_292 = tpu.memref_slice %arg5[%dma_wait3A_290, %dma_wait3A_291] : memref<32x1024xf32, #tpu.memory_space<vmem>> -> memref<32x1024xf32, #tpu.memory_space<vmem>>
    %dma_wait3A_293 = arith.constant 0 : i32
    %dma_wait3A_294 = tpu.memref_slice %arg3[%dma_wait3A_289, %add3A_226, %dma_wait3A_293] : memref<4x8192x1024xf32, #tpu.memory_space<hbm>> -> memref<1x32x1024xf32, #tpu.memory_space<hbm>>
    %dma_wait3A_295 = tpu.memref_squeeze %dma_wait3A_294 : memref<1x32x1024xf32, #tpu.memory_space<hbm>> -> memref<32x1024xf32, #tpu.memory_space<hbm>>
    %dma_wait3A_296 = arith.constant 0 : i32
    %dma_wait3A_297 = tpu.memref_slice %arg3[%dma_wait3A_289, %add3A_226, %dma_wait3A_296] : memref<4x8192x1024xf32, #tpu.memory_space<hbm>> -> memref<1x32x1024xf32, #tpu.memory_space<hbm>>
    %dma_wait3A_298 = tpu.memref_squeeze %dma_wait3A_297 : memref<1x32x1024xf32, #tpu.memory_space<hbm>> -> memref<32x1024xf32, #tpu.memory_space<hbm>>
    %dma_wait3A_299 = arith.constant 0 : i32
    %dma_wait3A_300 = arith.constant 0 : i32
    %dma_wait3A_301 = tpu.memref_slice %arg5[%dma_wait3A_299, %dma_wait3A_300] : memref<32x1024xf32, #tpu.memory_space<vmem>> -> memref<32x1024xf32, #tpu.memory_space<vmem>>
    tpu.wait_dma2 semaphore(%arg9 : memref<!tpu.dma_semaphore, #tpu.memory_space<semaphore_mem>>) src(%dma_wait3A_301 : memref<32x1024xf32, #tpu.memory_space<vmem>>) dst(%dma_wait3A_298 : memref<32x1024xf32, #tpu.memory_space<hbm>>)
    %add3A_302 = arith.constant 96 : i32
    %add3A_303 = arith.addi %mul3A_2, %add3A_302 : i32
    %dma_start3A_304 = arith.constant 0 : i32
    %dma_start3A_305 = arith.constant 0 : i32
    %dma_start3A_306 = tpu.memref_slice %arg5[%dma_start3A_304, %dma_start3A_305] : memref<32x1024xf32, #tpu.memory_space<vmem>> -> memref<32x1024xf32, #tpu.memory_space<vmem>>
    %dma_start3A_307 = arith.constant 0 : i32
    %dma_start3A_308 = tpu.memref_slice %arg2[%add3A_303, %dma_start3A_307] : memref<8192x1024xf32, #tpu.memory_space<hbm>> -> memref<32x1024xf32, #tpu.memory_space<hbm>>
    %dma_start3A_309 = arith.constant 0 : i32
    %dma_start3A_310 = arith.constant 0 : i32
    %dma_start3A_311 = tpu.memref_slice %arg5[%dma_start3A_309, %dma_start3A_310] : memref<32x1024xf32, #tpu.memory_space<vmem>> -> memref<32x1024xf32, #tpu.memory_space<vmem>>
    %dma_start3A_312 = arith.constant 0 : i32
    %dma_start3A_313 = tpu.memref_slice %arg2[%add3A_303, %dma_start3A_312] : memref<8192x1024xf32, #tpu.memory_space<hbm>> -> memref<32x1024xf32, #tpu.memory_space<hbm>>
    tpu.enqueue_dma source(%dma_start3A_313 : memref<32x1024xf32, #tpu.memory_space<hbm>>) target(%dma_start3A_311 : memref<32x1024xf32, #tpu.memory_space<vmem>>) target_semaphore(%arg7 : memref<!tpu.dma_semaphore, #tpu.memory_space<semaphore_mem>>)
    %scan3A_314 = arith.constant 0 : i32
    %scan3A_315 = arith.constant 0 : i32
    %scan3A_316 = arith.constant 32 : i32
    %scan3A_317 = arith.addi %scan3A_315, %scan3A_316 : i32
    %scan3A_318 = arith.constant 1 : i32
    scf.for %scan3A_1120 = %scan3A_315 to %scan3A_317 step %scan3A_318  : i32 {
      %scan3A_1121 = arith.constant 0 : i32
      %scan3A_1122 = arith.constant 64 : i32
      %scan3A_1123 = arith.addi %scan3A_1121, %scan3A_1122 : i32
      %scan3A_1124 = arith.constant 8 : i32
      scf.for %scan3A_1126 = %scan3A_1121 to %scan3A_1123 step %scan3A_1124  : i32 {
        %mul3A_1127 = arith.constant 16 : i32
        %mul3A_1128 = arith.muli %scan3A_1126, %mul3A_1127 : i32
        %get3A = arith.index_cast %scan3A_1120 : i32 to index
        %get3A_1129 = arith.index_cast %mul3A_1128 : i32 to index
        %get3A_1130 = tpu.vector_load %arg4[%get3A, %get3A_1129] {strides = array<i32>} : memref<32x1024xf32, #tpu.memory_space<vmem>>, vector<1x16xf32>,
        %get3A_1131 = vector.shape_cast %get3A_1130 : vector<1x16xf32> to vector<16xf32>
        %mul3A_1132 = arith.constant 3.125000e-02 : f32
        %mul3A_1133 = vector.broadcast %mul3A_1132 : f32 to vector<16xf32>
        %mul3A_1134 = arith.mulf %get3A_1131, %mul3A_1133 : vector<16xf32>
        %swap3A = arith.index_cast %scan3A_1120 : i32 to index
        %swap3A_1135 = arith.index_cast %mul3A_1128 : i32 to index
        %swap3A_1136 = tpu.vector_load %arg4[%swap3A, %swap3A_1135] {strides = array<i32>} : memref<32x1024xf32, #tpu.memory_space<vmem>>, vector<1x16xf32>,
        %swap3A_1137 = vector.shape_cast %swap3A_1136 : vector<1x16xf32> to vector<16xf32>
        %swap3A_1138 = vector.shape_cast %mul3A_1134 : vector<16xf32> to vector<1x16xf32>
        tpu.vector_store %arg4[%swap3A, %swap3A_1135], %swap3A_1138 {strides = array<i32>} : memref<32x1024xf32, #tpu.memory_space<vmem>>, vector<1x16xf32>,
        %scan3A_1139 = arith.constant 1 : i32
        %scan3A_1140 = arith.addi %scan3A_1126, %scan3A_1139 : i32
        %mul3A_1141 = arith.constant 16 : i32
        %mul3A_1142 = arith.muli %scan3A_1140, %mul3A_1141 : i32
        %get3A_1143 = arith.index_cast %scan3A_1120 : i32 to index
        %get3A_1144 = arith.index_cast %mul3A_1142 : i32 to index
        %get3A_1145 = tpu.vector_load %arg4[%get3A_1143, %get3A_1144] {strides = array<i32>} : memref<32x1024xf32, #tpu.memory_space<vmem>>, vector<1x16xf32>,
        %get3A_1146 = vector.shape_cast %get3A_1145 : vector<1x16xf32> to vector<16xf32>
        %mul3A_1147 = arith.constant 3.125000e-02 : f32
        %mul3A_1148 = vector.broadcast %mul3A_1147 : f32 to vector<16xf32>
        %mul3A_1149 = arith.mulf %get3A_1146, %mul3A_1148 : vector<16xf32>
        %swap3A_1150 = arith.index_cast %scan3A_1120 : i32 to index
        %swap3A_1151 = arith.index_cast %mul3A_1142 : i32 to index
        %swap3A_1152 = tpu.vector_load %arg4[%swap3A_1150, %swap3A_1151] {strides = array<i32>} : memref<32x1024xf32, #tpu.memory_space<vmem>>, vector<1x16xf32>,
        %swap3A_1153 = vector.shape_cast %swap3A_1152 : vector<1x16xf32> to vector<16xf32>
        %swap3A_1154 = vector.shape_cast %mul3A_1149 : vector<16xf32> to vector<1x16xf32>
        tpu.vector_store %arg4[%swap3A_1150, %swap3A_1151], %swap3A_1154 {strides = array<i32>} : memref<32x1024xf32, #tpu.memory_space<vmem>>, vector<1x16xf32>,
        %scan3A_1155 = arith.constant 2 : i32
        %scan3A_1156 = arith.addi %scan3A_1126, %scan3A_1155 : i32
        %mul3A_1157 = arith.constant 16 : i32
        %mul3A_1158 = arith.muli %scan3A_1156, %mul3A_1157 : i32
        %get3A_1159 = arith.index_cast %scan3A_1120 : i32 to index
        %get3A_1160 = arith.index_cast %mul3A_1158 : i32 to index
        %get3A_1161 = tpu.vector_load %arg4[%get3A_1159, %get3A_1160] {strides = array<i32>} : memref<32x1024xf32, #tpu.memory_space<vmem>>, vector<1x16xf32>,
        %get3A_1162 = vector.shape_cast %get3A_1161 : vector<1x16xf32> to vector<16xf32>
        %mul3A_1163 = arith.constant 3.125000e-02 : f32
        %mul3A_1164 = vector.broadcast %mul3A_1163 : f32 to vector<16xf32>
        %mul3A_1165 = arith.mulf %get3A_1162, %mul3A_1164 : vector<16xf32>
        %swap3A_1166 = arith.index_cast %scan3A_1120 : i32 to index
        %swap3A_1167 = arith.index_cast %mul3A_1158 : i32 to index
        %swap3A_1168 = tpu.vector_load %arg4[%swap3A_1166, %swap3A_1167] {strides = array<i32>} : memref<32x1024xf32, #tpu.memory_space<vmem>>, vector<1x16xf32>,
        %swap3A_1169 = vector.shape_cast %swap3A_1168 : vector<1x16xf32> to vector<16xf32>
        %swap3A_1170 = vector.shape_cast %mul3A_1165 : vector<16xf32> to vector<1x16xf32>
        tpu.vector_store %arg4[%swap3A_1166, %swap3A_1167], %swap3A_1170 {strides = array<i32>} : memref<32x1024xf32, #tpu.memory_space<vmem>>, vector<1x16xf32>,
        %scan3A_1171 = arith.constant 3 : i32
        %scan3A_1172 = arith.addi %scan3A_1126, %scan3A_1171 : i32
        %mul3A_1173 = arith.constant 16 : i32
        %mul3A_1174 = arith.muli %scan3A_1172, %mul3A_1173 : i32
        %get3A_1175 = arith.index_cast %scan3A_1120 : i32 to index
        %get3A_1176 = arith.index_cast %mul3A_1174 : i32 to index
        %get3A_1177 = tpu.vector_load %arg4[%get3A_1175, %get3A_1176] {strides = array<i32>} : memref<32x1024xf32, #tpu.memory_space<vmem>>, vector<1x16xf32>,
        %get3A_1178 = vector.shape_cast %get3A_1177 : vector<1x16xf32> to vector<16xf32>
        %mul3A_1179 = arith.constant 3.125000e-02 : f32
        %mul3A_1180 = vector.broadcast %mul3A_1179 : f32 to vector<16xf32>
        %mul3A_1181 = arith.mulf %get3A_1178, %mul3A_1180 : vector<16xf32>
        %swap3A_1182 = arith.index_cast %scan3A_1120 : i32 to index
        %swap3A_1183 = arith.index_cast %mul3A_1174 : i32 to index
        %swap3A_1184 = tpu.vector_load %arg4[%swap3A_1182, %swap3A_1183] {strides = array<i32>} : memref<32x1024xf32, #tpu.memory_space<vmem>>, vector<1x16xf32>,
        %swap3A_1185 = vector.shape_cast %swap3A_1184 : vector<1x16xf32> to vector<16xf32>
        %swap3A_1186 = vector.shape_cast %mul3A_1181 : vector<16xf32> to vector<1x16xf32>
        tpu.vector_store %arg4[%swap3A_1182, %swap3A_1183], %swap3A_1186 {strides = array<i32>} : memref<32x1024xf32, #tpu.memory_space<vmem>>, vector<1x16xf32>,
        %scan3A_1187 = arith.constant 4 : i32
        %scan3A_1188 = arith.addi %scan3A_1126, %scan3A_1187 : i32
        %mul3A_1189 = arith.constant 16 : i32
        %mul3A_1190 = arith.muli %scan3A_1188, %mul3A_1189 : i32
        %get3A_1191 = arith.index_cast %scan3A_1120 : i32 to index
        %get3A_1192 = arith.index_cast %mul3A_1190 : i32 to index
        %get3A_1193 = tpu.vector_load %arg4[%get3A_1191, %get3A_1192] {strides = array<i32>} : memref<32x1024xf32, #tpu.memory_space<vmem>>, vector<1x16xf32>,
        %get3A_1194 = vector.shape_cast %get3A_1193 : vector<1x16xf32> to vector<16xf32>
        %mul3A_1195 = arith.constant 3.125000e-02 : f32
        %mul3A_1196 = vector.broadcast %mul3A_1195 : f32 to vector<16xf32>
        %mul3A_1197 = arith.mulf %get3A_1194, %mul3A_1196 : vector<16xf32>
        %swap3A_1198 = arith.index_cast %scan3A_1120 : i32 to index
        %swap3A_1199 = arith.index_cast %mul3A_1190 : i32 to index
        %swap3A_1200 = tpu.vector_load %arg4[%swap3A_1198, %swap3A_1199] {strides = array<i32>} : memref<32x1024xf32, #tpu.memory_space<vmem>>, vector<1x16xf32>,
        %swap3A_1201 = vector.shape_cast %swap3A_1200 : vector<1x16xf32> to vector<16xf32>
        %swap3A_1202 = vector.shape_cast %mul3A_1197 : vector<16xf32> to vector<1x16xf32>
        tpu.vector_store %arg4[%swap3A_1198, %swap3A_1199], %swap3A_1202 {strides = array<i32>} : memref<32x1024xf32, #tpu.memory_space<vmem>>, vector<1x16xf32>,
        %scan3A_1203 = arith.constant 5 : i32
        %scan3A_1204 = arith.addi %scan3A_1126, %scan3A_1203 : i32
        %mul3A_1205 = arith.constant 16 : i32
        %mul3A_1206 = arith.muli %scan3A_1204, %mul3A_1205 : i32
        %get3A_1207 = arith.index_cast %scan3A_1120 : i32 to index
        %get3A_1208 = arith.index_cast %mul3A_1206 : i32 to index
        %get3A_1209 = tpu.vector_load %arg4[%get3A_1207, %get3A_1208] {strides = array<i32>} : memref<32x1024xf32, #tpu.memory_space<vmem>>, vector<1x16xf32>,
        %get3A_1210 = vector.shape_cast %get3A_1209 : vector<1x16xf32> to vector<16xf32>
        %mul3A_1211 = arith.constant 3.125000e-02 : f32
        %mul3A_1212 = vector.broadcast %mul3A_1211 : f32 to vector<16xf32>
        %mul3A_1213 = arith.mulf %get3A_1210, %mul3A_1212 : vector<16xf32>
        %swap3A_1214 = arith.index_cast %scan3A_1120 : i32 to index
        %swap3A_1215 = arith.index_cast %mul3A_1206 : i32 to index
        %swap3A_1216 = tpu.vector_load %arg4[%swap3A_1214, %swap3A_1215] {strides = array<i32>} : memref<32x1024xf32, #tpu.memory_space<vmem>>, vector<1x16xf32>,
        %swap3A_1217 = vector.shape_cast %swap3A_1216 : vector<1x16xf32> to vector<16xf32>
        %swap3A_1218 = vector.shape_cast %mul3A_1213 : vector<16xf32> to vector<1x16xf32>
        tpu.vector_store %arg4[%swap3A_1214, %swap3A_1215], %swap3A_1218 {strides = array<i32>} : memref<32x1024xf32, #tpu.memory_space<vmem>>, vector<1x16xf32>,
        %scan3A_1219 = arith.constant 6 : i32
        %scan3A_1220 = arith.addi %scan3A_1126, %scan3A_1219 : i32
        %mul3A_1221 = arith.constant 16 : i32
        %mul3A_1222 = arith.muli %scan3A_1220, %mul3A_1221 : i32
        %get3A_1223 = arith.index_cast %scan3A_1120 : i32 to index
        %get3A_1224 = arith.index_cast %mul3A_1222 : i32 to index
        %get3A_1225 = tpu.vector_load %arg4[%get3A_1223, %get3A_1224] {strides = array<i32>} : memref<32x1024xf32, #tpu.memory_space<vmem>>, vector<1x16xf32>,
        %get3A_1226 = vector.shape_cast %get3A_1225 : vector<1x16xf32> to vector<16xf32>
        %mul3A_1227 = arith.constant 3.125000e-02 : f32
        %mul3A_1228 = vector.broadcast %mul3A_1227 : f32 to vector<16xf32>
        %mul3A_1229 = arith.mulf %get3A_1226, %mul3A_1228 : vector<16xf32>
        %swap3A_1230 = arith.index_cast %scan3A_1120 : i32 to index
        %swap3A_1231 = arith.index_cast %mul3A_1222 : i32 to index
        %swap3A_1232 = tpu.vector_load %arg4[%swap3A_1230, %swap3A_1231] {strides = array<i32>} : memref<32x1024xf32, #tpu.memory_space<vmem>>, vector<1x16xf32>,
        %swap3A_1233 = vector.shape_cast %swap3A_1232 : vector<1x16xf32> to vector<16xf32>
        %swap3A_1234 = vector.shape_cast %mul3A_1229 : vector<16xf32> to vector<1x16xf32>
        tpu.vector_store %arg4[%swap3A_1230, %swap3A_1231], %swap3A_1234 {strides = array<i32>} : memref<32x1024xf32, #tpu.memory_space<vmem>>, vector<1x16xf32>,
        %scan3A_1235 = arith.constant 7 : i32
        %scan3A_1236 = arith.addi %scan3A_1126, %scan3A_1235 : i32
        %mul3A_1237 = arith.constant 16 : i32
        %mul3A_1238 = arith.muli %scan3A_1236, %mul3A_1237 : i32
        %get3A_1239 = arith.index_cast %scan3A_1120 : i32 to index
        %get3A_1240 = arith.index_cast %mul3A_1238 : i32 to index
        %get3A_1241 = tpu.vector_load %arg4[%get3A_1239, %get3A_1240] {strides = array<i32>} : memref<32x1024xf32, #tpu.memory_space<vmem>>, vector<1x16xf32>,
        %get3A_1242 = vector.shape_cast %get3A_1241 : vector<1x16xf32> to vector<16xf32>
        %mul3A_1243 = arith.constant 3.125000e-02 : f32
        %mul3A_1244 = vector.broadcast %mul3A_1243 : f32 to vector<16xf32>
        %mul3A_1245 = arith.mulf %get3A_1242, %mul3A_1244 : vector<16xf32>
        %swap3A_1246 = arith.index_cast %scan3A_1120 : i32 to index
        %swap3A_1247 = arith.index_cast %mul3A_1238 : i32 to index
        %swap3A_1248 = tpu.vector_load %arg4[%swap3A_1246, %swap3A_1247] {strides = array<i32>} : memref<32x1024xf32, #tpu.memory_space<vmem>>, vector<1x16xf32>,
        %swap3A_1249 = vector.shape_cast %swap3A_1248 : vector<1x16xf32> to vector<16xf32>
        %swap3A_1250 = vector.shape_cast %mul3A_1245 : vector<16xf32> to vector<1x16xf32>
        tpu.vector_store %arg4[%swap3A_1246, %swap3A_1247], %swap3A_1250 {strides = array<i32>} : memref<32x1024xf32, #tpu.memory_space<vmem>>, vector<1x16xf32>,
      }
      %scan3A_1125 = arith.constant 64 : i32
    }
    %scan3A_319 = arith.constant 32 : i32
    %add3A_320 = arith.constant 64 : i32
    %add3A_321 = arith.addi %mul3A_2, %add3A_320 : i32
    %dma_start3A_322 = arith.constant 0 : i32
    %dma_start3A_323 = arith.constant 0 : i32
    %dma_start3A_324 = arith.constant 0 : i32
    %dma_start3A_325 = tpu.memref_slice %arg4[%dma_start3A_323, %dma_start3A_324] : memref<32x1024xf32, #tpu.memory_space<vmem>> -> memref<32x1024xf32, #tpu.memory_space<vmem>>
    %dma_start3A_326 = arith.constant 0 : i32
    %dma_start3A_327 = tpu.memref_slice %arg3[%dma_start3A_322, %add3A_321, %dma_start3A_326] : memref<4x8192x1024xf32, #tpu.memory_space<hbm>> -> memref<1x32x1024xf32, #tpu.memory_space<hbm>>
    %dma_start3A_328 = tpu.memref_squeeze %dma_start3A_327 : memref<1x32x1024xf32, #tpu.memory_space<hbm>> -> memref<32x1024xf32, #tpu.memory_space<hbm>>
    %dma_start3A_329 = arith.constant 0 : i32
    %dma_start3A_330 = tpu.memref_slice %arg3[%dma_start3A_322, %add3A_321, %dma_start3A_329] : memref<4x8192x1024xf32, #tpu.memory_space<hbm>> -> memref<1x32x1024xf32, #tpu.memory_space<hbm>>
    %dma_start3A_331 = tpu.memref_squeeze %dma_start3A_330 : memref<1x32x1024xf32, #tpu.memory_space<hbm>> -> memref<32x1024xf32, #tpu.memory_space<hbm>>
    %dma_start3A_332 = arith.constant 0 : i32
    %dma_start3A_333 = arith.constant 0 : i32
    %dma_start3A_334 = tpu.memref_slice %arg4[%dma_start3A_332, %dma_start3A_333] : memref<32x1024xf32, #tpu.memory_space<vmem>> -> memref<32x1024xf32, #tpu.memory_space<vmem>>
    tpu.enqueue_dma source(%dma_start3A_334 : memref<32x1024xf32, #tpu.memory_space<vmem>>) target(%dma_start3A_331 : memref<32x1024xf32, #tpu.memory_space<hbm>>) target_semaphore(%arg8 : memref<!tpu.dma_semaphore, #tpu.memory_space<semaphore_mem>>)
    %add3A_335 = arith.constant 64 : i32
    %add3A_336 = arith.addi %mul3A_2, %add3A_335 : i32
    %dma_start3A_337 = arith.constant 1 : i32
    %dma_start3A_338 = arith.constant 0 : i32
    %dma_start3A_339 = arith.constant 0 : i32
    %dma_start3A_340 = tpu.memref_slice %arg4[%dma_start3A_338, %dma_start3A_339] : memref<32x1024xf32, #tpu.memory_space<vmem>> -> memref<32x1024xf32, #tpu.memory_space<vmem>>
    %dma_start3A_341 = arith.constant 0 : i32
    %dma_start3A_342 = tpu.memref_slice %arg3[%dma_start3A_337, %add3A_336, %dma_start3A_341] : memref<4x8192x1024xf32, #tpu.memory_space<hbm>> -> memref<1x32x1024xf32, #tpu.memory_space<hbm>>
    %dma_start3A_343 = tpu.memref_squeeze %dma_start3A_342 : memref<1x32x1024xf32, #tpu.memory_space<hbm>> -> memref<32x1024xf32, #tpu.memory_space<hbm>>
    %dma_start3A_344 = arith.constant 0 : i32
    %dma_start3A_345 = tpu.memref_slice %arg3[%dma_start3A_337, %add3A_336, %dma_start3A_344] : memref<4x8192x1024xf32, #tpu.memory_space<hbm>> -> memref<1x32x1024xf32, #tpu.memory_space<hbm>>
    %dma_start3A_346 = tpu.memref_squeeze %dma_start3A_345 : memref<1x32x1024xf32, #tpu.memory_space<hbm>> -> memref<32x1024xf32, #tpu.memory_space<hbm>>
    %dma_start3A_347 = arith.constant 0 : i32
    %dma_start3A_348 = arith.constant 0 : i32
    %dma_start3A_349 = tpu.memref_slice %arg4[%dma_start3A_347, %dma_start3A_348] : memref<32x1024xf32, #tpu.memory_space<vmem>> -> memref<32x1024xf32, #tpu.memory_space<vmem>>
    tpu.enqueue_dma source(%dma_start3A_349 : memref<32x1024xf32, #tpu.memory_space<vmem>>) target(%dma_start3A_346 : memref<32x1024xf32, #tpu.memory_space<hbm>>) target_semaphore(%arg8 : memref<!tpu.dma_semaphore, #tpu.memory_space<semaphore_mem>>)
    %add3A_350 = arith.constant 64 : i32
    %add3A_351 = arith.addi %mul3A_2, %add3A_350 : i32
    %dma_start3A_352 = arith.constant 2 : i32
    %dma_start3A_353 = arith.constant 0 : i32
    %dma_start3A_354 = arith.constant 0 : i32
    %dma_start3A_355 = tpu.memref_slice %arg4[%dma_start3A_353, %dma_start3A_354] : memref<32x1024xf32, #tpu.memory_space<vmem>> -> memref<32x1024xf32, #tpu.memory_space<vmem>>
    %dma_start3A_356 = arith.constant 0 : i32
    %dma_start3A_357 = tpu.memref_slice %arg3[%dma_start3A_352, %add3A_351, %dma_start3A_356] : memref<4x8192x1024xf32, #tpu.memory_space<hbm>> -> memref<1x32x1024xf32, #tpu.memory_space<hbm>>
    %dma_start3A_358 = tpu.memref_squeeze %dma_start3A_357 : memref<1x32x1024xf32, #tpu.memory_space<hbm>> -> memref<32x1024xf32, #tpu.memory_space<hbm>>
    %dma_start3A_359 = arith.constant 0 : i32
    %dma_start3A_360 = tpu.memref_slice %arg3[%dma_start3A_352, %add3A_351, %dma_start3A_359] : memref<4x8192x1024xf32, #tpu.memory_space<hbm>> -> memref<1x32x1024xf32, #tpu.memory_space<hbm>>
    %dma_start3A_361 = tpu.memref_squeeze %dma_start3A_360 : memref<1x32x1024xf32, #tpu.memory_space<hbm>> -> memref<32x1024xf32, #tpu.memory_space<hbm>>
    %dma_start3A_362 = arith.constant 0 : i32
    %dma_start3A_363 = arith.constant 0 : i32
    %dma_start3A_364 = tpu.memref_slice %arg4[%dma_start3A_362, %dma_start3A_363] : memref<32x1024xf32, #tpu.memory_space<vmem>> -> memref<32x1024xf32, #tpu.memory_space<vmem>>
    tpu.enqueue_dma source(%dma_start3A_364 : memref<32x1024xf32, #tpu.memory_space<vmem>>) target(%dma_start3A_361 : memref<32x1024xf32, #tpu.memory_space<hbm>>) target_semaphore(%arg8 : memref<!tpu.dma_semaphore, #tpu.memory_space<semaphore_mem>>)
    %add3A_365 = arith.constant 64 : i32
    %add3A_366 = arith.addi %mul3A_2, %add3A_365 : i32
    %dma_start3A_367 = arith.constant 3 : i32
    %dma_start3A_368 = arith.constant 0 : i32
    %dma_start3A_369 = arith.constant 0 : i32
    %dma_start3A_370 = tpu.memref_slice %arg4[%dma_start3A_368, %dma_start3A_369] : memref<32x1024xf32, #tpu.memory_space<vmem>> -> memref<32x1024xf32, #tpu.memory_space<vmem>>
    %dma_start3A_371 = arith.constant 0 : i32
    %dma_start3A_372 = tpu.memref_slice %arg3[%dma_start3A_367, %add3A_366, %dma_start3A_371] : memref<4x8192x1024xf32, #tpu.memory_space<hbm>> -> memref<1x32x1024xf32, #tpu.memory_space<hbm>>
    %dma_start3A_373 = tpu.memref_squeeze %dma_start3A_372 : memref<1x32x1024xf32, #tpu.memory_space<hbm>> -> memref<32x1024xf32, #tpu.memory_space<hbm>>
    %dma_start3A_374 = arith.constant 0 : i32
    %dma_start3A_375 = tpu.memref_slice %arg3[%dma_start3A_367, %add3A_366, %dma_start3A_374] : memref<4x8192x1024xf32, #tpu.memory_space<hbm>> -> memref<1x32x1024xf32, #tpu.memory_space<hbm>>
    %dma_start3A_376 = tpu.memref_squeeze %dma_start3A_375 : memref<1x32x1024xf32, #tpu.memory_space<hbm>> -> memref<32x1024xf32, #tpu.memory_space<hbm>>
    %dma_start3A_377 = arith.constant 0 : i32
    %dma_start3A_378 = arith.constant 0 : i32
    %dma_start3A_379 = tpu.memref_slice %arg4[%dma_start3A_377, %dma_start3A_378] : memref<32x1024xf32, #tpu.memory_space<vmem>> -> memref<32x1024xf32, #tpu.memory_space<vmem>>
    tpu.enqueue_dma source(%dma_start3A_379 : memref<32x1024xf32, #tpu.memory_space<vmem>>) target(%dma_start3A_376 : memref<32x1024xf32, #tpu.memory_space<hbm>>) target_semaphore(%arg8 : memref<!tpu.dma_semaphore, #tpu.memory_space<semaphore_mem>>)
    %dma_wait3A_380 = arith.constant 0 : i32
    %dma_wait3A_381 = arith.constant 0 : i32
    %dma_wait3A_382 = tpu.memref_slice %arg5[%dma_wait3A_380, %dma_wait3A_381] : memref<32x1024xf32, #tpu.memory_space<vmem>> -> memref<32x1024xf32, #tpu.memory_space<vmem>>
    %dma_wait3A_383 = arith.constant 0 : i32
    %dma_wait3A_384 = tpu.memref_slice %arg2[%add3A_303, %dma_wait3A_383] : memref<8192x1024xf32, #tpu.memory_space<hbm>> -> memref<32x1024xf32, #tpu.memory_space<hbm>>
    %dma_wait3A_385 = arith.constant 0 : i32
    %dma_wait3A_386 = arith.constant 0 : i32
    %dma_wait3A_387 = tpu.memref_slice %arg5[%dma_wait3A_385, %dma_wait3A_386] : memref<32x1024xf32, #tpu.memory_space<vmem>> -> memref<32x1024xf32, #tpu.memory_space<vmem>>
    %dma_wait3A_388 = arith.constant 0 : i32
    %dma_wait3A_389 = tpu.memref_slice %arg2[%add3A_303, %dma_wait3A_388] : memref<8192x1024xf32, #tpu.memory_space<hbm>> -> memref<32x1024xf32, #tpu.memory_space<hbm>>
    tpu.wait_dma2 semaphore(%arg7 : memref<!tpu.dma_semaphore, #tpu.memory_space<semaphore_mem>>) src(%dma_wait3A_389 : memref<32x1024xf32, #tpu.memory_space<hbm>>) dst(%dma_wait3A_387 : memref<32x1024xf32, #tpu.memory_space<vmem>>)
    %dma_wait3A_390 = arith.constant 0 : i32
    %dma_wait3A_391 = arith.constant 0 : i32
    %dma_wait3A_392 = arith.constant 0 : i32
    %dma_wait3A_393 = tpu.memref_slice %arg4[%dma_wait3A_391, %dma_wait3A_392] : memref<32x1024xf32, #tpu.memory_space<vmem>> -> memref<32x1024xf32, #tpu.memory_space<vmem>>
    %dma_wait3A_394 = arith.constant 0 : i32
    %dma_wait3A_395 = tpu.memref_slice %arg3[%dma_wait3A_390, %add3A_321, %dma_wait3A_394] : memref<4x8192x1024xf32, #tpu.memory_space<hbm>> -> memref<1x32x1024xf32, #tpu.memory_space<hbm>>
    %dma_wait3A_396 = tpu.memref_squeeze %dma_wait3A_395 : memref<1x32x1024xf32, #tpu.memory_space<hbm>> -> memref<32x1024xf32, #tpu.memory_space<hbm>>
    %dma_wait3A_397 = arith.constant 0 : i32
    %dma_wait3A_398 = tpu.memref_slice %arg3[%dma_wait3A_390, %add3A_321, %dma_wait3A_397] : memref<4x8192x1024xf32, #tpu.memory_space<hbm>> -> memref<1x32x1024xf32, #tpu.memory_space<hbm>>
    %dma_wait3A_399 = tpu.memref_squeeze %dma_wait3A_398 : memref<1x32x1024xf32, #tpu.memory_space<hbm>> -> memref<32x1024xf32, #tpu.memory_space<hbm>>
    %dma_wait3A_400 = arith.constant 0 : i32
    %dma_wait3A_401 = arith.constant 0 : i32
    %dma_wait3A_402 = tpu.memref_slice %arg4[%dma_wait3A_400, %dma_wait3A_401] : memref<32x1024xf32, #tpu.memory_space<vmem>> -> memref<32x1024xf32, #tpu.memory_space<vmem>>
    tpu.wait_dma2 semaphore(%arg8 : memref<!tpu.dma_semaphore, #tpu.memory_space<semaphore_mem>>) src(%dma_wait3A_402 : memref<32x1024xf32, #tpu.memory_space<vmem>>) dst(%dma_wait3A_399 : memref<32x1024xf32, #tpu.memory_space<hbm>>)
    %dma_wait3A_403 = arith.constant 1 : i32
    %dma_wait3A_404 = arith.constant 0 : i32
    %dma_wait3A_405 = arith.constant 0 : i32
    %dma_wait3A_406 = tpu.memref_slice %arg4[%dma_wait3A_404, %dma_wait3A_405] : memref<32x1024xf32, #tpu.memory_space<vmem>> -> memref<32x1024xf32, #tpu.memory_space<vmem>>
    %dma_wait3A_407 = arith.constant 0 : i32
    %dma_wait3A_408 = tpu.memref_slice %arg3[%dma_wait3A_403, %add3A_336, %dma_wait3A_407] : memref<4x8192x1024xf32, #tpu.memory_space<hbm>> -> memref<1x32x1024xf32, #tpu.memory_space<hbm>>
    %dma_wait3A_409 = tpu.memref_squeeze %dma_wait3A_408 : memref<1x32x1024xf32, #tpu.memory_space<hbm>> -> memref<32x1024xf32, #tpu.memory_space<hbm>>
    %dma_wait3A_410 = arith.constant 0 : i32
    %dma_wait3A_411 = tpu.memref_slice %arg3[%dma_wait3A_403, %add3A_336, %dma_wait3A_410] : memref<4x8192x1024xf32, #tpu.memory_space<hbm>> -> memref<1x32x1024xf32, #tpu.memory_space<hbm>>
    %dma_wait3A_412 = tpu.memref_squeeze %dma_wait3A_411 : memref<1x32x1024xf32, #tpu.memory_space<hbm>> -> memref<32x1024xf32, #tpu.memory_space<hbm>>
    %dma_wait3A_413 = arith.constant 0 : i32
    %dma_wait3A_414 = arith.constant 0 : i32
    %dma_wait3A_415 = tpu.memref_slice %arg4[%dma_wait3A_413, %dma_wait3A_414] : memref<32x1024xf32, #tpu.memory_space<vmem>> -> memref<32x1024xf32, #tpu.memory_space<vmem>>
    tpu.wait_dma2 semaphore(%arg8 : memref<!tpu.dma_semaphore, #tpu.memory_space<semaphore_mem>>) src(%dma_wait3A_415 : memref<32x1024xf32, #tpu.memory_space<vmem>>) dst(%dma_wait3A_412 : memref<32x1024xf32, #tpu.memory_space<hbm>>)
    %dma_wait3A_416 = arith.constant 2 : i32
    %dma_wait3A_417 = arith.constant 0 : i32
    %dma_wait3A_418 = arith.constant 0 : i32
    %dma_wait3A_419 = tpu.memref_slice %arg4[%dma_wait3A_417, %dma_wait3A_418] : memref<32x1024xf32, #tpu.memory_space<vmem>> -> memref<32x1024xf32, #tpu.memory_space<vmem>>
    %dma_wait3A_420 = arith.constant 0 : i32
    %dma_wait3A_421 = tpu.memref_slice %arg3[%dma_wait3A_416, %add3A_351, %dma_wait3A_420] : memref<4x8192x1024xf32, #tpu.memory_space<hbm>> -> memref<1x32x1024xf32, #tpu.memory_space<hbm>>
    %dma_wait3A_422 = tpu.memref_squeeze %dma_wait3A_421 : memref<1x32x1024xf32, #tpu.memory_space<hbm>> -> memref<32x1024xf32, #tpu.memory_space<hbm>>
    %dma_wait3A_423 = arith.constant 0 : i32
    %dma_wait3A_424 = tpu.memref_slice %arg3[%dma_wait3A_416, %add3A_351, %dma_wait3A_423] : memref<4x8192x1024xf32, #tpu.memory_space<hbm>> -> memref<1x32x1024xf32, #tpu.memory_space<hbm>>
    %dma_wait3A_425 = tpu.memref_squeeze %dma_wait3A_424 : memref<1x32x1024xf32, #tpu.memory_space<hbm>> -> memref<32x1024xf32, #tpu.memory_space<hbm>>
    %dma_wait3A_426 = arith.constant 0 : i32
    %dma_wait3A_427 = arith.constant 0 : i32
    %dma_wait3A_428 = tpu.memref_slice %arg4[%dma_wait3A_426, %dma_wait3A_427] : memref<32x1024xf32, #tpu.memory_space<vmem>> -> memref<32x1024xf32, #tpu.memory_space<vmem>>
    tpu.wait_dma2 semaphore(%arg8 : memref<!tpu.dma_semaphore, #tpu.memory_space<semaphore_mem>>) src(%dma_wait3A_428 : memref<32x1024xf32, #tpu.memory_space<vmem>>) dst(%dma_wait3A_425 : memref<32x1024xf32, #tpu.memory_space<hbm>>)
    %dma_wait3A_429 = arith.constant 3 : i32
    %dma_wait3A_430 = arith.constant 0 : i32
    %dma_wait3A_431 = arith.constant 0 : i32
    %dma_wait3A_432 = tpu.memref_slice %arg4[%dma_wait3A_430, %dma_wait3A_431] : memref<32x1024xf32, #tpu.memory_space<vmem>> -> memref<32x1024xf32, #tpu.memory_space<vmem>>
    %dma_wait3A_433 = arith.constant 0 : i32
    %dma_wait3A_434 = tpu.memref_slice %arg3[%dma_wait3A_429, %add3A_366, %dma_wait3A_433] : memref<4x8192x1024xf32, #tpu.memory_space<hbm>> -> memref<1x32x1024xf32, #tpu.memory_space<hbm>>
    %dma_wait3A_435 = tpu.memref_squeeze %dma_wait3A_434 : memref<1x32x1024xf32, #tpu.memory_space<hbm>> -> memref<32x1024xf32, #tpu.memory_space<hbm>>
    %dma_wait3A_436 = arith.constant 0 : i32
    %dma_wait3A_437 = tpu.memref_slice %arg3[%dma_wait3A_429, %add3A_366, %dma_wait3A_436] : memref<4x8192x1024xf32, #tpu.memory_space<hbm>> -> memref<1x32x1024xf32, #tpu.memory_space<hbm>>
    %dma_wait3A_438 = tpu.memref_squeeze %dma_wait3A_437 : memref<1x32x1024xf32, #tpu.memory_space<hbm>> -> memref<32x1024xf32, #tpu.memory_space<hbm>>
    %dma_wait3A_439 = arith.constant 0 : i32
    %dma_wait3A_440 = arith.constant 0 : i32
    %dma_wait3A_441 = tpu.memref_slice %arg4[%dma_wait3A_439, %dma_wait3A_440] : memref<32x1024xf32, #tpu.memory_space<vmem>> -> memref<32x1024xf32, #tpu.memory_space<vmem>>
    tpu.wait_dma2 semaphore(%arg8 : memref<!tpu.dma_semaphore, #tpu.memory_space<semaphore_mem>>) src(%dma_wait3A_441 : memref<32x1024xf32, #tpu.memory_space<vmem>>) dst(%dma_wait3A_438 : memref<32x1024xf32, #tpu.memory_space<hbm>>)
    %add3A_442 = arith.constant 128 : i32
    %add3A_443 = arith.addi %mul3A_2, %add3A_442 : i32
    %dma_start3A_444 = arith.constant 0 : i32
    %dma_start3A_445 = arith.constant 0 : i32
    %dma_start3A_446 = tpu.memref_slice %arg4[%dma_start3A_444, %dma_start3A_445] : memref<32x1024xf32, #tpu.memory_space<vmem>> -> memref<32x1024xf32, #tpu.memory_space<vmem>>
    %dma_start3A_447 = arith.constant 0 : i32
    %dma_start3A_448 = tpu.memref_slice %arg2[%add3A_443, %dma_start3A_447] : memref<8192x1024xf32, #tpu.memory_space<hbm>> -> memref<32x1024xf32, #tpu.memory_space<hbm>>
    %dma_start3A_449 = arith.constant 0 : i32
    %dma_start3A_450 = arith.constant 0 : i32
    %dma_start3A_451 = tpu.memref_slice %arg4[%dma_start3A_449, %dma_start3A_450] : memref<32x1024xf32, #tpu.memory_space<vmem>> -> memref<32x1024xf32, #tpu.memory_space<vmem>>
    %dma_start3A_452 = arith.constant 0 : i32
    %dma_start3A_453 = tpu.memref_slice %arg2[%add3A_443, %dma_start3A_452] : memref<8192x1024xf32, #tpu.memory_space<hbm>> -> memref<32x1024xf32, #tpu.memory_space<hbm>>
    tpu.enqueue_dma source(%dma_start3A_453 : memref<32x1024xf32, #tpu.memory_space<hbm>>) target(%dma_start3A_451 : memref<32x1024xf32, #tpu.memory_space<vmem>>) target_semaphore(%arg6 : memref<!tpu.dma_semaphore, #tpu.memory_space<semaphore_mem>>)
    %scan3A_454 = arith.constant 0 : i32
    %scan3A_455 = arith.constant 0 : i32
    %scan3A_456 = arith.constant 32 : i32
    %scan3A_457 = arith.addi %scan3A_455, %scan3A_456 : i32
    %scan3A_458 = arith.constant 1 : i32
    scf.for %scan3A_1120 = %scan3A_455 to %scan3A_457 step %scan3A_458  : i32 {
      %scan3A_1121 = arith.constant 0 : i32
      %scan3A_1122 = arith.constant 64 : i32
      %scan3A_1123 = arith.addi %scan3A_1121, %scan3A_1122 : i32
      %scan3A_1124 = arith.constant 8 : i32
      scf.for %scan3A_1126 = %scan3A_1121 to %scan3A_1123 step %scan3A_1124  : i32 {
        %mul3A_1127 = arith.constant 16 : i32
        %mul3A_1128 = arith.muli %scan3A_1126, %mul3A_1127 : i32
        %get3A = arith.index_cast %scan3A_1120 : i32 to index
        %get3A_1129 = arith.index_cast %mul3A_1128 : i32 to index
        %get3A_1130 = tpu.vector_load %arg5[%get3A, %get3A_1129] {strides = array<i32>} : memref<32x1024xf32, #tpu.memory_space<vmem>>, vector<1x16xf32>,
        %get3A_1131 = vector.shape_cast %get3A_1130 : vector<1x16xf32> to vector<16xf32>
        %mul3A_1132 = arith.constant 3.125000e-02 : f32
        %mul3A_1133 = vector.broadcast %mul3A_1132 : f32 to vector<16xf32>
        %mul3A_1134 = arith.mulf %get3A_1131, %mul3A_1133 : vector<16xf32>
        %swap3A = arith.index_cast %scan3A_1120 : i32 to index
        %swap3A_1135 = arith.index_cast %mul3A_1128 : i32 to index
        %swap3A_1136 = tpu.vector_load %arg5[%swap3A, %swap3A_1135] {strides = array<i32>} : memref<32x1024xf32, #tpu.memory_space<vmem>>, vector<1x16xf32>,
        %swap3A_1137 = vector.shape_cast %swap3A_1136 : vector<1x16xf32> to vector<16xf32>
        %swap3A_1138 = vector.shape_cast %mul3A_1134 : vector<16xf32> to vector<1x16xf32>
        tpu.vector_store %arg5[%swap3A, %swap3A_1135], %swap3A_1138 {strides = array<i32>} : memref<32x1024xf32, #tpu.memory_space<vmem>>, vector<1x16xf32>,
        %scan3A_1139 = arith.constant 1 : i32
        %scan3A_1140 = arith.addi %scan3A_1126, %scan3A_1139 : i32
        %mul3A_1141 = arith.constant 16 : i32
        %mul3A_1142 = arith.muli %scan3A_1140, %mul3A_1141 : i32
        %get3A_1143 = arith.index_cast %scan3A_1120 : i32 to index
        %get3A_1144 = arith.index_cast %mul3A_1142 : i32 to index
        %get3A_1145 = tpu.vector_load %arg5[%get3A_1143, %get3A_1144] {strides = array<i32>} : memref<32x1024xf32, #tpu.memory_space<vmem>>, vector<1x16xf32>,
        %get3A_1146 = vector.shape_cast %get3A_1145 : vector<1x16xf32> to vector<16xf32>
        %mul3A_1147 = arith.constant 3.125000e-02 : f32
        %mul3A_1148 = vector.broadcast %mul3A_1147 : f32 to vector<16xf32>
        %mul3A_1149 = arith.mulf %get3A_1146, %mul3A_1148 : vector<16xf32>
        %swap3A_1150 = arith.index_cast %scan3A_1120 : i32 to index
        %swap3A_1151 = arith.index_cast %mul3A_1142 : i32 to index
        %swap3A_1152 = tpu.vector_load %arg5[%swap3A_1150, %swap3A_1151] {strides = array<i32>} : memref<32x1024xf32, #tpu.memory_space<vmem>>, vector<1x16xf32>,
        %swap3A_1153 = vector.shape_cast %swap3A_1152 : vector<1x16xf32> to vector<16xf32>
        %swap3A_1154 = vector.shape_cast %mul3A_1149 : vector<16xf32> to vector<1x16xf32>
        tpu.vector_store %arg5[%swap3A_1150, %swap3A_1151], %swap3A_1154 {strides = array<i32>} : memref<32x1024xf32, #tpu.memory_space<vmem>>, vector<1x16xf32>,
        %scan3A_1155 = arith.constant 2 : i32
        %scan3A_1156 = arith.addi %scan3A_1126, %scan3A_1155 : i32
        %mul3A_1157 = arith.constant 16 : i32
        %mul3A_1158 = arith.muli %scan3A_1156, %mul3A_1157 : i32
        %get3A_1159 = arith.index_cast %scan3A_1120 : i32 to index
        %get3A_1160 = arith.index_cast %mul3A_1158 : i32 to index
        %get3A_1161 = tpu.vector_load %arg5[%get3A_1159, %get3A_1160] {strides = array<i32>} : memref<32x1024xf32, #tpu.memory_space<vmem>>, vector<1x16xf32>,
        %get3A_1162 = vector.shape_cast %get3A_1161 : vector<1x16xf32> to vector<16xf32>
        %mul3A_1163 = arith.constant 3.125000e-02 : f32
        %mul3A_1164 = vector.broadcast %mul3A_1163 : f32 to vector<16xf32>
        %mul3A_1165 = arith.mulf %get3A_1162, %mul3A_1164 : vector<16xf32>
        %swap3A_1166 = arith.index_cast %scan3A_1120 : i32 to index
        %swap3A_1167 = arith.index_cast %mul3A_1158 : i32 to index
        %swap3A_1168 = tpu.vector_load %arg5[%swap3A_1166, %swap3A_1167] {strides = array<i32>} : memref<32x1024xf32, #tpu.memory_space<vmem>>, vector<1x16xf32>,
        %swap3A_1169 = vector.shape_cast %swap3A_1168 : vector<1x16xf32> to vector<16xf32>
        %swap3A_1170 = vector.shape_cast %mul3A_1165 : vector<16xf32> to vector<1x16xf32>
        tpu.vector_store %arg5[%swap3A_1166, %swap3A_1167], %swap3A_1170 {strides = array<i32>} : memref<32x1024xf32, #tpu.memory_space<vmem>>, vector<1x16xf32>,
        %scan3A_1171 = arith.constant 3 : i32
        %scan3A_1172 = arith.addi %scan3A_1126, %scan3A_1171 : i32
        %mul3A_1173 = arith.constant 16 : i32
        %mul3A_1174 = arith.muli %scan3A_1172, %mul3A_1173 : i32
        %get3A_1175 = arith.index_cast %scan3A_1120 : i32 to index
        %get3A_1176 = arith.index_cast %mul3A_1174 : i32 to index
        %get3A_1177 = tpu.vector_load %arg5[%get3A_1175, %get3A_1176] {strides = array<i32>} : memref<32x1024xf32, #tpu.memory_space<vmem>>, vector<1x16xf32>,
        %get3A_1178 = vector.shape_cast %get3A_1177 : vector<1x16xf32> to vector<16xf32>
        %mul3A_1179 = arith.constant 3.125000e-02 : f32
        %mul3A_1180 = vector.broadcast %mul3A_1179 : f32 to vector<16xf32>
        %mul3A_1181 = arith.mulf %get3A_1178, %mul3A_1180 : vector<16xf32>
        %swap3A_1182 = arith.index_cast %scan3A_1120 : i32 to index
        %swap3A_1183 = arith.index_cast %mul3A_1174 : i32 to index
        %swap3A_1184 = tpu.vector_load %arg5[%swap3A_1182, %swap3A_1183] {strides = array<i32>} : memref<32x1024xf32, #tpu.memory_space<vmem>>, vector<1x16xf32>,
        %swap3A_1185 = vector.shape_cast %swap3A_1184 : vector<1x16xf32> to vector<16xf32>
        %swap3A_1186 = vector.shape_cast %mul3A_1181 : vector<16xf32> to vector<1x16xf32>
        tpu.vector_store %arg5[%swap3A_1182, %swap3A_1183], %swap3A_1186 {strides = array<i32>} : memref<32x1024xf32, #tpu.memory_space<vmem>>, vector<1x16xf32>,
        %scan3A_1187 = arith.constant 4 : i32
        %scan3A_1188 = arith.addi %scan3A_1126, %scan3A_1187 : i32
        %mul3A_1189 = arith.constant 16 : i32
        %mul3A_1190 = arith.muli %scan3A_1188, %mul3A_1189 : i32
        %get3A_1191 = arith.index_cast %scan3A_1120 : i32 to index
        %get3A_1192 = arith.index_cast %mul3A_1190 : i32 to index
        %get3A_1193 = tpu.vector_load %arg5[%get3A_1191, %get3A_1192] {strides = array<i32>} : memref<32x1024xf32, #tpu.memory_space<vmem>>, vector<1x16xf32>,
        %get3A_1194 = vector.shape_cast %get3A_1193 : vector<1x16xf32> to vector<16xf32>
        %mul3A_1195 = arith.constant 3.125000e-02 : f32
        %mul3A_1196 = vector.broadcast %mul3A_1195 : f32 to vector<16xf32>
        %mul3A_1197 = arith.mulf %get3A_1194, %mul3A_1196 : vector<16xf32>
        %swap3A_1198 = arith.index_cast %scan3A_1120 : i32 to index
        %swap3A_1199 = arith.index_cast %mul3A_1190 : i32 to index
        %swap3A_1200 = tpu.vector_load %arg5[%swap3A_1198, %swap3A_1199] {strides = array<i32>} : memref<32x1024xf32, #tpu.memory_space<vmem>>, vector<1x16xf32>,
        %swap3A_1201 = vector.shape_cast %swap3A_1200 : vector<1x16xf32> to vector<16xf32>
        %swap3A_1202 = vector.shape_cast %mul3A_1197 : vector<16xf32> to vector<1x16xf32>
        tpu.vector_store %arg5[%swap3A_1198, %swap3A_1199], %swap3A_1202 {strides = array<i32>} : memref<32x1024xf32, #tpu.memory_space<vmem>>, vector<1x16xf32>,
        %scan3A_1203 = arith.constant 5 : i32
        %scan3A_1204 = arith.addi %scan3A_1126, %scan3A_1203 : i32
        %mul3A_1205 = arith.constant 16 : i32
        %mul3A_1206 = arith.muli %scan3A_1204, %mul3A_1205 : i32
        %get3A_1207 = arith.index_cast %scan3A_1120 : i32 to index
        %get3A_1208 = arith.index_cast %mul3A_1206 : i32 to index
        %get3A_1209 = tpu.vector_load %arg5[%get3A_1207, %get3A_1208] {strides = array<i32>} : memref<32x1024xf32, #tpu.memory_space<vmem>>, vector<1x16xf32>,
        %get3A_1210 = vector.shape_cast %get3A_1209 : vector<1x16xf32> to vector<16xf32>
        %mul3A_1211 = arith.constant 3.125000e-02 : f32
        %mul3A_1212 = vector.broadcast %mul3A_1211 : f32 to vector<16xf32>
        %mul3A_1213 = arith.mulf %get3A_1210, %mul3A_1212 : vector<16xf32>
        %swap3A_1214 = arith.index_cast %scan3A_1120 : i32 to index
        %swap3A_1215 = arith.index_cast %mul3A_1206 : i32 to index
        %swap3A_1216 = tpu.vector_load %arg5[%swap3A_1214, %swap3A_1215] {strides = array<i32>} : memref<32x1024xf32, #tpu.memory_space<vmem>>, vector<1x16xf32>,
        %swap3A_1217 = vector.shape_cast %swap3A_1216 : vector<1x16xf32> to vector<16xf32>
        %swap3A_1218 = vector.shape_cast %mul3A_1213 : vector<16xf32> to vector<1x16xf32>
        tpu.vector_store %arg5[%swap3A_1214, %swap3A_1215], %swap3A_1218 {strides = array<i32>} : memref<32x1024xf32, #tpu.memory_space<vmem>>, vector<1x16xf32>,
        %scan3A_1219 = arith.constant 6 : i32
        %scan3A_1220 = arith.addi %scan3A_1126, %scan3A_1219 : i32
        %mul3A_1221 = arith.constant 16 : i32
        %mul3A_1222 = arith.muli %scan3A_1220, %mul3A_1221 : i32
        %get3A_1223 = arith.index_cast %scan3A_1120 : i32 to index
        %get3A_1224 = arith.index_cast %mul3A_1222 : i32 to index
        %get3A_1225 = tpu.vector_load %arg5[%get3A_1223, %get3A_1224] {strides = array<i32>} : memref<32x1024xf32, #tpu.memory_space<vmem>>, vector<1x16xf32>,
        %get3A_1226 = vector.shape_cast %get3A_1225 : vector<1x16xf32> to vector<16xf32>
        %mul3A_1227 = arith.constant 3.125000e-02 : f32
        %mul3A_1228 = vector.broadcast %mul3A_1227 : f32 to vector<16xf32>
        %mul3A_1229 = arith.mulf %get3A_1226, %mul3A_1228 : vector<16xf32>
        %swap3A_1230 = arith.index_cast %scan3A_1120 : i32 to index
        %swap3A_1231 = arith.index_cast %mul3A_1222 : i32 to index
        %swap3A_1232 = tpu.vector_load %arg5[%swap3A_1230, %swap3A_1231] {strides = array<i32>} : memref<32x1024xf32, #tpu.memory_space<vmem>>, vector<1x16xf32>,
        %swap3A_1233 = vector.shape_cast %swap3A_1232 : vector<1x16xf32> to vector<16xf32>
        %swap3A_1234 = vector.shape_cast %mul3A_1229 : vector<16xf32> to vector<1x16xf32>
        tpu.vector_store %arg5[%swap3A_1230, %swap3A_1231], %swap3A_1234 {strides = array<i32>} : memref<32x1024xf32, #tpu.memory_space<vmem>>, vector<1x16xf32>,
        %scan3A_1235 = arith.constant 7 : i32
        %scan3A_1236 = arith.addi %scan3A_1126, %scan3A_1235 : i32
        %mul3A_1237 = arith.constant 16 : i32
        %mul3A_1238 = arith.muli %scan3A_1236, %mul3A_1237 : i32
        %get3A_1239 = arith.index_cast %scan3A_1120 : i32 to index
        %get3A_1240 = arith.index_cast %mul3A_1238 : i32 to index
        %get3A_1241 = tpu.vector_load %arg5[%get3A_1239, %get3A_1240] {strides = array<i32>} : memref<32x1024xf32, #tpu.memory_space<vmem>>, vector<1x16xf32>,
        %get3A_1242 = vector.shape_cast %get3A_1241 : vector<1x16xf32> to vector<16xf32>
        %mul3A_1243 = arith.constant 3.125000e-02 : f32
        %mul3A_1244 = vector.broadcast %mul3A_1243 : f32 to vector<16xf32>
        %mul3A_1245 = arith.mulf %get3A_1242, %mul3A_1244 : vector<16xf32>
        %swap3A_1246 = arith.index_cast %scan3A_1120 : i32 to index
        %swap3A_1247 = arith.index_cast %mul3A_1238 : i32 to index
        %swap3A_1248 = tpu.vector_load %arg5[%swap3A_1246, %swap3A_1247] {strides = array<i32>} : memref<32x1024xf32, #tpu.memory_space<vmem>>, vector<1x16xf32>,
        %swap3A_1249 = vector.shape_cast %swap3A_1248 : vector<1x16xf32> to vector<16xf32>
        %swap3A_1250 = vector.shape_cast %mul3A_1245 : vector<16xf32> to vector<1x16xf32>
        tpu.vector_store %arg5[%swap3A_1246, %swap3A_1247], %swap3A_1250 {strides = array<i32>} : memref<32x1024xf32, #tpu.memory_space<vmem>>, vector<1x16xf32>,
      }
      %scan3A_1125 = arith.constant 64 : i32
    }
    %scan3A_459 = arith.constant 32 : i32
    %add3A_460 = arith.constant 96 : i32
    %add3A_461 = arith.addi %mul3A_2, %add3A_460 : i32
    %dma_start3A_462 = arith.constant 0 : i32
    %dma_start3A_463 = arith.constant 0 : i32
    %dma_start3A_464 = arith.constant 0 : i32
    %dma_start3A_465 = tpu.memref_slice %arg5[%dma_start3A_463, %dma_start3A_464] : memref<32x1024xf32, #tpu.memory_space<vmem>> -> memref<32x1024xf32, #tpu.memory_space<vmem>>
    %dma_start3A_466 = arith.constant 0 : i32
    %dma_start3A_467 = tpu.memref_slice %arg3[%dma_start3A_462, %add3A_461, %dma_start3A_466] : memref<4x8192x1024xf32, #tpu.memory_space<hbm>> -> memref<1x32x1024xf32, #tpu.memory_space<hbm>>
    %dma_start3A_468 = tpu.memref_squeeze %dma_start3A_467 : memref<1x32x1024xf32, #tpu.memory_space<hbm>> -> memref<32x1024xf32, #tpu.memory_space<hbm>>
    %dma_start3A_469 = arith.constant 0 : i32
    %dma_start3A_470 = tpu.memref_slice %arg3[%dma_start3A_462, %add3A_461, %dma_start3A_469] : memref<4x8192x1024xf32, #tpu.memory_space<hbm>> -> memref<1x32x1024xf32, #tpu.memory_space<hbm>>
    %dma_start3A_471 = tpu.memref_squeeze %dma_start3A_470 : memref<1x32x1024xf32, #tpu.memory_space<hbm>> -> memref<32x1024xf32, #tpu.memory_space<hbm>>
    %dma_start3A_472 = arith.constant 0 : i32
    %dma_start3A_473 = arith.constant 0 : i32
    %dma_start3A_474 = tpu.memref_slice %arg5[%dma_start3A_472, %dma_start3A_473] : memref<32x1024xf32, #tpu.memory_space<vmem>> -> memref<32x1024xf32, #tpu.memory_space<vmem>>
    tpu.enqueue_dma source(%dma_start3A_474 : memref<32x1024xf32, #tpu.memory_space<vmem>>) target(%dma_start3A_471 : memref<32x1024xf32, #tpu.memory_space<hbm>>) target_semaphore(%arg9 : memref<!tpu.dma_semaphore, #tpu.memory_space<semaphore_mem>>)
    %add3A_475 = arith.constant 96 : i32
    %add3A_476 = arith.addi %mul3A_2, %add3A_475 : i32
    %dma_start3A_477 = arith.constant 1 : i32
    %dma_start3A_478 = arith.constant 0 : i32
    %dma_start3A_479 = arith.constant 0 : i32
    %dma_start3A_480 = tpu.memref_slice %arg5[%dma_start3A_478, %dma_start3A_479] : memref<32x1024xf32, #tpu.memory_space<vmem>> -> memref<32x1024xf32, #tpu.memory_space<vmem>>
    %dma_start3A_481 = arith.constant 0 : i32
    %dma_start3A_482 = tpu.memref_slice %arg3[%dma_start3A_477, %add3A_476, %dma_start3A_481] : memref<4x8192x1024xf32, #tpu.memory_space<hbm>> -> memref<1x32x1024xf32, #tpu.memory_space<hbm>>
    %dma_start3A_483 = tpu.memref_squeeze %dma_start3A_482 : memref<1x32x1024xf32, #tpu.memory_space<hbm>> -> memref<32x1024xf32, #tpu.memory_space<hbm>>
    %dma_start3A_484 = arith.constant 0 : i32
    %dma_start3A_485 = tpu.memref_slice %arg3[%dma_start3A_477, %add3A_476, %dma_start3A_484] : memref<4x8192x1024xf32, #tpu.memory_space<hbm>> -> memref<1x32x1024xf32, #tpu.memory_space<hbm>>
    %dma_start3A_486 = tpu.memref_squeeze %dma_start3A_485 : memref<1x32x1024xf32, #tpu.memory_space<hbm>> -> memref<32x1024xf32, #tpu.memory_space<hbm>>
    %dma_start3A_487 = arith.constant 0 : i32
    %dma_start3A_488 = arith.constant 0 : i32
    %dma_start3A_489 = tpu.memref_slice %arg5[%dma_start3A_487, %dma_start3A_488] : memref<32x1024xf32, #tpu.memory_space<vmem>> -> memref<32x1024xf32, #tpu.memory_space<vmem>>
    tpu.enqueue_dma source(%dma_start3A_489 : memref<32x1024xf32, #tpu.memory_space<vmem>>) target(%dma_start3A_486 : memref<32x1024xf32, #tpu.memory_space<hbm>>) target_semaphore(%arg9 : memref<!tpu.dma_semaphore, #tpu.memory_space<semaphore_mem>>)
    %add3A_490 = arith.constant 96 : i32
    %add3A_491 = arith.addi %mul3A_2, %add3A_490 : i32
    %dma_start3A_492 = arith.constant 2 : i32
    %dma_start3A_493 = arith.constant 0 : i32
    %dma_start3A_494 = arith.constant 0 : i32
    %dma_start3A_495 = tpu.memref_slice %arg5[%dma_start3A_493, %dma_start3A_494] : memref<32x1024xf32, #tpu.memory_space<vmem>> -> memref<32x1024xf32, #tpu.memory_space<vmem>>
    %dma_start3A_496 = arith.constant 0 : i32
    %dma_start3A_497 = tpu.memref_slice %arg3[%dma_start3A_492, %add3A_491, %dma_start3A_496] : memref<4x8192x1024xf32, #tpu.memory_space<hbm>> -> memref<1x32x1024xf32, #tpu.memory_space<hbm>>
    %dma_start3A_498 = tpu.memref_squeeze %dma_start3A_497 : memref<1x32x1024xf32, #tpu.memory_space<hbm>> -> memref<32x1024xf32, #tpu.memory_space<hbm>>
    %dma_start3A_499 = arith.constant 0 : i32
    %dma_start3A_500 = tpu.memref_slice %arg3[%dma_start3A_492, %add3A_491, %dma_start3A_499] : memref<4x8192x1024xf32, #tpu.memory_space<hbm>> -> memref<1x32x1024xf32, #tpu.memory_space<hbm>>
    %dma_start3A_501 = tpu.memref_squeeze %dma_start3A_500 : memref<1x32x1024xf32, #tpu.memory_space<hbm>> -> memref<32x1024xf32, #tpu.memory_space<hbm>>
    %dma_start3A_502 = arith.constant 0 : i32
    %dma_start3A_503 = arith.constant 0 : i32
    %dma_start3A_504 = tpu.memref_slice %arg5[%dma_start3A_502, %dma_start3A_503] : memref<32x1024xf32, #tpu.memory_space<vmem>> -> memref<32x1024xf32, #tpu.memory_space<vmem>>
    tpu.enqueue_dma source(%dma_start3A_504 : memref<32x1024xf32, #tpu.memory_space<vmem>>) target(%dma_start3A_501 : memref<32x1024xf32, #tpu.memory_space<hbm>>) target_semaphore(%arg9 : memref<!tpu.dma_semaphore, #tpu.memory_space<semaphore_mem>>)
    %add3A_505 = arith.constant 96 : i32
    %add3A_506 = arith.addi %mul3A_2, %add3A_505 : i32
    %dma_start3A_507 = arith.constant 3 : i32
    %dma_start3A_508 = arith.constant 0 : i32
    %dma_start3A_509 = arith.constant 0 : i32
    %dma_start3A_510 = tpu.memref_slice %arg5[%dma_start3A_508, %dma_start3A_509] : memref<32x1024xf32, #tpu.memory_space<vmem>> -> memref<32x1024xf32, #tpu.memory_space<vmem>>
    %dma_start3A_511 = arith.constant 0 : i32
    %dma_start3A_512 = tpu.memref_slice %arg3[%dma_start3A_507, %add3A_506, %dma_start3A_511] : memref<4x8192x1024xf32, #tpu.memory_space<hbm>> -> memref<1x32x1024xf32, #tpu.memory_space<hbm>>
    %dma_start3A_513 = tpu.memref_squeeze %dma_start3A_512 : memref<1x32x1024xf32, #tpu.memory_space<hbm>> -> memref<32x1024xf32, #tpu.memory_space<hbm>>
    %dma_start3A_514 = arith.constant 0 : i32
    %dma_start3A_515 = tpu.memref_slice %arg3[%dma_start3A_507, %add3A_506, %dma_start3A_514] : memref<4x8192x1024xf32, #tpu.memory_space<hbm>> -> memref<1x32x1024xf32, #tpu.memory_space<hbm>>
    %dma_start3A_516 = tpu.memref_squeeze %dma_start3A_515 : memref<1x32x1024xf32, #tpu.memory_space<hbm>> -> memref<32x1024xf32, #tpu.memory_space<hbm>>
    %dma_start3A_517 = arith.constant 0 : i32
    %dma_start3A_518 = arith.constant 0 : i32
    %dma_start3A_519 = tpu.memref_slice %arg5[%dma_start3A_517, %dma_start3A_518] : memref<32x1024xf32, #tpu.memory_space<vmem>> -> memref<32x1024xf32, #tpu.memory_space<vmem>>
    tpu.enqueue_dma source(%dma_start3A_519 : memref<32x1024xf32, #tpu.memory_space<vmem>>) target(%dma_start3A_516 : memref<32x1024xf32, #tpu.memory_space<hbm>>) target_semaphore(%arg9 : memref<!tpu.dma_semaphore, #tpu.memory_space<semaphore_mem>>)
    %dma_wait3A_520 = arith.constant 0 : i32
    %dma_wait3A_521 = arith.constant 0 : i32
    %dma_wait3A_522 = tpu.memref_slice %arg4[%dma_wait3A_520, %dma_wait3A_521] : memref<32x1024xf32, #tpu.memory_space<vmem>> -> memref<32x1024xf32, #tpu.memory_space<vmem>>
    %dma_wait3A_523 = arith.constant 0 : i32
    %dma_wait3A_524 = tpu.memref_slice %arg2[%add3A_443, %dma_wait3A_523] : memref<8192x1024xf32, #tpu.memory_space<hbm>> -> memref<32x1024xf32, #tpu.memory_space<hbm>>
    %dma_wait3A_525 = arith.constant 0 : i32
    %dma_wait3A_526 = arith.constant 0 : i32
    %dma_wait3A_527 = tpu.memref_slice %arg4[%dma_wait3A_525, %dma_wait3A_526] : memref<32x1024xf32, #tpu.memory_space<vmem>> -> memref<32x1024xf32, #tpu.memory_space<vmem>>
    %dma_wait3A_528 = arith.constant 0 : i32
    %dma_wait3A_529 = tpu.memref_slice %arg2[%add3A_443, %dma_wait3A_528] : memref<8192x1024xf32, #tpu.memory_space<hbm>> -> memref<32x1024xf32, #tpu.memory_space<hbm>>
    tpu.wait_dma2 semaphore(%arg6 : memref<!tpu.dma_semaphore, #tpu.memory_space<semaphore_mem>>) src(%dma_wait3A_529 : memref<32x1024xf32, #tpu.memory_space<hbm>>) dst(%dma_wait3A_527 : memref<32x1024xf32, #tpu.memory_space<vmem>>)
    %dma_wait3A_530 = arith.constant 0 : i32
    %dma_wait3A_531 = arith.constant 0 : i32
    %dma_wait3A_532 = arith.constant 0 : i32
    %dma_wait3A_533 = tpu.memref_slice %arg5[%dma_wait3A_531, %dma_wait3A_532] : memref<32x1024xf32, #tpu.memory_space<vmem>> -> memref<32x1024xf32, #tpu.memory_space<vmem>>
    %dma_wait3A_534 = arith.constant 0 : i32
    %dma_wait3A_535 = tpu.memref_slice %arg3[%dma_wait3A_530, %add3A_461, %dma_wait3A_534] : memref<4x8192x1024xf32, #tpu.memory_space<hbm>> -> memref<1x32x1024xf32, #tpu.memory_space<hbm>>
    %dma_wait3A_536 = tpu.memref_squeeze %dma_wait3A_535 : memref<1x32x1024xf32, #tpu.memory_space<hbm>> -> memref<32x1024xf32, #tpu.memory_space<hbm>>
    %dma_wait3A_537 = arith.constant 0 : i32
    %dma_wait3A_538 = tpu.memref_slice %arg3[%dma_wait3A_530, %add3A_461, %dma_wait3A_537] : memref<4x8192x1024xf32, #tpu.memory_space<hbm>> -> memref<1x32x1024xf32, #tpu.memory_space<hbm>>
    %dma_wait3A_539 = tpu.memref_squeeze %dma_wait3A_538 : memref<1x32x1024xf32, #tpu.memory_space<hbm>> -> memref<32x1024xf32, #tpu.memory_space<hbm>>
    %dma_wait3A_540 = arith.constant 0 : i32
    %dma_wait3A_541 = arith.constant 0 : i32
    %dma_wait3A_542 = tpu.memref_slice %arg5[%dma_wait3A_540, %dma_wait3A_541] : memref<32x1024xf32, #tpu.memory_space<vmem>> -> memref<32x1024xf32, #tpu.memory_space<vmem>>
    tpu.wait_dma2 semaphore(%arg9 : memref<!tpu.dma_semaphore, #tpu.memory_space<semaphore_mem>>) src(%dma_wait3A_542 : memref<32x1024xf32, #tpu.memory_space<vmem>>) dst(%dma_wait3A_539 : memref<32x1024xf32, #tpu.memory_space<hbm>>)
    %dma_wait3A_543 = arith.constant 1 : i32
    %dma_wait3A_544 = arith.constant 0 : i32
    %dma_wait3A_545 = arith.constant 0 : i32
    %dma_wait3A_546 = tpu.memref_slice %arg5[%dma_wait3A_544, %dma_wait3A_545] : memref<32x1024xf32, #tpu.memory_space<vmem>> -> memref<32x1024xf32, #tpu.memory_space<vmem>>
    %dma_wait3A_547 = arith.constant 0 : i32
    %dma_wait3A_548 = tpu.memref_slice %arg3[%dma_wait3A_543, %add3A_476, %dma_wait3A_547] : memref<4x8192x1024xf32, #tpu.memory_space<hbm>> -> memref<1x32x1024xf32, #tpu.memory_space<hbm>>
    %dma_wait3A_549 = tpu.memref_squeeze %dma_wait3A_548 : memref<1x32x1024xf32, #tpu.memory_space<hbm>> -> memref<32x1024xf32, #tpu.memory_space<hbm>>
    %dma_wait3A_550 = arith.constant 0 : i32
    %dma_wait3A_551 = tpu.memref_slice %arg3[%dma_wait3A_543, %add3A_476, %dma_wait3A_550] : memref<4x8192x1024xf32, #tpu.memory_space<hbm>> -> memref<1x32x1024xf32, #tpu.memory_space<hbm>>
    %dma_wait3A_552 = tpu.memref_squeeze %dma_wait3A_551 : memref<1x32x1024xf32, #tpu.memory_space<hbm>> -> memref<32x1024xf32, #tpu.memory_space<hbm>>
    %dma_wait3A_553 = arith.constant 0 : i32
    %dma_wait3A_554 = arith.constant 0 : i32
    %dma_wait3A_555 = tpu.memref_slice %arg5[%dma_wait3A_553, %dma_wait3A_554] : memref<32x1024xf32, #tpu.memory_space<vmem>> -> memref<32x1024xf32, #tpu.memory_space<vmem>>
    tpu.wait_dma2 semaphore(%arg9 : memref<!tpu.dma_semaphore, #tpu.memory_space<semaphore_mem>>) src(%dma_wait3A_555 : memref<32x1024xf32, #tpu.memory_space<vmem>>) dst(%dma_wait3A_552 : memref<32x1024xf32, #tpu.memory_space<hbm>>)
    %dma_wait3A_556 = arith.constant 2 : i32
    %dma_wait3A_557 = arith.constant 0 : i32
    %dma_wait3A_558 = arith.constant 0 : i32
    %dma_wait3A_559 = tpu.memref_slice %arg5[%dma_wait3A_557, %dma_wait3A_558] : memref<32x1024xf32, #tpu.memory_space<vmem>> -> memref<32x1024xf32, #tpu.memory_space<vmem>>
    %dma_wait3A_560 = arith.constant 0 : i32
    %dma_wait3A_561 = tpu.memref_slice %arg3[%dma_wait3A_556, %add3A_491, %dma_wait3A_560] : memref<4x8192x1024xf32, #tpu.memory_space<hbm>> -> memref<1x32x1024xf32, #tpu.memory_space<hbm>>
    %dma_wait3A_562 = tpu.memref_squeeze %dma_wait3A_561 : memref<1x32x1024xf32, #tpu.memory_space<hbm>> -> memref<32x1024xf32, #tpu.memory_space<hbm>>
    %dma_wait3A_563 = arith.constant 0 : i32
    %dma_wait3A_564 = tpu.memref_slice %arg3[%dma_wait3A_556, %add3A_491, %dma_wait3A_563] : memref<4x8192x1024xf32, #tpu.memory_space<hbm>> -> memref<1x32x1024xf32, #tpu.memory_space<hbm>>
    %dma_wait3A_565 = tpu.memref_squeeze %dma_wait3A_564 : memref<1x32x1024xf32, #tpu.memory_space<hbm>> -> memref<32x1024xf32, #tpu.memory_space<hbm>>
    %dma_wait3A_566 = arith.constant 0 : i32
    %dma_wait3A_567 = arith.constant 0 : i32
    %dma_wait3A_568 = tpu.memref_slice %arg5[%dma_wait3A_566, %dma_wait3A_567] : memref<32x1024xf32, #tpu.memory_space<vmem>> -> memref<32x1024xf32, #tpu.memory_space<vmem>>
    tpu.wait_dma2 semaphore(%arg9 : memref<!tpu.dma_semaphore, #tpu.memory_space<semaphore_mem>>) src(%dma_wait3A_568 : memref<32x1024xf32, #tpu.memory_space<vmem>>) dst(%dma_wait3A_565 : memref<32x1024xf32, #tpu.memory_space<hbm>>)
    %dma_wait3A_569 = arith.constant 3 : i32
    %dma_wait3A_570 = arith.constant 0 : i32
    %dma_wait3A_571 = arith.constant 0 : i32
    %dma_wait3A_572 = tpu.memref_slice %arg5[%dma_wait3A_570, %dma_wait3A_571] : memref<32x1024xf32, #tpu.memory_space<vmem>> -> memref<32x1024xf32, #tpu.memory_space<vmem>>
    %dma_wait3A_573 = arith.constant 0 : i32
    %dma_wait3A_574 = tpu.memref_slice %arg3[%dma_wait3A_569, %add3A_506, %dma_wait3A_573] : memref<4x8192x1024xf32, #tpu.memory_space<hbm>> -> memref<1x32x1024xf32, #tpu.memory_space<hbm>>
    %dma_wait3A_575 = tpu.memref_squeeze %dma_wait3A_574 : memref<1x32x1024xf32, #tpu.memory_space<hbm>> -> memref<32x1024xf32, #tpu.memory_space<hbm>>
    %dma_wait3A_576 = arith.constant 0 : i32
    %dma_wait3A_577 = tpu.memref_slice %arg3[%dma_wait3A_569, %add3A_506, %dma_wait3A_576] : memref<4x8192x1024xf32, #tpu.memory_space<hbm>> -> memref<1x32x1024xf32, #tpu.memory_space<hbm>>
    %dma_wait3A_578 = tpu.memref_squeeze %dma_wait3A_577 : memref<1x32x1024xf32, #tpu.memory_space<hbm>> -> memref<32x1024xf32, #tpu.memory_space<hbm>>
    %dma_wait3A_579 = arith.constant 0 : i32
    %dma_wait3A_580 = arith.constant 0 : i32
    %dma_wait3A_581 = tpu.memref_slice %arg5[%dma_wait3A_579, %dma_wait3A_580] : memref<32x1024xf32, #tpu.memory_space<vmem>> -> memref<32x1024xf32, #tpu.memory_space<vmem>>
    tpu.wait_dma2 semaphore(%arg9 : memref<!tpu.dma_semaphore, #tpu.memory_space<semaphore_mem>>) src(%dma_wait3A_581 : memref<32x1024xf32, #tpu.memory_space<vmem>>) dst(%dma_wait3A_578 : memref<32x1024xf32, #tpu.memory_space<hbm>>)
    %add3A_582 = arith.constant 160 : i32
    %add3A_583 = arith.addi %mul3A_2, %add3A_582 : i32
    %dma_start3A_584 = arith.constant 0 : i32
    %dma_start3A_585 = arith.constant 0 : i32
    %dma_start3A_586 = tpu.memref_slice %arg5[%dma_start3A_584, %dma_start3A_585] : memref<32x1024xf32, #tpu.memory_space<vmem>> -> memref<32x1024xf32, #tpu.memory_space<vmem>>
    %dma_start3A_587 = arith.constant 0 : i32
    %dma_start3A_588 = tpu.memref_slice %arg2[%add3A_583, %dma_start3A_587] : memref<8192x1024xf32, #tpu.memory_space<hbm>> -> memref<32x1024xf32, #tpu.memory_space<hbm>>
    %dma_start3A_589 = arith.constant 0 : i32
    %dma_start3A_590 = arith.constant 0 : i32
    %dma_start3A_591 = tpu.memref_slice %arg5[%dma_start3A_589, %dma_start3A_590] : memref<32x1024xf32, #tpu.memory_space<vmem>> -> memref<32x1024xf32, #tpu.memory_space<vmem>>
    %dma_start3A_592 = arith.constant 0 : i32
    %dma_start3A_593 = tpu.memref_slice %arg2[%add3A_583, %dma_start3A_592] : memref<8192x1024xf32, #tpu.memory_space<hbm>> -> memref<32x1024xf32, #tpu.memory_space<hbm>>
    tpu.enqueue_dma source(%dma_start3A_593 : memref<32x1024xf32, #tpu.memory_space<hbm>>) target(%dma_start3A_591 : memref<32x1024xf32, #tpu.memory_space<vmem>>) target_semaphore(%arg7 : memref<!tpu.dma_semaphore, #tpu.memory_space<semaphore_mem>>)
    %scan3A_594 = arith.constant 0 : i32
    %scan3A_595 = arith.constant 0 : i32
    %scan3A_596 = arith.constant 32 : i32
    %scan3A_597 = arith.addi %scan3A_595, %scan3A_596 : i32
    %scan3A_598 = arith.constant 1 : i32
    scf.for %scan3A_1120 = %scan3A_595 to %scan3A_597 step %scan3A_598  : i32 {
      %scan3A_1121 = arith.constant 0 : i32
      %scan3A_1122 = arith.constant 64 : i32
      %scan3A_1123 = arith.addi %scan3A_1121, %scan3A_1122 : i32
      %scan3A_1124 = arith.constant 8 : i32
      scf.for %scan3A_1126 = %scan3A_1121 to %scan3A_1123 step %scan3A_1124  : i32 {
        %mul3A_1127 = arith.constant 16 : i32
        %mul3A_1128 = arith.muli %scan3A_1126, %mul3A_1127 : i32
        %get3A = arith.index_cast %scan3A_1120 : i32 to index
        %get3A_1129 = arith.index_cast %mul3A_1128 : i32 to index
        %get3A_1130 = tpu.vector_load %arg4[%get3A, %get3A_1129] {strides = array<i32>} : memref<32x1024xf32, #tpu.memory_space<vmem>>, vector<1x16xf32>,
        %get3A_1131 = vector.shape_cast %get3A_1130 : vector<1x16xf32> to vector<16xf32>
        %mul3A_1132 = arith.constant 3.125000e-02 : f32
        %mul3A_1133 = vector.broadcast %mul3A_1132 : f32 to vector<16xf32>
        %mul3A_1134 = arith.mulf %get3A_1131, %mul3A_1133 : vector<16xf32>
        %swap3A = arith.index_cast %scan3A_1120 : i32 to index
        %swap3A_1135 = arith.index_cast %mul3A_1128 : i32 to index
        %swap3A_1136 = tpu.vector_load %arg4[%swap3A, %swap3A_1135] {strides = array<i32>} : memref<32x1024xf32, #tpu.memory_space<vmem>>, vector<1x16xf32>,
        %swap3A_1137 = vector.shape_cast %swap3A_1136 : vector<1x16xf32> to vector<16xf32>
        %swap3A_1138 = vector.shape_cast %mul3A_1134 : vector<16xf32> to vector<1x16xf32>
        tpu.vector_store %arg4[%swap3A, %swap3A_1135], %swap3A_1138 {strides = array<i32>} : memref<32x1024xf32, #tpu.memory_space<vmem>>, vector<1x16xf32>,
        %scan3A_1139 = arith.constant 1 : i32
        %scan3A_1140 = arith.addi %scan3A_1126, %scan3A_1139 : i32
        %mul3A_1141 = arith.constant 16 : i32
        %mul3A_1142 = arith.muli %scan3A_1140, %mul3A_1141 : i32
        %get3A_1143 = arith.index_cast %scan3A_1120 : i32 to index
        %get3A_1144 = arith.index_cast %mul3A_1142 : i32 to index
        %get3A_1145 = tpu.vector_load %arg4[%get3A_1143, %get3A_1144] {strides = array<i32>} : memref<32x1024xf32, #tpu.memory_space<vmem>>, vector<1x16xf32>,
        %get3A_1146 = vector.shape_cast %get3A_1145 : vector<1x16xf32> to vector<16xf32>
        %mul3A_1147 = arith.constant 3.125000e-02 : f32
        %mul3A_1148 = vector.broadcast %mul3A_1147 : f32 to vector<16xf32>
        %mul3A_1149 = arith.mulf %get3A_1146, %mul3A_1148 : vector<16xf32>
        %swap3A_1150 = arith.index_cast %scan3A_1120 : i32 to index
        %swap3A_1151 = arith.index_cast %mul3A_1142 : i32 to index
        %swap3A_1152 = tpu.vector_load %arg4[%swap3A_1150, %swap3A_1151] {strides = array<i32>} : memref<32x1024xf32, #tpu.memory_space<vmem>>, vector<1x16xf32>,
        %swap3A_1153 = vector.shape_cast %swap3A_1152 : vector<1x16xf32> to vector<16xf32>
        %swap3A_1154 = vector.shape_cast %mul3A_1149 : vector<16xf32> to vector<1x16xf32>
        tpu.vector_store %arg4[%swap3A_1150, %swap3A_1151], %swap3A_1154 {strides = array<i32>} : memref<32x1024xf32, #tpu.memory_space<vmem>>, vector<1x16xf32>,
        %scan3A_1155 = arith.constant 2 : i32
        %scan3A_1156 = arith.addi %scan3A_1126, %scan3A_1155 : i32
        %mul3A_1157 = arith.constant 16 : i32
        %mul3A_1158 = arith.muli %scan3A_1156, %mul3A_1157 : i32
        %get3A_1159 = arith.index_cast %scan3A_1120 : i32 to index
        %get3A_1160 = arith.index_cast %mul3A_1158 : i32 to index
        %get3A_1161 = tpu.vector_load %arg4[%get3A_1159, %get3A_1160] {strides = array<i32>} : memref<32x1024xf32, #tpu.memory_space<vmem>>, vector<1x16xf32>,
        %get3A_1162 = vector.shape_cast %get3A_1161 : vector<1x16xf32> to vector<16xf32>
        %mul3A_1163 = arith.constant 3.125000e-02 : f32
        %mul3A_1164 = vector.broadcast %mul3A_1163 : f32 to vector<16xf32>
        %mul3A_1165 = arith.mulf %get3A_1162, %mul3A_1164 : vector<16xf32>
        %swap3A_1166 = arith.index_cast %scan3A_1120 : i32 to index
        %swap3A_1167 = arith.index_cast %mul3A_1158 : i32 to index
        %swap3A_1168 = tpu.vector_load %arg4[%swap3A_1166, %swap3A_1167] {strides = array<i32>} : memref<32x1024xf32, #tpu.memory_space<vmem>>, vector<1x16xf32>,
        %swap3A_1169 = vector.shape_cast %swap3A_1168 : vector<1x16xf32> to vector<16xf32>
        %swap3A_1170 = vector.shape_cast %mul3A_1165 : vector<16xf32> to vector<1x16xf32>
        tpu.vector_store %arg4[%swap3A_1166, %swap3A_1167], %swap3A_1170 {strides = array<i32>} : memref<32x1024xf32, #tpu.memory_space<vmem>>, vector<1x16xf32>,
        %scan3A_1171 = arith.constant 3 : i32
        %scan3A_1172 = arith.addi %scan3A_1126, %scan3A_1171 : i32
        %mul3A_1173 = arith.constant 16 : i32
        %mul3A_1174 = arith.muli %scan3A_1172, %mul3A_1173 : i32
        %get3A_1175 = arith.index_cast %scan3A_1120 : i32 to index
        %get3A_1176 = arith.index_cast %mul3A_1174 : i32 to index
        %get3A_1177 = tpu.vector_load %arg4[%get3A_1175, %get3A_1176] {strides = array<i32>} : memref<32x1024xf32, #tpu.memory_space<vmem>>, vector<1x16xf32>,
        %get3A_1178 = vector.shape_cast %get3A_1177 : vector<1x16xf32> to vector<16xf32>
        %mul3A_1179 = arith.constant 3.125000e-02 : f32
        %mul3A_1180 = vector.broadcast %mul3A_1179 : f32 to vector<16xf32>
        %mul3A_1181 = arith.mulf %get3A_1178, %mul3A_1180 : vector<16xf32>
        %swap3A_1182 = arith.index_cast %scan3A_1120 : i32 to index
        %swap3A_1183 = arith.index_cast %mul3A_1174 : i32 to index
        %swap3A_1184 = tpu.vector_load %arg4[%swap3A_1182, %swap3A_1183] {strides = array<i32>} : memref<32x1024xf32, #tpu.memory_space<vmem>>, vector<1x16xf32>,
        %swap3A_1185 = vector.shape_cast %swap3A_1184 : vector<1x16xf32> to vector<16xf32>
        %swap3A_1186 = vector.shape_cast %mul3A_1181 : vector<16xf32> to vector<1x16xf32>
        tpu.vector_store %arg4[%swap3A_1182, %swap3A_1183], %swap3A_1186 {strides = array<i32>} : memref<32x1024xf32, #tpu.memory_space<vmem>>, vector<1x16xf32>,
        %scan3A_1187 = arith.constant 4 : i32
        %scan3A_1188 = arith.addi %scan3A_1126, %scan3A_1187 : i32
        %mul3A_1189 = arith.constant 16 : i32
        %mul3A_1190 = arith.muli %scan3A_1188, %mul3A_1189 : i32
        %get3A_1191 = arith.index_cast %scan3A_1120 : i32 to index
        %get3A_1192 = arith.index_cast %mul3A_1190 : i32 to index
        %get3A_1193 = tpu.vector_load %arg4[%get3A_1191, %get3A_1192] {strides = array<i32>} : memref<32x1024xf32, #tpu.memory_space<vmem>>, vector<1x16xf32>,
        %get3A_1194 = vector.shape_cast %get3A_1193 : vector<1x16xf32> to vector<16xf32>
        %mul3A_1195 = arith.constant 3.125000e-02 : f32
        %mul3A_1196 = vector.broadcast %mul3A_1195 : f32 to vector<16xf32>
        %mul3A_1197 = arith.mulf %get3A_1194, %mul3A_1196 : vector<16xf32>
        %swap3A_1198 = arith.index_cast %scan3A_1120 : i32 to index
        %swap3A_1199 = arith.index_cast %mul3A_1190 : i32 to index
        %swap3A_1200 = tpu.vector_load %arg4[%swap3A_1198, %swap3A_1199] {strides = array<i32>} : memref<32x1024xf32, #tpu.memory_space<vmem>>, vector<1x16xf32>,
        %swap3A_1201 = vector.shape_cast %swap3A_1200 : vector<1x16xf32> to vector<16xf32>
        %swap3A_1202 = vector.shape_cast %mul3A_1197 : vector<16xf32> to vector<1x16xf32>
        tpu.vector_store %arg4[%swap3A_1198, %swap3A_1199], %swap3A_1202 {strides = array<i32>} : memref<32x1024xf32, #tpu.memory_space<vmem>>, vector<1x16xf32>,
        %scan3A_1203 = arith.constant 5 : i32
        %scan3A_1204 = arith.addi %scan3A_1126, %scan3A_1203 : i32
        %mul3A_1205 = arith.constant 16 : i32
        %mul3A_1206 = arith.muli %scan3A_1204, %mul3A_1205 : i32
        %get3A_1207 = arith.index_cast %scan3A_1120 : i32 to index
        %get3A_1208 = arith.index_cast %mul3A_1206 : i32 to index
        %get3A_1209 = tpu.vector_load %arg4[%get3A_1207, %get3A_1208] {strides = array<i32>} : memref<32x1024xf32, #tpu.memory_space<vmem>>, vector<1x16xf32>,
        %get3A_1210 = vector.shape_cast %get3A_1209 : vector<1x16xf32> to vector<16xf32>
        %mul3A_1211 = arith.constant 3.125000e-02 : f32
        %mul3A_1212 = vector.broadcast %mul3A_1211 : f32 to vector<16xf32>
        %mul3A_1213 = arith.mulf %get3A_1210, %mul3A_1212 : vector<16xf32>
        %swap3A_1214 = arith.index_cast %scan3A_1120 : i32 to index
        %swap3A_1215 = arith.index_cast %mul3A_1206 : i32 to index
        %swap3A_1216 = tpu.vector_load %arg4[%swap3A_1214, %swap3A_1215] {strides = array<i32>} : memref<32x1024xf32, #tpu.memory_space<vmem>>, vector<1x16xf32>,
        %swap3A_1217 = vector.shape_cast %swap3A_1216 : vector<1x16xf32> to vector<16xf32>
        %swap3A_1218 = vector.shape_cast %mul3A_1213 : vector<16xf32> to vector<1x16xf32>
        tpu.vector_store %arg4[%swap3A_1214, %swap3A_1215], %swap3A_1218 {strides = array<i32>} : memref<32x1024xf32, #tpu.memory_space<vmem>>, vector<1x16xf32>,
        %scan3A_1219 = arith.constant 6 : i32
        %scan3A_1220 = arith.addi %scan3A_1126, %scan3A_1219 : i32
        %mul3A_1221 = arith.constant 16 : i32
        %mul3A_1222 = arith.muli %scan3A_1220, %mul3A_1221 : i32
        %get3A_1223 = arith.index_cast %scan3A_1120 : i32 to index
        %get3A_1224 = arith.index_cast %mul3A_1222 : i32 to index
        %get3A_1225 = tpu.vector_load %arg4[%get3A_1223, %get3A_1224] {strides = array<i32>} : memref<32x1024xf32, #tpu.memory_space<vmem>>, vector<1x16xf32>,
        %get3A_1226 = vector.shape_cast %get3A_1225 : vector<1x16xf32> to vector<16xf32>
        %mul3A_1227 = arith.constant 3.125000e-02 : f32
        %mul3A_1228 = vector.broadcast %mul3A_1227 : f32 to vector<16xf32>
        %mul3A_1229 = arith.mulf %get3A_1226, %mul3A_1228 : vector<16xf32>
        %swap3A_1230 = arith.index_cast %scan3A_1120 : i32 to index
        %swap3A_1231 = arith.index_cast %mul3A_1222 : i32 to index
        %swap3A_1232 = tpu.vector_load %arg4[%swap3A_1230, %swap3A_1231] {strides = array<i32>} : memref<32x1024xf32, #tpu.memory_space<vmem>>, vector<1x16xf32>,
        %swap3A_1233 = vector.shape_cast %swap3A_1232 : vector<1x16xf32> to vector<16xf32>
        %swap3A_1234 = vector.shape_cast %mul3A_1229 : vector<16xf32> to vector<1x16xf32>
        tpu.vector_store %arg4[%swap3A_1230, %swap3A_1231], %swap3A_1234 {strides = array<i32>} : memref<32x1024xf32, #tpu.memory_space<vmem>>, vector<1x16xf32>,
        %scan3A_1235 = arith.constant 7 : i32
        %scan3A_1236 = arith.addi %scan3A_1126, %scan3A_1235 : i32
        %mul3A_1237 = arith.constant 16 : i32
        %mul3A_1238 = arith.muli %scan3A_1236, %mul3A_1237 : i32
        %get3A_1239 = arith.index_cast %scan3A_1120 : i32 to index
        %get3A_1240 = arith.index_cast %mul3A_1238 : i32 to index
        %get3A_1241 = tpu.vector_load %arg4[%get3A_1239, %get3A_1240] {strides = array<i32>} : memref<32x1024xf32, #tpu.memory_space<vmem>>, vector<1x16xf32>,
        %get3A_1242 = vector.shape_cast %get3A_1241 : vector<1x16xf32> to vector<16xf32>
        %mul3A_1243 = arith.constant 3.125000e-02 : f32
        %mul3A_1244 = vector.broadcast %mul3A_1243 : f32 to vector<16xf32>
        %mul3A_1245 = arith.mulf %get3A_1242, %mul3A_1244 : vector<16xf32>
        %swap3A_1246 = arith.index_cast %scan3A_1120 : i32 to index
        %swap3A_1247 = arith.index_cast %mul3A_1238 : i32 to index
        %swap3A_1248 = tpu.vector_load %arg4[%swap3A_1246, %swap3A_1247] {strides = array<i32>} : memref<32x1024xf32, #tpu.memory_space<vmem>>, vector<1x16xf32>,
        %swap3A_1249 = vector.shape_cast %swap3A_1248 : vector<1x16xf32> to vector<16xf32>
        %swap3A_1250 = vector.shape_cast %mul3A_1245 : vector<16xf32> to vector<1x16xf32>
        tpu.vector_store %arg4[%swap3A_1246, %swap3A_1247], %swap3A_1250 {strides = array<i32>} : memref<32x1024xf32, #tpu.memory_space<vmem>>, vector<1x16xf32>,
      }
      %scan3A_1125 = arith.constant 64 : i32
    }
    %scan3A_599 = arith.constant 32 : i32
    %add3A_600 = arith.constant 128 : i32
    %add3A_601 = arith.addi %mul3A_2, %add3A_600 : i32
    %dma_start3A_602 = arith.constant 0 : i32
    %dma_start3A_603 = arith.constant 0 : i32
    %dma_start3A_604 = arith.constant 0 : i32
    %dma_start3A_605 = tpu.memref_slice %arg4[%dma_start3A_603, %dma_start3A_604] : memref<32x1024xf32, #tpu.memory_space<vmem>> -> memref<32x1024xf32, #tpu.memory_space<vmem>>
    %dma_start3A_606 = arith.constant 0 : i32
    %dma_start3A_607 = tpu.memref_slice %arg3[%dma_start3A_602, %add3A_601, %dma_start3A_606] : memref<4x8192x1024xf32, #tpu.memory_space<hbm>> -> memref<1x32x1024xf32, #tpu.memory_space<hbm>>
    %dma_start3A_608 = tpu.memref_squeeze %dma_start3A_607 : memref<1x32x1024xf32, #tpu.memory_space<hbm>> -> memref<32x1024xf32, #tpu.memory_space<hbm>>
    %dma_start3A_609 = arith.constant 0 : i32
    %dma_start3A_610 = tpu.memref_slice %arg3[%dma_start3A_602, %add3A_601, %dma_start3A_609] : memref<4x8192x1024xf32, #tpu.memory_space<hbm>> -> memref<1x32x1024xf32, #tpu.memory_space<hbm>>
    %dma_start3A_611 = tpu.memref_squeeze %dma_start3A_610 : memref<1x32x1024xf32, #tpu.memory_space<hbm>> -> memref<32x1024xf32, #tpu.memory_space<hbm>>
    %dma_start3A_612 = arith.constant 0 : i32
    %dma_start3A_613 = arith.constant 0 : i32
    %dma_start3A_614 = tpu.memref_slice %arg4[%dma_start3A_612, %dma_start3A_613] : memref<32x1024xf32, #tpu.memory_space<vmem>> -> memref<32x1024xf32, #tpu.memory_space<vmem>>
    tpu.enqueue_dma source(%dma_start3A_614 : memref<32x1024xf32, #tpu.memory_space<vmem>>) target(%dma_start3A_611 : memref<32x1024xf32, #tpu.memory_space<hbm>>) target_semaphore(%arg8 : memref<!tpu.dma_semaphore, #tpu.memory_space<semaphore_mem>>)
    %add3A_615 = arith.constant 128 : i32
    %add3A_616 = arith.addi %mul3A_2, %add3A_615 : i32
    %dma_start3A_617 = arith.constant 1 : i32
    %dma_start3A_618 = arith.constant 0 : i32
    %dma_start3A_619 = arith.constant 0 : i32
    %dma_start3A_620 = tpu.memref_slice %arg4[%dma_start3A_618, %dma_start3A_619] : memref<32x1024xf32, #tpu.memory_space<vmem>> -> memref<32x1024xf32, #tpu.memory_space<vmem>>
    %dma_start3A_621 = arith.constant 0 : i32
    %dma_start3A_622 = tpu.memref_slice %arg3[%dma_start3A_617, %add3A_616, %dma_start3A_621] : memref<4x8192x1024xf32, #tpu.memory_space<hbm>> -> memref<1x32x1024xf32, #tpu.memory_space<hbm>>
    %dma_start3A_623 = tpu.memref_squeeze %dma_start3A_622 : memref<1x32x1024xf32, #tpu.memory_space<hbm>> -> memref<32x1024xf32, #tpu.memory_space<hbm>>
    %dma_start3A_624 = arith.constant 0 : i32
    %dma_start3A_625 = tpu.memref_slice %arg3[%dma_start3A_617, %add3A_616, %dma_start3A_624] : memref<4x8192x1024xf32, #tpu.memory_space<hbm>> -> memref<1x32x1024xf32, #tpu.memory_space<hbm>>
    %dma_start3A_626 = tpu.memref_squeeze %dma_start3A_625 : memref<1x32x1024xf32, #tpu.memory_space<hbm>> -> memref<32x1024xf32, #tpu.memory_space<hbm>>
    %dma_start3A_627 = arith.constant 0 : i32
    %dma_start3A_628 = arith.constant 0 : i32
    %dma_start3A_629 = tpu.memref_slice %arg4[%dma_start3A_627, %dma_start3A_628] : memref<32x1024xf32, #tpu.memory_space<vmem>> -> memref<32x1024xf32, #tpu.memory_space<vmem>>
    tpu.enqueue_dma source(%dma_start3A_629 : memref<32x1024xf32, #tpu.memory_space<vmem>>) target(%dma_start3A_626 : memref<32x1024xf32, #tpu.memory_space<hbm>>) target_semaphore(%arg8 : memref<!tpu.dma_semaphore, #tpu.memory_space<semaphore_mem>>)
    %add3A_630 = arith.constant 128 : i32
    %add3A_631 = arith.addi %mul3A_2, %add3A_630 : i32
    %dma_start3A_632 = arith.constant 2 : i32
    %dma_start3A_633 = arith.constant 0 : i32
    %dma_start3A_634 = arith.constant 0 : i32
    %dma_start3A_635 = tpu.memref_slice %arg4[%dma_start3A_633, %dma_start3A_634] : memref<32x1024xf32, #tpu.memory_space<vmem>> -> memref<32x1024xf32, #tpu.memory_space<vmem>>
    %dma_start3A_636 = arith.constant 0 : i32
    %dma_start3A_637 = tpu.memref_slice %arg3[%dma_start3A_632, %add3A_631, %dma_start3A_636] : memref<4x8192x1024xf32, #tpu.memory_space<hbm>> -> memref<1x32x1024xf32, #tpu.memory_space<hbm>>
    %dma_start3A_638 = tpu.memref_squeeze %dma_start3A_637 : memref<1x32x1024xf32, #tpu.memory_space<hbm>> -> memref<32x1024xf32, #tpu.memory_space<hbm>>
    %dma_start3A_639 = arith.constant 0 : i32
    %dma_start3A_640 = tpu.memref_slice %arg3[%dma_start3A_632, %add3A_631, %dma_start3A_639] : memref<4x8192x1024xf32, #tpu.memory_space<hbm>> -> memref<1x32x1024xf32, #tpu.memory_space<hbm>>
    %dma_start3A_641 = tpu.memref_squeeze %dma_start3A_640 : memref<1x32x1024xf32, #tpu.memory_space<hbm>> -> memref<32x1024xf32, #tpu.memory_space<hbm>>
    %dma_start3A_642 = arith.constant 0 : i32
    %dma_start3A_643 = arith.constant 0 : i32
    %dma_start3A_644 = tpu.memref_slice %arg4[%dma_start3A_642, %dma_start3A_643] : memref<32x1024xf32, #tpu.memory_space<vmem>> -> memref<32x1024xf32, #tpu.memory_space<vmem>>
    tpu.enqueue_dma source(%dma_start3A_644 : memref<32x1024xf32, #tpu.memory_space<vmem>>) target(%dma_start3A_641 : memref<32x1024xf32, #tpu.memory_space<hbm>>) target_semaphore(%arg8 : memref<!tpu.dma_semaphore, #tpu.memory_space<semaphore_mem>>)
    %add3A_645 = arith.constant 128 : i32
    %add3A_646 = arith.addi %mul3A_2, %add3A_645 : i32
    %dma_start3A_647 = arith.constant 3 : i32
    %dma_start3A_648 = arith.constant 0 : i32
    %dma_start3A_649 = arith.constant 0 : i32
    %dma_start3A_650 = tpu.memref_slice %arg4[%dma_start3A_648, %dma_start3A_649] : memref<32x1024xf32, #tpu.memory_space<vmem>> -> memref<32x1024xf32, #tpu.memory_space<vmem>>
    %dma_start3A_651 = arith.constant 0 : i32
    %dma_start3A_652 = tpu.memref_slice %arg3[%dma_start3A_647, %add3A_646, %dma_start3A_651] : memref<4x8192x1024xf32, #tpu.memory_space<hbm>> -> memref<1x32x1024xf32, #tpu.memory_space<hbm>>
    %dma_start3A_653 = tpu.memref_squeeze %dma_start3A_652 : memref<1x32x1024xf32, #tpu.memory_space<hbm>> -> memref<32x1024xf32, #tpu.memory_space<hbm>>
    %dma_start3A_654 = arith.constant 0 : i32
    %dma_start3A_655 = tpu.memref_slice %arg3[%dma_start3A_647, %add3A_646, %dma_start3A_654] : memref<4x8192x1024xf32, #tpu.memory_space<hbm>> -> memref<1x32x1024xf32, #tpu.memory_space<hbm>>
    %dma_start3A_656 = tpu.memref_squeeze %dma_start3A_655 : memref<1x32x1024xf32, #tpu.memory_space<hbm>> -> memref<32x1024xf32, #tpu.memory_space<hbm>>
    %dma_start3A_657 = arith.constant 0 : i32
    %dma_start3A_658 = arith.constant 0 : i32
    %dma_start3A_659 = tpu.memref_slice %arg4[%dma_start3A_657, %dma_start3A_658] : memref<32x1024xf32, #tpu.memory_space<vmem>> -> memref<32x1024xf32, #tpu.memory_space<vmem>>
    tpu.enqueue_dma source(%dma_start3A_659 : memref<32x1024xf32, #tpu.memory_space<vmem>>) target(%dma_start3A_656 : memref<32x1024xf32, #tpu.memory_space<hbm>>) target_semaphore(%arg8 : memref<!tpu.dma_semaphore, #tpu.memory_space<semaphore_mem>>)
    %dma_wait3A_660 = arith.constant 0 : i32
    %dma_wait3A_661 = arith.constant 0 : i32
    %dma_wait3A_662 = tpu.memref_slice %arg5[%dma_wait3A_660, %dma_wait3A_661] : memref<32x1024xf32, #tpu.memory_space<vmem>> -> memref<32x1024xf32, #tpu.memory_space<vmem>>
    %dma_wait3A_663 = arith.constant 0 : i32
    %dma_wait3A_664 = tpu.memref_slice %arg2[%add3A_583, %dma_wait3A_663] : memref<8192x1024xf32, #tpu.memory_space<hbm>> -> memref<32x1024xf32, #tpu.memory_space<hbm>>
    %dma_wait3A_665 = arith.constant 0 : i32
    %dma_wait3A_666 = arith.constant 0 : i32
    %dma_wait3A_667 = tpu.memref_slice %arg5[%dma_wait3A_665, %dma_wait3A_666] : memref<32x1024xf32, #tpu.memory_space<vmem>> -> memref<32x1024xf32, #tpu.memory_space<vmem>>
    %dma_wait3A_668 = arith.constant 0 : i32
    %dma_wait3A_669 = tpu.memref_slice %arg2[%add3A_583, %dma_wait3A_668] : memref<8192x1024xf32, #tpu.memory_space<hbm>> -> memref<32x1024xf32, #tpu.memory_space<hbm>>
    tpu.wait_dma2 semaphore(%arg7 : memref<!tpu.dma_semaphore, #tpu.memory_space<semaphore_mem>>) src(%dma_wait3A_669 : memref<32x1024xf32, #tpu.memory_space<hbm>>) dst(%dma_wait3A_667 : memref<32x1024xf32, #tpu.memory_space<vmem>>)
    %dma_wait3A_670 = arith.constant 0 : i32
    %dma_wait3A_671 = arith.constant 0 : i32
    %dma_wait3A_672 = arith.constant 0 : i32
    %dma_wait3A_673 = tpu.memref_slice %arg4[%dma_wait3A_671, %dma_wait3A_672] : memref<32x1024xf32, #tpu.memory_space<vmem>> -> memref<32x1024xf32, #tpu.memory_space<vmem>>
    %dma_wait3A_674 = arith.constant 0 : i32
    %dma_wait3A_675 = tpu.memref_slice %arg3[%dma_wait3A_670, %add3A_601, %dma_wait3A_674] : memref<4x8192x1024xf32, #tpu.memory_space<hbm>> -> memref<1x32x1024xf32, #tpu.memory_space<hbm>>
    %dma_wait3A_676 = tpu.memref_squeeze %dma_wait3A_675 : memref<1x32x1024xf32, #tpu.memory_space<hbm>> -> memref<32x1024xf32, #tpu.memory_space<hbm>>
    %dma_wait3A_677 = arith.constant 0 : i32
    %dma_wait3A_678 = tpu.memref_slice %arg3[%dma_wait3A_670, %add3A_601, %dma_wait3A_677] : memref<4x8192x1024xf32, #tpu.memory_space<hbm>> -> memref<1x32x1024xf32, #tpu.memory_space<hbm>>
    %dma_wait3A_679 = tpu.memref_squeeze %dma_wait3A_678 : memref<1x32x1024xf32, #tpu.memory_space<hbm>> -> memref<32x1024xf32, #tpu.memory_space<hbm>>
    %dma_wait3A_680 = arith.constant 0 : i32
    %dma_wait3A_681 = arith.constant 0 : i32
    %dma_wait3A_682 = tpu.memref_slice %arg4[%dma_wait3A_680, %dma_wait3A_681] : memref<32x1024xf32, #tpu.memory_space<vmem>> -> memref<32x1024xf32, #tpu.memory_space<vmem>>
    tpu.wait_dma2 semaphore(%arg8 : memref<!tpu.dma_semaphore, #tpu.memory_space<semaphore_mem>>) src(%dma_wait3A_682 : memref<32x1024xf32, #tpu.memory_space<vmem>>) dst(%dma_wait3A_679 : memref<32x1024xf32, #tpu.memory_space<hbm>>)
    %dma_wait3A_683 = arith.constant 1 : i32
    %dma_wait3A_684 = arith.constant 0 : i32
    %dma_wait3A_685 = arith.constant 0 : i32
    %dma_wait3A_686 = tpu.memref_slice %arg4[%dma_wait3A_684, %dma_wait3A_685] : memref<32x1024xf32, #tpu.memory_space<vmem>> -> memref<32x1024xf32, #tpu.memory_space<vmem>>
    %dma_wait3A_687 = arith.constant 0 : i32
    %dma_wait3A_688 = tpu.memref_slice %arg3[%dma_wait3A_683, %add3A_616, %dma_wait3A_687] : memref<4x8192x1024xf32, #tpu.memory_space<hbm>> -> memref<1x32x1024xf32, #tpu.memory_space<hbm>>
    %dma_wait3A_689 = tpu.memref_squeeze %dma_wait3A_688 : memref<1x32x1024xf32, #tpu.memory_space<hbm>> -> memref<32x1024xf32, #tpu.memory_space<hbm>>
    %dma_wait3A_690 = arith.constant 0 : i32
    %dma_wait3A_691 = tpu.memref_slice %arg3[%dma_wait3A_683, %add3A_616, %dma_wait3A_690] : memref<4x8192x1024xf32, #tpu.memory_space<hbm>> -> memref<1x32x1024xf32, #tpu.memory_space<hbm>>
    %dma_wait3A_692 = tpu.memref_squeeze %dma_wait3A_691 : memref<1x32x1024xf32, #tpu.memory_space<hbm>> -> memref<32x1024xf32, #tpu.memory_space<hbm>>
    %dma_wait3A_693 = arith.constant 0 : i32
    %dma_wait3A_694 = arith.constant 0 : i32
    %dma_wait3A_695 = tpu.memref_slice %arg4[%dma_wait3A_693, %dma_wait3A_694] : memref<32x1024xf32, #tpu.memory_space<vmem>> -> memref<32x1024xf32, #tpu.memory_space<vmem>>
    tpu.wait_dma2 semaphore(%arg8 : memref<!tpu.dma_semaphore, #tpu.memory_space<semaphore_mem>>) src(%dma_wait3A_695 : memref<32x1024xf32, #tpu.memory_space<vmem>>) dst(%dma_wait3A_692 : memref<32x1024xf32, #tpu.memory_space<hbm>>)
    %dma_wait3A_696 = arith.constant 2 : i32
    %dma_wait3A_697 = arith.constant 0 : i32
    %dma_wait3A_698 = arith.constant 0 : i32
    %dma_wait3A_699 = tpu.memref_slice %arg4[%dma_wait3A_697, %dma_wait3A_698] : memref<32x1024xf32, #tpu.memory_space<vmem>> -> memref<32x1024xf32, #tpu.memory_space<vmem>>
    %dma_wait3A_700 = arith.constant 0 : i32
    %dma_wait3A_701 = tpu.memref_slice %arg3[%dma_wait3A_696, %add3A_631, %dma_wait3A_700] : memref<4x8192x1024xf32, #tpu.memory_space<hbm>> -> memref<1x32x1024xf32, #tpu.memory_space<hbm>>
    %dma_wait3A_702 = tpu.memref_squeeze %dma_wait3A_701 : memref<1x32x1024xf32, #tpu.memory_space<hbm>> -> memref<32x1024xf32, #tpu.memory_space<hbm>>
    %dma_wait3A_703 = arith.constant 0 : i32
    %dma_wait3A_704 = tpu.memref_slice %arg3[%dma_wait3A_696, %add3A_631, %dma_wait3A_703] : memref<4x8192x1024xf32, #tpu.memory_space<hbm>> -> memref<1x32x1024xf32, #tpu.memory_space<hbm>>
    %dma_wait3A_705 = tpu.memref_squeeze %dma_wait3A_704 : memref<1x32x1024xf32, #tpu.memory_space<hbm>> -> memref<32x1024xf32, #tpu.memory_space<hbm>>
    %dma_wait3A_706 = arith.constant 0 : i32
    %dma_wait3A_707 = arith.constant 0 : i32
    %dma_wait3A_708 = tpu.memref_slice %arg4[%dma_wait3A_706, %dma_wait3A_707] : memref<32x1024xf32, #tpu.memory_space<vmem>> -> memref<32x1024xf32, #tpu.memory_space<vmem>>
    tpu.wait_dma2 semaphore(%arg8 : memref<!tpu.dma_semaphore, #tpu.memory_space<semaphore_mem>>) src(%dma_wait3A_708 : memref<32x1024xf32, #tpu.memory_space<vmem>>) dst(%dma_wait3A_705 : memref<32x1024xf32, #tpu.memory_space<hbm>>)
    %dma_wait3A_709 = arith.constant 3 : i32
    %dma_wait3A_710 = arith.constant 0 : i32
    %dma_wait3A_711 = arith.constant 0 : i32
    %dma_wait3A_712 = tpu.memref_slice %arg4[%dma_wait3A_710, %dma_wait3A_711] : memref<32x1024xf32, #tpu.memory_space<vmem>> -> memref<32x1024xf32, #tpu.memory_space<vmem>>
    %dma_wait3A_713 = arith.constant 0 : i32
    %dma_wait3A_714 = tpu.memref_slice %arg3[%dma_wait3A_709, %add3A_646, %dma_wait3A_713] : memref<4x8192x1024xf32, #tpu.memory_space<hbm>> -> memref<1x32x1024xf32, #tpu.memory_space<hbm>>
    %dma_wait3A_715 = tpu.memref_squeeze %dma_wait3A_714 : memref<1x32x1024xf32, #tpu.memory_space<hbm>> -> memref<32x1024xf32, #tpu.memory_space<hbm>>
    %dma_wait3A_716 = arith.constant 0 : i32
    %dma_wait3A_717 = tpu.memref_slice %arg3[%dma_wait3A_709, %add3A_646, %dma_wait3A_716] : memref<4x8192x1024xf32, #tpu.memory_space<hbm>> -> memref<1x32x1024xf32, #tpu.memory_space<hbm>>
    %dma_wait3A_718 = tpu.memref_squeeze %dma_wait3A_717 : memref<1x32x1024xf32, #tpu.memory_space<hbm>> -> memref<32x1024xf32, #tpu.memory_space<hbm>>
    %dma_wait3A_719 = arith.constant 0 : i32
    %dma_wait3A_720 = arith.constant 0 : i32
    %dma_wait3A_721 = tpu.memref_slice %arg4[%dma_wait3A_719, %dma_wait3A_720] : memref<32x1024xf32, #tpu.memory_space<vmem>> -> memref<32x1024xf32, #tpu.memory_space<vmem>>
    tpu.wait_dma2 semaphore(%arg8 : memref<!tpu.dma_semaphore, #tpu.memory_space<semaphore_mem>>) src(%dma_wait3A_721 : memref<32x1024xf32, #tpu.memory_space<vmem>>) dst(%dma_wait3A_718 : memref<32x1024xf32, #tpu.memory_space<hbm>>)
    %add3A_722 = arith.constant 192 : i32
    %add3A_723 = arith.addi %mul3A_2, %add3A_722 : i32
    %dma_start3A_724 = arith.constant 0 : i32
    %dma_start3A_725 = arith.constant 0 : i32
    %dma_start3A_726 = tpu.memref_slice %arg4[%dma_start3A_724, %dma_start3A_725] : memref<32x1024xf32, #tpu.memory_space<vmem>> -> memref<32x1024xf32, #tpu.memory_space<vmem>>
    %dma_start3A_727 = arith.constant 0 : i32
    %dma_start3A_728 = tpu.memref_slice %arg2[%add3A_723, %dma_start3A_727] : memref<8192x1024xf32, #tpu.memory_space<hbm>> -> memref<32x1024xf32, #tpu.memory_space<hbm>>
    %dma_start3A_729 = arith.constant 0 : i32
    %dma_start3A_730 = arith.constant 0 : i32
    %dma_start3A_731 = tpu.memref_slice %arg4[%dma_start3A_729, %dma_start3A_730] : memref<32x1024xf32, #tpu.memory_space<vmem>> -> memref<32x1024xf32, #tpu.memory_space<vmem>>
    %dma_start3A_732 = arith.constant 0 : i32
    %dma_start3A_733 = tpu.memref_slice %arg2[%add3A_723, %dma_start3A_732] : memref<8192x1024xf32, #tpu.memory_space<hbm>> -> memref<32x1024xf32, #tpu.memory_space<hbm>>
    tpu.enqueue_dma source(%dma_start3A_733 : memref<32x1024xf32, #tpu.memory_space<hbm>>) target(%dma_start3A_731 : memref<32x1024xf32, #tpu.memory_space<vmem>>) target_semaphore(%arg6 : memref<!tpu.dma_semaphore, #tpu.memory_space<semaphore_mem>>)
    %scan3A_734 = arith.constant 0 : i32
    %scan3A_735 = arith.constant 0 : i32
    %scan3A_736 = arith.constant 32 : i32
    %scan3A_737 = arith.addi %scan3A_735, %scan3A_736 : i32
    %scan3A_738 = arith.constant 1 : i32
    scf.for %scan3A_1120 = %scan3A_735 to %scan3A_737 step %scan3A_738  : i32 {
      %scan3A_1121 = arith.constant 0 : i32
      %scan3A_1122 = arith.constant 64 : i32
      %scan3A_1123 = arith.addi %scan3A_1121, %scan3A_1122 : i32
      %scan3A_1124 = arith.constant 8 : i32
      scf.for %scan3A_1126 = %scan3A_1121 to %scan3A_1123 step %scan3A_1124  : i32 {
        %mul3A_1127 = arith.constant 16 : i32
        %mul3A_1128 = arith.muli %scan3A_1126, %mul3A_1127 : i32
        %get3A = arith.index_cast %scan3A_1120 : i32 to index
        %get3A_1129 = arith.index_cast %mul3A_1128 : i32 to index
        %get3A_1130 = tpu.vector_load %arg5[%get3A, %get3A_1129] {strides = array<i32>} : memref<32x1024xf32, #tpu.memory_space<vmem>>, vector<1x16xf32>,
        %get3A_1131 = vector.shape_cast %get3A_1130 : vector<1x16xf32> to vector<16xf32>
        %mul3A_1132 = arith.constant 3.125000e-02 : f32
        %mul3A_1133 = vector.broadcast %mul3A_1132 : f32 to vector<16xf32>
        %mul3A_1134 = arith.mulf %get3A_1131, %mul3A_1133 : vector<16xf32>
        %swap3A = arith.index_cast %scan3A_1120 : i32 to index
        %swap3A_1135 = arith.index_cast %mul3A_1128 : i32 to index
        %swap3A_1136 = tpu.vector_load %arg5[%swap3A, %swap3A_1135] {strides = array<i32>} : memref<32x1024xf32, #tpu.memory_space<vmem>>, vector<1x16xf32>,
        %swap3A_1137 = vector.shape_cast %swap3A_1136 : vector<1x16xf32> to vector<16xf32>
        %swap3A_1138 = vector.shape_cast %mul3A_1134 : vector<16xf32> to vector<1x16xf32>
        tpu.vector_store %arg5[%swap3A, %swap3A_1135], %swap3A_1138 {strides = array<i32>} : memref<32x1024xf32, #tpu.memory_space<vmem>>, vector<1x16xf32>,
        %scan3A_1139 = arith.constant 1 : i32
        %scan3A_1140 = arith.addi %scan3A_1126, %scan3A_1139 : i32
        %mul3A_1141 = arith.constant 16 : i32
        %mul3A_1142 = arith.muli %scan3A_1140, %mul3A_1141 : i32
        %get3A_1143 = arith.index_cast %scan3A_1120 : i32 to index
        %get3A_1144 = arith.index_cast %mul3A_1142 : i32 to index
        %get3A_1145 = tpu.vector_load %arg5[%get3A_1143, %get3A_1144] {strides = array<i32>} : memref<32x1024xf32, #tpu.memory_space<vmem>>, vector<1x16xf32>,
        %get3A_1146 = vector.shape_cast %get3A_1145 : vector<1x16xf32> to vector<16xf32>
        %mul3A_1147 = arith.constant 3.125000e-02 : f32
        %mul3A_1148 = vector.broadcast %mul3A_1147 : f32 to vector<16xf32>
        %mul3A_1149 = arith.mulf %get3A_1146, %mul3A_1148 : vector<16xf32>
        %swap3A_1150 = arith.index_cast %scan3A_1120 : i32 to index
        %swap3A_1151 = arith.index_cast %mul3A_1142 : i32 to index
        %swap3A_1152 = tpu.vector_load %arg5[%swap3A_1150, %swap3A_1151] {strides = array<i32>} : memref<32x1024xf32, #tpu.memory_space<vmem>>, vector<1x16xf32>,
        %swap3A_1153 = vector.shape_cast %swap3A_1152 : vector<1x16xf32> to vector<16xf32>
        %swap3A_1154 = vector.shape_cast %mul3A_1149 : vector<16xf32> to vector<1x16xf32>
        tpu.vector_store %arg5[%swap3A_1150, %swap3A_1151], %swap3A_1154 {strides = array<i32>} : memref<32x1024xf32, #tpu.memory_space<vmem>>, vector<1x16xf32>,
        %scan3A_1155 = arith.constant 2 : i32
        %scan3A_1156 = arith.addi %scan3A_1126, %scan3A_1155 : i32
        %mul3A_1157 = arith.constant 16 : i32
        %mul3A_1158 = arith.muli %scan3A_1156, %mul3A_1157 : i32
        %get3A_1159 = arith.index_cast %scan3A_1120 : i32 to index
        %get3A_1160 = arith.index_cast %mul3A_1158 : i32 to index
        %get3A_1161 = tpu.vector_load %arg5[%get3A_1159, %get3A_1160] {strides = array<i32>} : memref<32x1024xf32, #tpu.memory_space<vmem>>, vector<1x16xf32>,
        %get3A_1162 = vector.shape_cast %get3A_1161 : vector<1x16xf32> to vector<16xf32>
        %mul3A_1163 = arith.constant 3.125000e-02 : f32
        %mul3A_1164 = vector.broadcast %mul3A_1163 : f32 to vector<16xf32>
        %mul3A_1165 = arith.mulf %get3A_1162, %mul3A_1164 : vector<16xf32>
        %swap3A_1166 = arith.index_cast %scan3A_1120 : i32 to index
        %swap3A_1167 = arith.index_cast %mul3A_1158 : i32 to index
        %swap3A_1168 = tpu.vector_load %arg5[%swap3A_1166, %swap3A_1167] {strides = array<i32>} : memref<32x1024xf32, #tpu.memory_space<vmem>>, vector<1x16xf32>,
        %swap3A_1169 = vector.shape_cast %swap3A_1168 : vector<1x16xf32> to vector<16xf32>
        %swap3A_1170 = vector.shape_cast %mul3A_1165 : vector<16xf32> to vector<1x16xf32>
        tpu.vector_store %arg5[%swap3A_1166, %swap3A_1167], %swap3A_1170 {strides = array<i32>} : memref<32x1024xf32, #tpu.memory_space<vmem>>, vector<1x16xf32>,
        %scan3A_1171 = arith.constant 3 : i32
        %scan3A_1172 = arith.addi %scan3A_1126, %scan3A_1171 : i32
        %mul3A_1173 = arith.constant 16 : i32
        %mul3A_1174 = arith.muli %scan3A_1172, %mul3A_1173 : i32
        %get3A_1175 = arith.index_cast %scan3A_1120 : i32 to index
        %get3A_1176 = arith.index_cast %mul3A_1174 : i32 to index
        %get3A_1177 = tpu.vector_load %arg5[%get3A_1175, %get3A_1176] {strides = array<i32>} : memref<32x1024xf32, #tpu.memory_space<vmem>>, vector<1x16xf32>,
        %get3A_1178 = vector.shape_cast %get3A_1177 : vector<1x16xf32> to vector<16xf32>
        %mul3A_1179 = arith.constant 3.125000e-02 : f32
        %mul3A_1180 = vector.broadcast %mul3A_1179 : f32 to vector<16xf32>
        %mul3A_1181 = arith.mulf %get3A_1178, %mul3A_1180 : vector<16xf32>
        %swap3A_1182 = arith.index_cast %scan3A_1120 : i32 to index
        %swap3A_1183 = arith.index_cast %mul3A_1174 : i32 to index
        %swap3A_1184 = tpu.vector_load %arg5[%swap3A_1182, %swap3A_1183] {strides = array<i32>} : memref<32x1024xf32, #tpu.memory_space<vmem>>, vector<1x16xf32>,
        %swap3A_1185 = vector.shape_cast %swap3A_1184 : vector<1x16xf32> to vector<16xf32>
        %swap3A_1186 = vector.shape_cast %mul3A_1181 : vector<16xf32> to vector<1x16xf32>
        tpu.vector_store %arg5[%swap3A_1182, %swap3A_1183], %swap3A_1186 {strides = array<i32>} : memref<32x1024xf32, #tpu.memory_space<vmem>>, vector<1x16xf32>,
        %scan3A_1187 = arith.constant 4 : i32
        %scan3A_1188 = arith.addi %scan3A_1126, %scan3A_1187 : i32
        %mul3A_1189 = arith.constant 16 : i32
        %mul3A_1190 = arith.muli %scan3A_1188, %mul3A_1189 : i32
        %get3A_1191 = arith.index_cast %scan3A_1120 : i32 to index
        %get3A_1192 = arith.index_cast %mul3A_1190 : i32 to index
        %get3A_1193 = tpu.vector_load %arg5[%get3A_1191, %get3A_1192] {strides = array<i32>} : memref<32x1024xf32, #tpu.memory_space<vmem>>, vector<1x16xf32>,
        %get3A_1194 = vector.shape_cast %get3A_1193 : vector<1x16xf32> to vector<16xf32>
        %mul3A_1195 = arith.constant 3.125000e-02 : f32
        %mul3A_1196 = vector.broadcast %mul3A_1195 : f32 to vector<16xf32>
        %mul3A_1197 = arith.mulf %get3A_1194, %mul3A_1196 : vector<16xf32>
        %swap3A_1198 = arith.index_cast %scan3A_1120 : i32 to index
        %swap3A_1199 = arith.index_cast %mul3A_1190 : i32 to index
        %swap3A_1200 = tpu.vector_load %arg5[%swap3A_1198, %swap3A_1199] {strides = array<i32>} : memref<32x1024xf32, #tpu.memory_space<vmem>>, vector<1x16xf32>,
        %swap3A_1201 = vector.shape_cast %swap3A_1200 : vector<1x16xf32> to vector<16xf32>
        %swap3A_1202 = vector.shape_cast %mul3A_1197 : vector<16xf32> to vector<1x16xf32>
        tpu.vector_store %arg5[%swap3A_1198, %swap3A_1199], %swap3A_1202 {strides = array<i32>} : memref<32x1024xf32, #tpu.memory_space<vmem>>, vector<1x16xf32>,
        %scan3A_1203 = arith.constant 5 : i32
        %scan3A_1204 = arith.addi %scan3A_1126, %scan3A_1203 : i32
        %mul3A_1205 = arith.constant 16 : i32
        %mul3A_1206 = arith.muli %scan3A_1204, %mul3A_1205 : i32
        %get3A_1207 = arith.index_cast %scan3A_1120 : i32 to index
        %get3A_1208 = arith.index_cast %mul3A_1206 : i32 to index
        %get3A_1209 = tpu.vector_load %arg5[%get3A_1207, %get3A_1208] {strides = array<i32>} : memref<32x1024xf32, #tpu.memory_space<vmem>>, vector<1x16xf32>,
        %get3A_1210 = vector.shape_cast %get3A_1209 : vector<1x16xf32> to vector<16xf32>
        %mul3A_1211 = arith.constant 3.125000e-02 : f32
        %mul3A_1212 = vector.broadcast %mul3A_1211 : f32 to vector<16xf32>
        %mul3A_1213 = arith.mulf %get3A_1210, %mul3A_1212 : vector<16xf32>
        %swap3A_1214 = arith.index_cast %scan3A_1120 : i32 to index
        %swap3A_1215 = arith.index_cast %mul3A_1206 : i32 to index
        %swap3A_1216 = tpu.vector_load %arg5[%swap3A_1214, %swap3A_1215] {strides = array<i32>} : memref<32x1024xf32, #tpu.memory_space<vmem>>, vector<1x16xf32>,
        %swap3A_1217 = vector.shape_cast %swap3A_1216 : vector<1x16xf32> to vector<16xf32>
        %swap3A_1218 = vector.shape_cast %mul3A_1213 : vector<16xf32> to vector<1x16xf32>
        tpu.vector_store %arg5[%swap3A_1214, %swap3A_1215], %swap3A_1218 {strides = array<i32>} : memref<32x1024xf32, #tpu.memory_space<vmem>>, vector<1x16xf32>,
        %scan3A_1219 = arith.constant 6 : i32
        %scan3A_1220 = arith.addi %scan3A_1126, %scan3A_1219 : i32
        %mul3A_1221 = arith.constant 16 : i32
        %mul3A_1222 = arith.muli %scan3A_1220, %mul3A_1221 : i32
        %get3A_1223 = arith.index_cast %scan3A_1120 : i32 to index
        %get3A_1224 = arith.index_cast %mul3A_1222 : i32 to index
        %get3A_1225 = tpu.vector_load %arg5[%get3A_1223, %get3A_1224] {strides = array<i32>} : memref<32x1024xf32, #tpu.memory_space<vmem>>, vector<1x16xf32>,
        %get3A_1226 = vector.shape_cast %get3A_1225 : vector<1x16xf32> to vector<16xf32>
        %mul3A_1227 = arith.constant 3.125000e-02 : f32
        %mul3A_1228 = vector.broadcast %mul3A_1227 : f32 to vector<16xf32>
        %mul3A_1229 = arith.mulf %get3A_1226, %mul3A_1228 : vector<16xf32>
        %swap3A_1230 = arith.index_cast %scan3A_1120 : i32 to index
        %swap3A_1231 = arith.index_cast %mul3A_1222 : i32 to index
        %swap3A_1232 = tpu.vector_load %arg5[%swap3A_1230, %swap3A_1231] {strides = array<i32>} : memref<32x1024xf32, #tpu.memory_space<vmem>>, vector<1x16xf32>,
        %swap3A_1233 = vector.shape_cast %swap3A_1232 : vector<1x16xf32> to vector<16xf32>
        %swap3A_1234 = vector.shape_cast %mul3A_1229 : vector<16xf32> to vector<1x16xf32>
        tpu.vector_store %arg5[%swap3A_1230, %swap3A_1231], %swap3A_1234 {strides = array<i32>} : memref<32x1024xf32, #tpu.memory_space<vmem>>, vector<1x16xf32>,
        %scan3A_1235 = arith.constant 7 : i32
        %scan3A_1236 = arith.addi %scan3A_1126, %scan3A_1235 : i32
        %mul3A_1237 = arith.constant 16 : i32
        %mul3A_1238 = arith.muli %scan3A_1236, %mul3A_1237 : i32
        %get3A_1239 = arith.index_cast %scan3A_1120 : i32 to index
        %get3A_1240 = arith.index_cast %mul3A_1238 : i32 to index
        %get3A_1241 = tpu.vector_load %arg5[%get3A_1239, %get3A_1240] {strides = array<i32>} : memref<32x1024xf32, #tpu.memory_space<vmem>>, vector<1x16xf32>,
        %get3A_1242 = vector.shape_cast %get3A_1241 : vector<1x16xf32> to vector<16xf32>
        %mul3A_1243 = arith.constant 3.125000e-02 : f32
        %mul3A_1244 = vector.broadcast %mul3A_1243 : f32 to vector<16xf32>
        %mul3A_1245 = arith.mulf %get3A_1242, %mul3A_1244 : vector<16xf32>
        %swap3A_1246 = arith.index_cast %scan3A_1120 : i32 to index
        %swap3A_1247 = arith.index_cast %mul3A_1238 : i32 to index
        %swap3A_1248 = tpu.vector_load %arg5[%swap3A_1246, %swap3A_1247] {strides = array<i32>} : memref<32x1024xf32, #tpu.memory_space<vmem>>, vector<1x16xf32>,
        %swap3A_1249 = vector.shape_cast %swap3A_1248 : vector<1x16xf32> to vector<16xf32>
        %swap3A_1250 = vector.shape_cast %mul3A_1245 : vector<16xf32> to vector<1x16xf32>
        tpu.vector_store %arg5[%swap3A_1246, %swap3A_1247], %swap3A_1250 {strides = array<i32>} : memref<32x1024xf32, #tpu.memory_space<vmem>>, vector<1x16xf32>,
      }
      %scan3A_1125 = arith.constant 64 : i32
    }
    %scan3A_739 = arith.constant 32 : i32
    %add3A_740 = arith.constant 160 : i32
    %add3A_741 = arith.addi %mul3A_2, %add3A_740 : i32
    %dma_start3A_742 = arith.constant 0 : i32
    %dma_start3A_743 = arith.constant 0 : i32
    %dma_start3A_744 = arith.constant 0 : i32
    %dma_start3A_745 = tpu.memref_slice %arg5[%dma_start3A_743, %dma_start3A_744] : memref<32x1024xf32, #tpu.memory_space<vmem>> -> memref<32x1024xf32, #tpu.memory_space<vmem>>
    %dma_start3A_746 = arith.constant 0 : i32
    %dma_start3A_747 = tpu.memref_slice %arg3[%dma_start3A_742, %add3A_741, %dma_start3A_746] : memref<4x8192x1024xf32, #tpu.memory_space<hbm>> -> memref<1x32x1024xf32, #tpu.memory_space<hbm>>
    %dma_start3A_748 = tpu.memref_squeeze %dma_start3A_747 : memref<1x32x1024xf32, #tpu.memory_space<hbm>> -> memref<32x1024xf32, #tpu.memory_space<hbm>>
    %dma_start3A_749 = arith.constant 0 : i32
    %dma_start3A_750 = tpu.memref_slice %arg3[%dma_start3A_742, %add3A_741, %dma_start3A_749] : memref<4x8192x1024xf32, #tpu.memory_space<hbm>> -> memref<1x32x1024xf32, #tpu.memory_space<hbm>>
    %dma_start3A_751 = tpu.memref_squeeze %dma_start3A_750 : memref<1x32x1024xf32, #tpu.memory_space<hbm>> -> memref<32x1024xf32, #tpu.memory_space<hbm>>
    %dma_start3A_752 = arith.constant 0 : i32
    %dma_start3A_753 = arith.constant 0 : i32
    %dma_start3A_754 = tpu.memref_slice %arg5[%dma_start3A_752, %dma_start3A_753] : memref<32x1024xf32, #tpu.memory_space<vmem>> -> memref<32x1024xf32, #tpu.memory_space<vmem>>
    tpu.enqueue_dma source(%dma_start3A_754 : memref<32x1024xf32, #tpu.memory_space<vmem>>) target(%dma_start3A_751 : memref<32x1024xf32, #tpu.memory_space<hbm>>) target_semaphore(%arg9 : memref<!tpu.dma_semaphore, #tpu.memory_space<semaphore_mem>>)
    %add3A_755 = arith.constant 160 : i32
    %add3A_756 = arith.addi %mul3A_2, %add3A_755 : i32
    %dma_start3A_757 = arith.constant 1 : i32
    %dma_start3A_758 = arith.constant 0 : i32
    %dma_start3A_759 = arith.constant 0 : i32
    %dma_start3A_760 = tpu.memref_slice %arg5[%dma_start3A_758, %dma_start3A_759] : memref<32x1024xf32, #tpu.memory_space<vmem>> -> memref<32x1024xf32, #tpu.memory_space<vmem>>
    %dma_start3A_761 = arith.constant 0 : i32
    %dma_start3A_762 = tpu.memref_slice %arg3[%dma_start3A_757, %add3A_756, %dma_start3A_761] : memref<4x8192x1024xf32, #tpu.memory_space<hbm>> -> memref<1x32x1024xf32, #tpu.memory_space<hbm>>
    %dma_start3A_763 = tpu.memref_squeeze %dma_start3A_762 : memref<1x32x1024xf32, #tpu.memory_space<hbm>> -> memref<32x1024xf32, #tpu.memory_space<hbm>>
    %dma_start3A_764 = arith.constant 0 : i32
    %dma_start3A_765 = tpu.memref_slice %arg3[%dma_start3A_757, %add3A_756, %dma_start3A_764] : memref<4x8192x1024xf32, #tpu.memory_space<hbm>> -> memref<1x32x1024xf32, #tpu.memory_space<hbm>>
    %dma_start3A_766 = tpu.memref_squeeze %dma_start3A_765 : memref<1x32x1024xf32, #tpu.memory_space<hbm>> -> memref<32x1024xf32, #tpu.memory_space<hbm>>
    %dma_start3A_767 = arith.constant 0 : i32
    %dma_start3A_768 = arith.constant 0 : i32
    %dma_start3A_769 = tpu.memref_slice %arg5[%dma_start3A_767, %dma_start3A_768] : memref<32x1024xf32, #tpu.memory_space<vmem>> -> memref<32x1024xf32, #tpu.memory_space<vmem>>
    tpu.enqueue_dma source(%dma_start3A_769 : memref<32x1024xf32, #tpu.memory_space<vmem>>) target(%dma_start3A_766 : memref<32x1024xf32, #tpu.memory_space<hbm>>) target_semaphore(%arg9 : memref<!tpu.dma_semaphore, #tpu.memory_space<semaphore_mem>>)
    %add3A_770 = arith.constant 160 : i32
    %add3A_771 = arith.addi %mul3A_2, %add3A_770 : i32
    %dma_start3A_772 = arith.constant 2 : i32
    %dma_start3A_773 = arith.constant 0 : i32
    %dma_start3A_774 = arith.constant 0 : i32
    %dma_start3A_775 = tpu.memref_slice %arg5[%dma_start3A_773, %dma_start3A_774] : memref<32x1024xf32, #tpu.memory_space<vmem>> -> memref<32x1024xf32, #tpu.memory_space<vmem>>
    %dma_start3A_776 = arith.constant 0 : i32
    %dma_start3A_777 = tpu.memref_slice %arg3[%dma_start3A_772, %add3A_771, %dma_start3A_776] : memref<4x8192x1024xf32, #tpu.memory_space<hbm>> -> memref<1x32x1024xf32, #tpu.memory_space<hbm>>
    %dma_start3A_778 = tpu.memref_squeeze %dma_start3A_777 : memref<1x32x1024xf32, #tpu.memory_space<hbm>> -> memref<32x1024xf32, #tpu.memory_space<hbm>>
    %dma_start3A_779 = arith.constant 0 : i32
    %dma_start3A_780 = tpu.memref_slice %arg3[%dma_start3A_772, %add3A_771, %dma_start3A_779] : memref<4x8192x1024xf32, #tpu.memory_space<hbm>> -> memref<1x32x1024xf32, #tpu.memory_space<hbm>>
    %dma_start3A_781 = tpu.memref_squeeze %dma_start3A_780 : memref<1x32x1024xf32, #tpu.memory_space<hbm>> -> memref<32x1024xf32, #tpu.memory_space<hbm>>
    %dma_start3A_782 = arith.constant 0 : i32
    %dma_start3A_783 = arith.constant 0 : i32
    %dma_start3A_784 = tpu.memref_slice %arg5[%dma_start3A_782, %dma_start3A_783] : memref<32x1024xf32, #tpu.memory_space<vmem>> -> memref<32x1024xf32, #tpu.memory_space<vmem>>
    tpu.enqueue_dma source(%dma_start3A_784 : memref<32x1024xf32, #tpu.memory_space<vmem>>) target(%dma_start3A_781 : memref<32x1024xf32, #tpu.memory_space<hbm>>) target_semaphore(%arg9 : memref<!tpu.dma_semaphore, #tpu.memory_space<semaphore_mem>>)
    %add3A_785 = arith.constant 160 : i32
    %add3A_786 = arith.addi %mul3A_2, %add3A_785 : i32
    %dma_start3A_787 = arith.constant 3 : i32
    %dma_start3A_788 = arith.constant 0 : i32
    %dma_start3A_789 = arith.constant 0 : i32
    %dma_start3A_790 = tpu.memref_slice %arg5[%dma_start3A_788, %dma_start3A_789] : memref<32x1024xf32, #tpu.memory_space<vmem>> -> memref<32x1024xf32, #tpu.memory_space<vmem>>
    %dma_start3A_791 = arith.constant 0 : i32
    %dma_start3A_792 = tpu.memref_slice %arg3[%dma_start3A_787, %add3A_786, %dma_start3A_791] : memref<4x8192x1024xf32, #tpu.memory_space<hbm>> -> memref<1x32x1024xf32, #tpu.memory_space<hbm>>
    %dma_start3A_793 = tpu.memref_squeeze %dma_start3A_792 : memref<1x32x1024xf32, #tpu.memory_space<hbm>> -> memref<32x1024xf32, #tpu.memory_space<hbm>>
    %dma_start3A_794 = arith.constant 0 : i32
    %dma_start3A_795 = tpu.memref_slice %arg3[%dma_start3A_787, %add3A_786, %dma_start3A_794] : memref<4x8192x1024xf32, #tpu.memory_space<hbm>> -> memref<1x32x1024xf32, #tpu.memory_space<hbm>>
    %dma_start3A_796 = tpu.memref_squeeze %dma_start3A_795 : memref<1x32x1024xf32, #tpu.memory_space<hbm>> -> memref<32x1024xf32, #tpu.memory_space<hbm>>
    %dma_start3A_797 = arith.constant 0 : i32
    %dma_start3A_798 = arith.constant 0 : i32
    %dma_start3A_799 = tpu.memref_slice %arg5[%dma_start3A_797, %dma_start3A_798] : memref<32x1024xf32, #tpu.memory_space<vmem>> -> memref<32x1024xf32, #tpu.memory_space<vmem>>
    tpu.enqueue_dma source(%dma_start3A_799 : memref<32x1024xf32, #tpu.memory_space<vmem>>) target(%dma_start3A_796 : memref<32x1024xf32, #tpu.memory_space<hbm>>) target_semaphore(%arg9 : memref<!tpu.dma_semaphore, #tpu.memory_space<semaphore_mem>>)
    %dma_wait3A_800 = arith.constant 0 : i32
    %dma_wait3A_801 = arith.constant 0 : i32
    %dma_wait3A_802 = tpu.memref_slice %arg4[%dma_wait3A_800, %dma_wait3A_801] : memref<32x1024xf32, #tpu.memory_space<vmem>> -> memref<32x1024xf32, #tpu.memory_space<vmem>>
    %dma_wait3A_803 = arith.constant 0 : i32
    %dma_wait3A_804 = tpu.memref_slice %arg2[%add3A_723, %dma_wait3A_803] : memref<8192x1024xf32, #tpu.memory_space<hbm>> -> memref<32x1024xf32, #tpu.memory_space<hbm>>
    %dma_wait3A_805 = arith.constant 0 : i32
    %dma_wait3A_806 = arith.constant 0 : i32
    %dma_wait3A_807 = tpu.memref_slice %arg4[%dma_wait3A_805, %dma_wait3A_806] : memref<32x1024xf32, #tpu.memory_space<vmem>> -> memref<32x1024xf32, #tpu.memory_space<vmem>>
    %dma_wait3A_808 = arith.constant 0 : i32
    %dma_wait3A_809 = tpu.memref_slice %arg2[%add3A_723, %dma_wait3A_808] : memref<8192x1024xf32, #tpu.memory_space<hbm>> -> memref<32x1024xf32, #tpu.memory_space<hbm>>
    tpu.wait_dma2 semaphore(%arg6 : memref<!tpu.dma_semaphore, #tpu.memory_space<semaphore_mem>>) src(%dma_wait3A_809 : memref<32x1024xf32, #tpu.memory_space<hbm>>) dst(%dma_wait3A_807 : memref<32x1024xf32, #tpu.memory_space<vmem>>)
    %dma_wait3A_810 = arith.constant 0 : i32
    %dma_wait3A_811 = arith.constant 0 : i32
    %dma_wait3A_812 = arith.constant 0 : i32
    %dma_wait3A_813 = tpu.memref_slice %arg5[%dma_wait3A_811, %dma_wait3A_812] : memref<32x1024xf32, #tpu.memory_space<vmem>> -> memref<32x1024xf32, #tpu.memory_space<vmem>>
    %dma_wait3A_814 = arith.constant 0 : i32
    %dma_wait3A_815 = tpu.memref_slice %arg3[%dma_wait3A_810, %add3A_741, %dma_wait3A_814] : memref<4x8192x1024xf32, #tpu.memory_space<hbm>> -> memref<1x32x1024xf32, #tpu.memory_space<hbm>>
    %dma_wait3A_816 = tpu.memref_squeeze %dma_wait3A_815 : memref<1x32x1024xf32, #tpu.memory_space<hbm>> -> memref<32x1024xf32, #tpu.memory_space<hbm>>
    %dma_wait3A_817 = arith.constant 0 : i32
    %dma_wait3A_818 = tpu.memref_slice %arg3[%dma_wait3A_810, %add3A_741, %dma_wait3A_817] : memref<4x8192x1024xf32, #tpu.memory_space<hbm>> -> memref<1x32x1024xf32, #tpu.memory_space<hbm>>
    %dma_wait3A_819 = tpu.memref_squeeze %dma_wait3A_818 : memref<1x32x1024xf32, #tpu.memory_space<hbm>> -> memref<32x1024xf32, #tpu.memory_space<hbm>>
    %dma_wait3A_820 = arith.constant 0 : i32
    %dma_wait3A_821 = arith.constant 0 : i32
    %dma_wait3A_822 = tpu.memref_slice %arg5[%dma_wait3A_820, %dma_wait3A_821] : memref<32x1024xf32, #tpu.memory_space<vmem>> -> memref<32x1024xf32, #tpu.memory_space<vmem>>
    tpu.wait_dma2 semaphore(%arg9 : memref<!tpu.dma_semaphore, #tpu.memory_space<semaphore_mem>>) src(%dma_wait3A_822 : memref<32x1024xf32, #tpu.memory_space<vmem>>) dst(%dma_wait3A_819 : memref<32x1024xf32, #tpu.memory_space<hbm>>)
    %dma_wait3A_823 = arith.constant 1 : i32
    %dma_wait3A_824 = arith.constant 0 : i32
    %dma_wait3A_825 = arith.constant 0 : i32
    %dma_wait3A_826 = tpu.memref_slice %arg5[%dma_wait3A_824, %dma_wait3A_825] : memref<32x1024xf32, #tpu.memory_space<vmem>> -> memref<32x1024xf32, #tpu.memory_space<vmem>>
    %dma_wait3A_827 = arith.constant 0 : i32
    %dma_wait3A_828 = tpu.memref_slice %arg3[%dma_wait3A_823, %add3A_756, %dma_wait3A_827] : memref<4x8192x1024xf32, #tpu.memory_space<hbm>> -> memref<1x32x1024xf32, #tpu.memory_space<hbm>>
    %dma_wait3A_829 = tpu.memref_squeeze %dma_wait3A_828 : memref<1x32x1024xf32, #tpu.memory_space<hbm>> -> memref<32x1024xf32, #tpu.memory_space<hbm>>
    %dma_wait3A_830 = arith.constant 0 : i32
    %dma_wait3A_831 = tpu.memref_slice %arg3[%dma_wait3A_823, %add3A_756, %dma_wait3A_830] : memref<4x8192x1024xf32, #tpu.memory_space<hbm>> -> memref<1x32x1024xf32, #tpu.memory_space<hbm>>
    %dma_wait3A_832 = tpu.memref_squeeze %dma_wait3A_831 : memref<1x32x1024xf32, #tpu.memory_space<hbm>> -> memref<32x1024xf32, #tpu.memory_space<hbm>>
    %dma_wait3A_833 = arith.constant 0 : i32
    %dma_wait3A_834 = arith.constant 0 : i32
    %dma_wait3A_835 = tpu.memref_slice %arg5[%dma_wait3A_833, %dma_wait3A_834] : memref<32x1024xf32, #tpu.memory_space<vmem>> -> memref<32x1024xf32, #tpu.memory_space<vmem>>
    tpu.wait_dma2 semaphore(%arg9 : memref<!tpu.dma_semaphore, #tpu.memory_space<semaphore_mem>>) src(%dma_wait3A_835 : memref<32x1024xf32, #tpu.memory_space<vmem>>) dst(%dma_wait3A_832 : memref<32x1024xf32, #tpu.memory_space<hbm>>)
    %dma_wait3A_836 = arith.constant 2 : i32
    %dma_wait3A_837 = arith.constant 0 : i32
    %dma_wait3A_838 = arith.constant 0 : i32
    %dma_wait3A_839 = tpu.memref_slice %arg5[%dma_wait3A_837, %dma_wait3A_838] : memref<32x1024xf32, #tpu.memory_space<vmem>> -> memref<32x1024xf32, #tpu.memory_space<vmem>>
    %dma_wait3A_840 = arith.constant 0 : i32
    %dma_wait3A_841 = tpu.memref_slice %arg3[%dma_wait3A_836, %add3A_771, %dma_wait3A_840] : memref<4x8192x1024xf32, #tpu.memory_space<hbm>> -> memref<1x32x1024xf32, #tpu.memory_space<hbm>>
    %dma_wait3A_842 = tpu.memref_squeeze %dma_wait3A_841 : memref<1x32x1024xf32, #tpu.memory_space<hbm>> -> memref<32x1024xf32, #tpu.memory_space<hbm>>
    %dma_wait3A_843 = arith.constant 0 : i32
    %dma_wait3A_844 = tpu.memref_slice %arg3[%dma_wait3A_836, %add3A_771, %dma_wait3A_843] : memref<4x8192x1024xf32, #tpu.memory_space<hbm>> -> memref<1x32x1024xf32, #tpu.memory_space<hbm>>
    %dma_wait3A_845 = tpu.memref_squeeze %dma_wait3A_844 : memref<1x32x1024xf32, #tpu.memory_space<hbm>> -> memref<32x1024xf32, #tpu.memory_space<hbm>>
    %dma_wait3A_846 = arith.constant 0 : i32
    %dma_wait3A_847 = arith.constant 0 : i32
    %dma_wait3A_848 = tpu.memref_slice %arg5[%dma_wait3A_846, %dma_wait3A_847] : memref<32x1024xf32, #tpu.memory_space<vmem>> -> memref<32x1024xf32, #tpu.memory_space<vmem>>
    tpu.wait_dma2 semaphore(%arg9 : memref<!tpu.dma_semaphore, #tpu.memory_space<semaphore_mem>>) src(%dma_wait3A_848 : memref<32x1024xf32, #tpu.memory_space<vmem>>) dst(%dma_wait3A_845 : memref<32x1024xf32, #tpu.memory_space<hbm>>)
    %dma_wait3A_849 = arith.constant 3 : i32
    %dma_wait3A_850 = arith.constant 0 : i32
    %dma_wait3A_851 = arith.constant 0 : i32
    %dma_wait3A_852 = tpu.memref_slice %arg5[%dma_wait3A_850, %dma_wait3A_851] : memref<32x1024xf32, #tpu.memory_space<vmem>> -> memref<32x1024xf32, #tpu.memory_space<vmem>>
    %dma_wait3A_853 = arith.constant 0 : i32
    %dma_wait3A_854 = tpu.memref_slice %arg3[%dma_wait3A_849, %add3A_786, %dma_wait3A_853] : memref<4x8192x1024xf32, #tpu.memory_space<hbm>> -> memref<1x32x1024xf32, #tpu.memory_space<hbm>>
    %dma_wait3A_855 = tpu.memref_squeeze %dma_wait3A_854 : memref<1x32x1024xf32, #tpu.memory_space<hbm>> -> memref<32x1024xf32, #tpu.memory_space<hbm>>
    %dma_wait3A_856 = arith.constant 0 : i32
    %dma_wait3A_857 = tpu.memref_slice %arg3[%dma_wait3A_849, %add3A_786, %dma_wait3A_856] : memref<4x8192x1024xf32, #tpu.memory_space<hbm>> -> memref<1x32x1024xf32, #tpu.memory_space<hbm>>
    %dma_wait3A_858 = tpu.memref_squeeze %dma_wait3A_857 : memref<1x32x1024xf32, #tpu.memory_space<hbm>> -> memref<32x1024xf32, #tpu.memory_space<hbm>>
    %dma_wait3A_859 = arith.constant 0 : i32
    %dma_wait3A_860 = arith.constant 0 : i32
    %dma_wait3A_861 = tpu.memref_slice %arg5[%dma_wait3A_859, %dma_wait3A_860] : memref<32x1024xf32, #tpu.memory_space<vmem>> -> memref<32x1024xf32, #tpu.memory_space<vmem>>
    tpu.wait_dma2 semaphore(%arg9 : memref<!tpu.dma_semaphore, #tpu.memory_space<semaphore_mem>>) src(%dma_wait3A_861 : memref<32x1024xf32, #tpu.memory_space<vmem>>) dst(%dma_wait3A_858 : memref<32x1024xf32, #tpu.memory_space<hbm>>)
    %add3A_862 = arith.constant 224 : i32
    %add3A_863 = arith.addi %mul3A_2, %add3A_862 : i32
    %dma_start3A_864 = arith.constant 0 : i32
    %dma_start3A_865 = arith.constant 0 : i32
    %dma_start3A_866 = tpu.memref_slice %arg5[%dma_start3A_864, %dma_start3A_865] : memref<32x1024xf32, #tpu.memory_space<vmem>> -> memref<32x1024xf32, #tpu.memory_space<vmem>>
    %dma_start3A_867 = arith.constant 0 : i32
    %dma_start3A_868 = tpu.memref_slice %arg2[%add3A_863, %dma_start3A_867] : memref<8192x1024xf32, #tpu.memory_space<hbm>> -> memref<32x1024xf32, #tpu.memory_space<hbm>>
    %dma_start3A_869 = arith.constant 0 : i32
    %dma_start3A_870 = arith.constant 0 : i32
    %dma_start3A_871 = tpu.memref_slice %arg5[%dma_start3A_869, %dma_start3A_870] : memref<32x1024xf32, #tpu.memory_space<vmem>> -> memref<32x1024xf32, #tpu.memory_space<vmem>>
    %dma_start3A_872 = arith.constant 0 : i32
    %dma_start3A_873 = tpu.memref_slice %arg2[%add3A_863, %dma_start3A_872] : memref<8192x1024xf32, #tpu.memory_space<hbm>> -> memref<32x1024xf32, #tpu.memory_space<hbm>>
    tpu.enqueue_dma source(%dma_start3A_873 : memref<32x1024xf32, #tpu.memory_space<hbm>>) target(%dma_start3A_871 : memref<32x1024xf32, #tpu.memory_space<vmem>>) target_semaphore(%arg7 : memref<!tpu.dma_semaphore, #tpu.memory_space<semaphore_mem>>)
    %scan3A_874 = arith.constant 0 : i32
    %scan3A_875 = arith.constant 0 : i32
    %scan3A_876 = arith.constant 32 : i32
    %scan3A_877 = arith.addi %scan3A_875, %scan3A_876 : i32
    %scan3A_878 = arith.constant 1 : i32
    scf.for %scan3A_1120 = %scan3A_875 to %scan3A_877 step %scan3A_878  : i32 {
      %scan3A_1121 = arith.constant 0 : i32
      %scan3A_1122 = arith.constant 64 : i32
      %scan3A_1123 = arith.addi %scan3A_1121, %scan3A_1122 : i32
      %scan3A_1124 = arith.constant 8 : i32
      scf.for %scan3A_1126 = %scan3A_1121 to %scan3A_1123 step %scan3A_1124  : i32 {
        %mul3A_1127 = arith.constant 16 : i32
        %mul3A_1128 = arith.muli %scan3A_1126, %mul3A_1127 : i32
        %get3A = arith.index_cast %scan3A_1120 : i32 to index
        %get3A_1129 = arith.index_cast %mul3A_1128 : i32 to index
        %get3A_1130 = tpu.vector_load %arg4[%get3A, %get3A_1129] {strides = array<i32>} : memref<32x1024xf32, #tpu.memory_space<vmem>>, vector<1x16xf32>,
        %get3A_1131 = vector.shape_cast %get3A_1130 : vector<1x16xf32> to vector<16xf32>
        %mul3A_1132 = arith.constant 3.125000e-02 : f32
        %mul3A_1133 = vector.broadcast %mul3A_1132 : f32 to vector<16xf32>
        %mul3A_1134 = arith.mulf %get3A_1131, %mul3A_1133 : vector<16xf32>
        %swap3A = arith.index_cast %scan3A_1120 : i32 to index
        %swap3A_1135 = arith.index_cast %mul3A_1128 : i32 to index
        %swap3A_1136 = tpu.vector_load %arg4[%swap3A, %swap3A_1135] {strides = array<i32>} : memref<32x1024xf32, #tpu.memory_space<vmem>>, vector<1x16xf32>,
        %swap3A_1137 = vector.shape_cast %swap3A_1136 : vector<1x16xf32> to vector<16xf32>
        %swap3A_1138 = vector.shape_cast %mul3A_1134 : vector<16xf32> to vector<1x16xf32>
        tpu.vector_store %arg4[%swap3A, %swap3A_1135], %swap3A_1138 {strides = array<i32>} : memref<32x1024xf32, #tpu.memory_space<vmem>>, vector<1x16xf32>,
        %scan3A_1139 = arith.constant 1 : i32
        %scan3A_1140 = arith.addi %scan3A_1126, %scan3A_1139 : i32
        %mul3A_1141 = arith.constant 16 : i32
        %mul3A_1142 = arith.muli %scan3A_1140, %mul3A_1141 : i32
        %get3A_1143 = arith.index_cast %scan3A_1120 : i32 to index
        %get3A_1144 = arith.index_cast %mul3A_1142 : i32 to index
        %get3A_1145 = tpu.vector_load %arg4[%get3A_1143, %get3A_1144] {strides = array<i32>} : memref<32x1024xf32, #tpu.memory_space<vmem>>, vector<1x16xf32>,
        %get3A_1146 = vector.shape_cast %get3A_1145 : vector<1x16xf32> to vector<16xf32>
        %mul3A_1147 = arith.constant 3.125000e-02 : f32
        %mul3A_1148 = vector.broadcast %mul3A_1147 : f32 to vector<16xf32>
        %mul3A_1149 = arith.mulf %get3A_1146, %mul3A_1148 : vector<16xf32>
        %swap3A_1150 = arith.index_cast %scan3A_1120 : i32 to index
        %swap3A_1151 = arith.index_cast %mul3A_1142 : i32 to index
        %swap3A_1152 = tpu.vector_load %arg4[%swap3A_1150, %swap3A_1151] {strides = array<i32>} : memref<32x1024xf32, #tpu.memory_space<vmem>>, vector<1x16xf32>,
        %swap3A_1153 = vector.shape_cast %swap3A_1152 : vector<1x16xf32> to vector<16xf32>
        %swap3A_1154 = vector.shape_cast %mul3A_1149 : vector<16xf32> to vector<1x16xf32>
        tpu.vector_store %arg4[%swap3A_1150, %swap3A_1151], %swap3A_1154 {strides = array<i32>} : memref<32x1024xf32, #tpu.memory_space<vmem>>, vector<1x16xf32>,
        %scan3A_1155 = arith.constant 2 : i32
        %scan3A_1156 = arith.addi %scan3A_1126, %scan3A_1155 : i32
        %mul3A_1157 = arith.constant 16 : i32
        %mul3A_1158 = arith.muli %scan3A_1156, %mul3A_1157 : i32
        %get3A_1159 = arith.index_cast %scan3A_1120 : i32 to index
        %get3A_1160 = arith.index_cast %mul3A_1158 : i32 to index
        %get3A_1161 = tpu.vector_load %arg4[%get3A_1159, %get3A_1160] {strides = array<i32>} : memref<32x1024xf32, #tpu.memory_space<vmem>>, vector<1x16xf32>,
        %get3A_1162 = vector.shape_cast %get3A_1161 : vector<1x16xf32> to vector<16xf32>
        %mul3A_1163 = arith.constant 3.125000e-02 : f32
        %mul3A_1164 = vector.broadcast %mul3A_1163 : f32 to vector<16xf32>
        %mul3A_1165 = arith.mulf %get3A_1162, %mul3A_1164 : vector<16xf32>
        %swap3A_1166 = arith.index_cast %scan3A_1120 : i32 to index
        %swap3A_1167 = arith.index_cast %mul3A_1158 : i32 to index
        %swap3A_1168 = tpu.vector_load %arg4[%swap3A_1166, %swap3A_1167] {strides = array<i32>} : memref<32x1024xf32, #tpu.memory_space<vmem>>, vector<1x16xf32>,
        %swap3A_1169 = vector.shape_cast %swap3A_1168 : vector<1x16xf32> to vector<16xf32>
        %swap3A_1170 = vector.shape_cast %mul3A_1165 : vector<16xf32> to vector<1x16xf32>
        tpu.vector_store %arg4[%swap3A_1166, %swap3A_1167], %swap3A_1170 {strides = array<i32>} : memref<32x1024xf32, #tpu.memory_space<vmem>>, vector<1x16xf32>,
        %scan3A_1171 = arith.constant 3 : i32
        %scan3A_1172 = arith.addi %scan3A_1126, %scan3A_1171 : i32
        %mul3A_1173 = arith.constant 16 : i32
        %mul3A_1174 = arith.muli %scan3A_1172, %mul3A_1173 : i32
        %get3A_1175 = arith.index_cast %scan3A_1120 : i32 to index
        %get3A_1176 = arith.index_cast %mul3A_1174 : i32 to index
        %get3A_1177 = tpu.vector_load %arg4[%get3A_1175, %get3A_1176] {strides = array<i32>} : memref<32x1024xf32, #tpu.memory_space<vmem>>, vector<1x16xf32>,
        %get3A_1178 = vector.shape_cast %get3A_1177 : vector<1x16xf32> to vector<16xf32>
        %mul3A_1179 = arith.constant 3.125000e-02 : f32
        %mul3A_1180 = vector.broadcast %mul3A_1179 : f32 to vector<16xf32>
        %mul3A_1181 = arith.mulf %get3A_1178, %mul3A_1180 : vector<16xf32>
        %swap3A_1182 = arith.index_cast %scan3A_1120 : i32 to index
        %swap3A_1183 = arith.index_cast %mul3A_1174 : i32 to index
        %swap3A_1184 = tpu.vector_load %arg4[%swap3A_1182, %swap3A_1183] {strides = array<i32>} : memref<32x1024xf32, #tpu.memory_space<vmem>>, vector<1x16xf32>,
        %swap3A_1185 = vector.shape_cast %swap3A_1184 : vector<1x16xf32> to vector<16xf32>
        %swap3A_1186 = vector.shape_cast %mul3A_1181 : vector<16xf32> to vector<1x16xf32>
        tpu.vector_store %arg4[%swap3A_1182, %swap3A_1183], %swap3A_1186 {strides = array<i32>} : memref<32x1024xf32, #tpu.memory_space<vmem>>, vector<1x16xf32>,
        %scan3A_1187 = arith.constant 4 : i32
        %scan3A_1188 = arith.addi %scan3A_1126, %scan3A_1187 : i32
        %mul3A_1189 = arith.constant 16 : i32
        %mul3A_1190 = arith.muli %scan3A_1188, %mul3A_1189 : i32
        %get3A_1191 = arith.index_cast %scan3A_1120 : i32 to index
        %get3A_1192 = arith.index_cast %mul3A_1190 : i32 to index
        %get3A_1193 = tpu.vector_load %arg4[%get3A_1191, %get3A_1192] {strides = array<i32>} : memref<32x1024xf32, #tpu.memory_space<vmem>>, vector<1x16xf32>,
        %get3A_1194 = vector.shape_cast %get3A_1193 : vector<1x16xf32> to vector<16xf32>
        %mul3A_1195 = arith.constant 3.125000e-02 : f32
        %mul3A_1196 = vector.broadcast %mul3A_1195 : f32 to vector<16xf32>
        %mul3A_1197 = arith.mulf %get3A_1194, %mul3A_1196 : vector<16xf32>
        %swap3A_1198 = arith.index_cast %scan3A_1120 : i32 to index
        %swap3A_1199 = arith.index_cast %mul3A_1190 : i32 to index
        %swap3A_1200 = tpu.vector_load %arg4[%swap3A_1198, %swap3A_1199] {strides = array<i32>} : memref<32x1024xf32, #tpu.memory_space<vmem>>, vector<1x16xf32>,
        %swap3A_1201 = vector.shape_cast %swap3A_1200 : vector<1x16xf32> to vector<16xf32>
        %swap3A_1202 = vector.shape_cast %mul3A_1197 : vector<16xf32> to vector<1x16xf32>
        tpu.vector_store %arg4[%swap3A_1198, %swap3A_1199], %swap3A_1202 {strides = array<i32>} : memref<32x1024xf32, #tpu.memory_space<vmem>>, vector<1x16xf32>,
        %scan3A_1203 = arith.constant 5 : i32
        %scan3A_1204 = arith.addi %scan3A_1126, %scan3A_1203 : i32
        %mul3A_1205 = arith.constant 16 : i32
        %mul3A_1206 = arith.muli %scan3A_1204, %mul3A_1205 : i32
        %get3A_1207 = arith.index_cast %scan3A_1120 : i32 to index
        %get3A_1208 = arith.index_cast %mul3A_1206 : i32 to index
        %get3A_1209 = tpu.vector_load %arg4[%get3A_1207, %get3A_1208] {strides = array<i32>} : memref<32x1024xf32, #tpu.memory_space<vmem>>, vector<1x16xf32>,
        %get3A_1210 = vector.shape_cast %get3A_1209 : vector<1x16xf32> to vector<16xf32>
        %mul3A_1211 = arith.constant 3.125000e-02 : f32
        %mul3A_1212 = vector.broadcast %mul3A_1211 : f32 to vector<16xf32>
        %mul3A_1213 = arith.mulf %get3A_1210, %mul3A_1212 : vector<16xf32>
        %swap3A_1214 = arith.index_cast %scan3A_1120 : i32 to index
        %swap3A_1215 = arith.index_cast %mul3A_1206 : i32 to index
        %swap3A_1216 = tpu.vector_load %arg4[%swap3A_1214, %swap3A_1215] {strides = array<i32>} : memref<32x1024xf32, #tpu.memory_space<vmem>>, vector<1x16xf32>,
        %swap3A_1217 = vector.shape_cast %swap3A_1216 : vector<1x16xf32> to vector<16xf32>
        %swap3A_1218 = vector.shape_cast %mul3A_1213 : vector<16xf32> to vector<1x16xf32>
        tpu.vector_store %arg4[%swap3A_1214, %swap3A_1215], %swap3A_1218 {strides = array<i32>} : memref<32x1024xf32, #tpu.memory_space<vmem>>, vector<1x16xf32>,
        %scan3A_1219 = arith.constant 6 : i32
        %scan3A_1220 = arith.addi %scan3A_1126, %scan3A_1219 : i32
        %mul3A_1221 = arith.constant 16 : i32
        %mul3A_1222 = arith.muli %scan3A_1220, %mul3A_1221 : i32
        %get3A_1223 = arith.index_cast %scan3A_1120 : i32 to index
        %get3A_1224 = arith.index_cast %mul3A_1222 : i32 to index
        %get3A_1225 = tpu.vector_load %arg4[%get3A_1223, %get3A_1224] {strides = array<i32>} : memref<32x1024xf32, #tpu.memory_space<vmem>>, vector<1x16xf32>,
        %get3A_1226 = vector.shape_cast %get3A_1225 : vector<1x16xf32> to vector<16xf32>
        %mul3A_1227 = arith.constant 3.125000e-02 : f32
        %mul3A_1228 = vector.broadcast %mul3A_1227 : f32 to vector<16xf32>
        %mul3A_1229 = arith.mulf %get3A_1226, %mul3A_1228 : vector<16xf32>
        %swap3A_1230 = arith.index_cast %scan3A_1120 : i32 to index
        %swap3A_1231 = arith.index_cast %mul3A_1222 : i32 to index
        %swap3A_1232 = tpu.vector_load %arg4[%swap3A_1230, %swap3A_1231] {strides = array<i32>} : memref<32x1024xf32, #tpu.memory_space<vmem>>, vector<1x16xf32>,
        %swap3A_1233 = vector.shape_cast %swap3A_1232 : vector<1x16xf32> to vector<16xf32>
        %swap3A_1234 = vector.shape_cast %mul3A_1229 : vector<16xf32> to vector<1x16xf32>
        tpu.vector_store %arg4[%swap3A_1230, %swap3A_1231], %swap3A_1234 {strides = array<i32>} : memref<32x1024xf32, #tpu.memory_space<vmem>>, vector<1x16xf32>,
        %scan3A_1235 = arith.constant 7 : i32
        %scan3A_1236 = arith.addi %scan3A_1126, %scan3A_1235 : i32
        %mul3A_1237 = arith.constant 16 : i32
        %mul3A_1238 = arith.muli %scan3A_1236, %mul3A_1237 : i32
        %get3A_1239 = arith.index_cast %scan3A_1120 : i32 to index
        %get3A_1240 = arith.index_cast %mul3A_1238 : i32 to index
        %get3A_1241 = tpu.vector_load %arg4[%get3A_1239, %get3A_1240] {strides = array<i32>} : memref<32x1024xf32, #tpu.memory_space<vmem>>, vector<1x16xf32>,
        %get3A_1242 = vector.shape_cast %get3A_1241 : vector<1x16xf32> to vector<16xf32>
        %mul3A_1243 = arith.constant 3.125000e-02 : f32
        %mul3A_1244 = vector.broadcast %mul3A_1243 : f32 to vector<16xf32>
        %mul3A_1245 = arith.mulf %get3A_1242, %mul3A_1244 : vector<16xf32>
        %swap3A_1246 = arith.index_cast %scan3A_1120 : i32 to index
        %swap3A_1247 = arith.index_cast %mul3A_1238 : i32 to index
        %swap3A_1248 = tpu.vector_load %arg4[%swap3A_1246, %swap3A_1247] {strides = array<i32>} : memref<32x1024xf32, #tpu.memory_space<vmem>>, vector<1x16xf32>,
        %swap3A_1249 = vector.shape_cast %swap3A_1248 : vector<1x16xf32> to vector<16xf32>
        %swap3A_1250 = vector.shape_cast %mul3A_1245 : vector<16xf32> to vector<1x16xf32>
        tpu.vector_store %arg4[%swap3A_1246, %swap3A_1247], %swap3A_1250 {strides = array<i32>} : memref<32x1024xf32, #tpu.memory_space<vmem>>, vector<1x16xf32>,
      }
      %scan3A_1125 = arith.constant 64 : i32
    }
    %scan3A_879 = arith.constant 32 : i32
    %add3A_880 = arith.constant 192 : i32
    %add3A_881 = arith.addi %mul3A_2, %add3A_880 : i32
    %dma_start3A_882 = arith.constant 0 : i32
    %dma_start3A_883 = arith.constant 0 : i32
    %dma_start3A_884 = arith.constant 0 : i32
    %dma_start3A_885 = tpu.memref_slice %arg4[%dma_start3A_883, %dma_start3A_884] : memref<32x1024xf32, #tpu.memory_space<vmem>> -> memref<32x1024xf32, #tpu.memory_space<vmem>>
    %dma_start3A_886 = arith.constant 0 : i32
    %dma_start3A_887 = tpu.memref_slice %arg3[%dma_start3A_882, %add3A_881, %dma_start3A_886] : memref<4x8192x1024xf32, #tpu.memory_space<hbm>> -> memref<1x32x1024xf32, #tpu.memory_space<hbm>>
    %dma_start3A_888 = tpu.memref_squeeze %dma_start3A_887 : memref<1x32x1024xf32, #tpu.memory_space<hbm>> -> memref<32x1024xf32, #tpu.memory_space<hbm>>
    %dma_start3A_889 = arith.constant 0 : i32
    %dma_start3A_890 = tpu.memref_slice %arg3[%dma_start3A_882, %add3A_881, %dma_start3A_889] : memref<4x8192x1024xf32, #tpu.memory_space<hbm>> -> memref<1x32x1024xf32, #tpu.memory_space<hbm>>
    %dma_start3A_891 = tpu.memref_squeeze %dma_start3A_890 : memref<1x32x1024xf32, #tpu.memory_space<hbm>> -> memref<32x1024xf32, #tpu.memory_space<hbm>>
    %dma_start3A_892 = arith.constant 0 : i32
    %dma_start3A_893 = arith.constant 0 : i32
    %dma_start3A_894 = tpu.memref_slice %arg4[%dma_start3A_892, %dma_start3A_893] : memref<32x1024xf32, #tpu.memory_space<vmem>> -> memref<32x1024xf32, #tpu.memory_space<vmem>>
    tpu.enqueue_dma source(%dma_start3A_894 : memref<32x1024xf32, #tpu.memory_space<vmem>>) target(%dma_start3A_891 : memref<32x1024xf32, #tpu.memory_space<hbm>>) target_semaphore(%arg8 : memref<!tpu.dma_semaphore, #tpu.memory_space<semaphore_mem>>)
    %add3A_895 = arith.constant 192 : i32
    %add3A_896 = arith.addi %mul3A_2, %add3A_895 : i32
    %dma_start3A_897 = arith.constant 1 : i32
    %dma_start3A_898 = arith.constant 0 : i32
    %dma_start3A_899 = arith.constant 0 : i32
    %dma_start3A_900 = tpu.memref_slice %arg4[%dma_start3A_898, %dma_start3A_899] : memref<32x1024xf32, #tpu.memory_space<vmem>> -> memref<32x1024xf32, #tpu.memory_space<vmem>>
    %dma_start3A_901 = arith.constant 0 : i32
    %dma_start3A_902 = tpu.memref_slice %arg3[%dma_start3A_897, %add3A_896, %dma_start3A_901] : memref<4x8192x1024xf32, #tpu.memory_space<hbm>> -> memref<1x32x1024xf32, #tpu.memory_space<hbm>>
    %dma_start3A_903 = tpu.memref_squeeze %dma_start3A_902 : memref<1x32x1024xf32, #tpu.memory_space<hbm>> -> memref<32x1024xf32, #tpu.memory_space<hbm>>
    %dma_start3A_904 = arith.constant 0 : i32
    %dma_start3A_905 = tpu.memref_slice %arg3[%dma_start3A_897, %add3A_896, %dma_start3A_904] : memref<4x8192x1024xf32, #tpu.memory_space<hbm>> -> memref<1x32x1024xf32, #tpu.memory_space<hbm>>
    %dma_start3A_906 = tpu.memref_squeeze %dma_start3A_905 : memref<1x32x1024xf32, #tpu.memory_space<hbm>> -> memref<32x1024xf32, #tpu.memory_space<hbm>>
    %dma_start3A_907 = arith.constant 0 : i32
    %dma_start3A_908 = arith.constant 0 : i32
    %dma_start3A_909 = tpu.memref_slice %arg4[%dma_start3A_907, %dma_start3A_908] : memref<32x1024xf32, #tpu.memory_space<vmem>> -> memref<32x1024xf32, #tpu.memory_space<vmem>>
    tpu.enqueue_dma source(%dma_start3A_909 : memref<32x1024xf32, #tpu.memory_space<vmem>>) target(%dma_start3A_906 : memref<32x1024xf32, #tpu.memory_space<hbm>>) target_semaphore(%arg8 : memref<!tpu.dma_semaphore, #tpu.memory_space<semaphore_mem>>)
    %add3A_910 = arith.constant 192 : i32
    %add3A_911 = arith.addi %mul3A_2, %add3A_910 : i32
    %dma_start3A_912 = arith.constant 2 : i32
    %dma_start3A_913 = arith.constant 0 : i32
    %dma_start3A_914 = arith.constant 0 : i32
    %dma_start3A_915 = tpu.memref_slice %arg4[%dma_start3A_913, %dma_start3A_914] : memref<32x1024xf32, #tpu.memory_space<vmem>> -> memref<32x1024xf32, #tpu.memory_space<vmem>>
    %dma_start3A_916 = arith.constant 0 : i32
    %dma_start3A_917 = tpu.memref_slice %arg3[%dma_start3A_912, %add3A_911, %dma_start3A_916] : memref<4x8192x1024xf32, #tpu.memory_space<hbm>> -> memref<1x32x1024xf32, #tpu.memory_space<hbm>>
    %dma_start3A_918 = tpu.memref_squeeze %dma_start3A_917 : memref<1x32x1024xf32, #tpu.memory_space<hbm>> -> memref<32x1024xf32, #tpu.memory_space<hbm>>
    %dma_start3A_919 = arith.constant 0 : i32
    %dma_start3A_920 = tpu.memref_slice %arg3[%dma_start3A_912, %add3A_911, %dma_start3A_919] : memref<4x8192x1024xf32, #tpu.memory_space<hbm>> -> memref<1x32x1024xf32, #tpu.memory_space<hbm>>
    %dma_start3A_921 = tpu.memref_squeeze %dma_start3A_920 : memref<1x32x1024xf32, #tpu.memory_space<hbm>> -> memref<32x1024xf32, #tpu.memory_space<hbm>>
    %dma_start3A_922 = arith.constant 0 : i32
    %dma_start3A_923 = arith.constant 0 : i32
    %dma_start3A_924 = tpu.memref_slice %arg4[%dma_start3A_922, %dma_start3A_923] : memref<32x1024xf32, #tpu.memory_space<vmem>> -> memref<32x1024xf32, #tpu.memory_space<vmem>>
    tpu.enqueue_dma source(%dma_start3A_924 : memref<32x1024xf32, #tpu.memory_space<vmem>>) target(%dma_start3A_921 : memref<32x1024xf32, #tpu.memory_space<hbm>>) target_semaphore(%arg8 : memref<!tpu.dma_semaphore, #tpu.memory_space<semaphore_mem>>)
    %add3A_925 = arith.constant 192 : i32
    %add3A_926 = arith.addi %mul3A_2, %add3A_925 : i32
    %dma_start3A_927 = arith.constant 3 : i32
    %dma_start3A_928 = arith.constant 0 : i32
    %dma_start3A_929 = arith.constant 0 : i32
    %dma_start3A_930 = tpu.memref_slice %arg4[%dma_start3A_928, %dma_start3A_929] : memref<32x1024xf32, #tpu.memory_space<vmem>> -> memref<32x1024xf32, #tpu.memory_space<vmem>>
    %dma_start3A_931 = arith.constant 0 : i32
    %dma_start3A_932 = tpu.memref_slice %arg3[%dma_start3A_927, %add3A_926, %dma_start3A_931] : memref<4x8192x1024xf32, #tpu.memory_space<hbm>> -> memref<1x32x1024xf32, #tpu.memory_space<hbm>>
    %dma_start3A_933 = tpu.memref_squeeze %dma_start3A_932 : memref<1x32x1024xf32, #tpu.memory_space<hbm>> -> memref<32x1024xf32, #tpu.memory_space<hbm>>
    %dma_start3A_934 = arith.constant 0 : i32
    %dma_start3A_935 = tpu.memref_slice %arg3[%dma_start3A_927, %add3A_926, %dma_start3A_934] : memref<4x8192x1024xf32, #tpu.memory_space<hbm>> -> memref<1x32x1024xf32, #tpu.memory_space<hbm>>
    %dma_start3A_936 = tpu.memref_squeeze %dma_start3A_935 : memref<1x32x1024xf32, #tpu.memory_space<hbm>> -> memref<32x1024xf32, #tpu.memory_space<hbm>>
    %dma_start3A_937 = arith.constant 0 : i32
    %dma_start3A_938 = arith.constant 0 : i32
    %dma_start3A_939 = tpu.memref_slice %arg4[%dma_start3A_937, %dma_start3A_938] : memref<32x1024xf32, #tpu.memory_space<vmem>> -> memref<32x1024xf32, #tpu.memory_space<vmem>>
    tpu.enqueue_dma source(%dma_start3A_939 : memref<32x1024xf32, #tpu.memory_space<vmem>>) target(%dma_start3A_936 : memref<32x1024xf32, #tpu.memory_space<hbm>>) target_semaphore(%arg8 : memref<!tpu.dma_semaphore, #tpu.memory_space<semaphore_mem>>)
    %dma_wait3A_940 = arith.constant 0 : i32
    %dma_wait3A_941 = arith.constant 0 : i32
    %dma_wait3A_942 = tpu.memref_slice %arg5[%dma_wait3A_940, %dma_wait3A_941] : memref<32x1024xf32, #tpu.memory_space<vmem>> -> memref<32x1024xf32, #tpu.memory_space<vmem>>
    %dma_wait3A_943 = arith.constant 0 : i32
    %dma_wait3A_944 = tpu.memref_slice %arg2[%add3A_863, %dma_wait3A_943] : memref<8192x1024xf32, #tpu.memory_space<hbm>> -> memref<32x1024xf32, #tpu.memory_space<hbm>>
    %dma_wait3A_945 = arith.constant 0 : i32
    %dma_wait3A_946 = arith.constant 0 : i32
    %dma_wait3A_947 = tpu.memref_slice %arg5[%dma_wait3A_945, %dma_wait3A_946] : memref<32x1024xf32, #tpu.memory_space<vmem>> -> memref<32x1024xf32, #tpu.memory_space<vmem>>
    %dma_wait3A_948 = arith.constant 0 : i32
    %dma_wait3A_949 = tpu.memref_slice %arg2[%add3A_863, %dma_wait3A_948] : memref<8192x1024xf32, #tpu.memory_space<hbm>> -> memref<32x1024xf32, #tpu.memory_space<hbm>>
    tpu.wait_dma2 semaphore(%arg7 : memref<!tpu.dma_semaphore, #tpu.memory_space<semaphore_mem>>) src(%dma_wait3A_949 : memref<32x1024xf32, #tpu.memory_space<hbm>>) dst(%dma_wait3A_947 : memref<32x1024xf32, #tpu.memory_space<vmem>>)
    %dma_wait3A_950 = arith.constant 0 : i32
    %dma_wait3A_951 = arith.constant 0 : i32
    %dma_wait3A_952 = arith.constant 0 : i32
    %dma_wait3A_953 = tpu.memref_slice %arg4[%dma_wait3A_951, %dma_wait3A_952] : memref<32x1024xf32, #tpu.memory_space<vmem>> -> memref<32x1024xf32, #tpu.memory_space<vmem>>
    %dma_wait3A_954 = arith.constant 0 : i32
    %dma_wait3A_955 = tpu.memref_slice %arg3[%dma_wait3A_950, %add3A_881, %dma_wait3A_954] : memref<4x8192x1024xf32, #tpu.memory_space<hbm>> -> memref<1x32x1024xf32, #tpu.memory_space<hbm>>
    %dma_wait3A_956 = tpu.memref_squeeze %dma_wait3A_955 : memref<1x32x1024xf32, #tpu.memory_space<hbm>> -> memref<32x1024xf32, #tpu.memory_space<hbm>>
    %dma_wait3A_957 = arith.constant 0 : i32
    %dma_wait3A_958 = tpu.memref_slice %arg3[%dma_wait3A_950, %add3A_881, %dma_wait3A_957] : memref<4x8192x1024xf32, #tpu.memory_space<hbm>> -> memref<1x32x1024xf32, #tpu.memory_space<hbm>>
    %dma_wait3A_959 = tpu.memref_squeeze %dma_wait3A_958 : memref<1x32x1024xf32, #tpu.memory_space<hbm>> -> memref<32x1024xf32, #tpu.memory_space<hbm>>
    %dma_wait3A_960 = arith.constant 0 : i32
    %dma_wait3A_961 = arith.constant 0 : i32
    %dma_wait3A_962 = tpu.memref_slice %arg4[%dma_wait3A_960, %dma_wait3A_961] : memref<32x1024xf32, #tpu.memory_space<vmem>> -> memref<32x1024xf32, #tpu.memory_space<vmem>>
    tpu.wait_dma2 semaphore(%arg8 : memref<!tpu.dma_semaphore, #tpu.memory_space<semaphore_mem>>) src(%dma_wait3A_962 : memref<32x1024xf32, #tpu.memory_space<vmem>>) dst(%dma_wait3A_959 : memref<32x1024xf32, #tpu.memory_space<hbm>>)
    %dma_wait3A_963 = arith.constant 1 : i32
    %dma_wait3A_964 = arith.constant 0 : i32
    %dma_wait3A_965 = arith.constant 0 : i32
    %dma_wait3A_966 = tpu.memref_slice %arg4[%dma_wait3A_964, %dma_wait3A_965] : memref<32x1024xf32, #tpu.memory_space<vmem>> -> memref<32x1024xf32, #tpu.memory_space<vmem>>
    %dma_wait3A_967 = arith.constant 0 : i32
    %dma_wait3A_968 = tpu.memref_slice %arg3[%dma_wait3A_963, %add3A_896, %dma_wait3A_967] : memref<4x8192x1024xf32, #tpu.memory_space<hbm>> -> memref<1x32x1024xf32, #tpu.memory_space<hbm>>
    %dma_wait3A_969 = tpu.memref_squeeze %dma_wait3A_968 : memref<1x32x1024xf32, #tpu.memory_space<hbm>> -> memref<32x1024xf32, #tpu.memory_space<hbm>>
    %dma_wait3A_970 = arith.constant 0 : i32
    %dma_wait3A_971 = tpu.memref_slice %arg3[%dma_wait3A_963, %add3A_896, %dma_wait3A_970] : memref<4x8192x1024xf32, #tpu.memory_space<hbm>> -> memref<1x32x1024xf32, #tpu.memory_space<hbm>>
    %dma_wait3A_972 = tpu.memref_squeeze %dma_wait3A_971 : memref<1x32x1024xf32, #tpu.memory_space<hbm>> -> memref<32x1024xf32, #tpu.memory_space<hbm>>
    %dma_wait3A_973 = arith.constant 0 : i32
    %dma_wait3A_974 = arith.constant 0 : i32
    %dma_wait3A_975 = tpu.memref_slice %arg4[%dma_wait3A_973, %dma_wait3A_974] : memref<32x1024xf32, #tpu.memory_space<vmem>> -> memref<32x1024xf32, #tpu.memory_space<vmem>>
    tpu.wait_dma2 semaphore(%arg8 : memref<!tpu.dma_semaphore, #tpu.memory_space<semaphore_mem>>) src(%dma_wait3A_975 : memref<32x1024xf32, #tpu.memory_space<vmem>>) dst(%dma_wait3A_972 : memref<32x1024xf32, #tpu.memory_space<hbm>>)
    %dma_wait3A_976 = arith.constant 2 : i32
    %dma_wait3A_977 = arith.constant 0 : i32
    %dma_wait3A_978 = arith.constant 0 : i32
    %dma_wait3A_979 = tpu.memref_slice %arg4[%dma_wait3A_977, %dma_wait3A_978] : memref<32x1024xf32, #tpu.memory_space<vmem>> -> memref<32x1024xf32, #tpu.memory_space<vmem>>
    %dma_wait3A_980 = arith.constant 0 : i32
    %dma_wait3A_981 = tpu.memref_slice %arg3[%dma_wait3A_976, %add3A_911, %dma_wait3A_980] : memref<4x8192x1024xf32, #tpu.memory_space<hbm>> -> memref<1x32x1024xf32, #tpu.memory_space<hbm>>
    %dma_wait3A_982 = tpu.memref_squeeze %dma_wait3A_981 : memref<1x32x1024xf32, #tpu.memory_space<hbm>> -> memref<32x1024xf32, #tpu.memory_space<hbm>>
    %dma_wait3A_983 = arith.constant 0 : i32
    %dma_wait3A_984 = tpu.memref_slice %arg3[%dma_wait3A_976, %add3A_911, %dma_wait3A_983] : memref<4x8192x1024xf32, #tpu.memory_space<hbm>> -> memref<1x32x1024xf32, #tpu.memory_space<hbm>>
    %dma_wait3A_985 = tpu.memref_squeeze %dma_wait3A_984 : memref<1x32x1024xf32, #tpu.memory_space<hbm>> -> memref<32x1024xf32, #tpu.memory_space<hbm>>
    %dma_wait3A_986 = arith.constant 0 : i32
    %dma_wait3A_987 = arith.constant 0 : i32
    %dma_wait3A_988 = tpu.memref_slice %arg4[%dma_wait3A_986, %dma_wait3A_987] : memref<32x1024xf32, #tpu.memory_space<vmem>> -> memref<32x1024xf32, #tpu.memory_space<vmem>>
    tpu.wait_dma2 semaphore(%arg8 : memref<!tpu.dma_semaphore, #tpu.memory_space<semaphore_mem>>) src(%dma_wait3A_988 : memref<32x1024xf32, #tpu.memory_space<vmem>>) dst(%dma_wait3A_985 : memref<32x1024xf32, #tpu.memory_space<hbm>>)
    %dma_wait3A_989 = arith.constant 3 : i32
    %dma_wait3A_990 = arith.constant 0 : i32
    %dma_wait3A_991 = arith.constant 0 : i32
    %dma_wait3A_992 = tpu.memref_slice %arg4[%dma_wait3A_990, %dma_wait3A_991] : memref<32x1024xf32, #tpu.memory_space<vmem>> -> memref<32x1024xf32, #tpu.memory_space<vmem>>
    %dma_wait3A_993 = arith.constant 0 : i32
    %dma_wait3A_994 = tpu.memref_slice %arg3[%dma_wait3A_989, %add3A_926, %dma_wait3A_993] : memref<4x8192x1024xf32, #tpu.memory_space<hbm>> -> memref<1x32x1024xf32, #tpu.memory_space<hbm>>
    %dma_wait3A_995 = tpu.memref_squeeze %dma_wait3A_994 : memref<1x32x1024xf32, #tpu.memory_space<hbm>> -> memref<32x1024xf32, #tpu.memory_space<hbm>>
    %dma_wait3A_996 = arith.constant 0 : i32
    %dma_wait3A_997 = tpu.memref_slice %arg3[%dma_wait3A_989, %add3A_926, %dma_wait3A_996] : memref<4x8192x1024xf32, #tpu.memory_space<hbm>> -> memref<1x32x1024xf32, #tpu.memory_space<hbm>>
    %dma_wait3A_998 = tpu.memref_squeeze %dma_wait3A_997 : memref<1x32x1024xf32, #tpu.memory_space<hbm>> -> memref<32x1024xf32, #tpu.memory_space<hbm>>
    %dma_wait3A_999 = arith.constant 0 : i32
    %dma_wait3A_1000 = arith.constant 0 : i32
    %dma_wait3A_1001 = tpu.memref_slice %arg4[%dma_wait3A_999, %dma_wait3A_1000] : memref<32x1024xf32, #tpu.memory_space<vmem>> -> memref<32x1024xf32, #tpu.memory_space<vmem>>
    tpu.wait_dma2 semaphore(%arg8 : memref<!tpu.dma_semaphore, #tpu.memory_space<semaphore_mem>>) src(%dma_wait3A_1001 : memref<32x1024xf32, #tpu.memory_space<vmem>>) dst(%dma_wait3A_998 : memref<32x1024xf32, #tpu.memory_space<hbm>>)
    %scan3A_1002 = arith.constant 0 : i32
    %scan3A_1003 = arith.constant 0 : i32
    %scan3A_1004 = arith.constant 32 : i32
    %scan3A_1005 = arith.addi %scan3A_1003, %scan3A_1004 : i32
    %scan3A_1006 = arith.constant 1 : i32
    scf.for %scan3A_1120 = %scan3A_1003 to %scan3A_1005 step %scan3A_1006  : i32 {
      %scan3A_1121 = arith.constant 0 : i32
      %scan3A_1122 = arith.constant 64 : i32
      %scan3A_1123 = arith.addi %scan3A_1121, %scan3A_1122 : i32
      %scan3A_1124 = arith.constant 8 : i32
      scf.for %scan3A_1126 = %scan3A_1121 to %scan3A_1123 step %scan3A_1124  : i32 {
        %mul3A_1127 = arith.constant 16 : i32
        %mul3A_1128 = arith.muli %scan3A_1126, %mul3A_1127 : i32
        %get3A = arith.index_cast %scan3A_1120 : i32 to index
        %get3A_1129 = arith.index_cast %mul3A_1128 : i32 to index
        %get3A_1130 = tpu.vector_load %arg5[%get3A, %get3A_1129] {strides = array<i32>} : memref<32x1024xf32, #tpu.memory_space<vmem>>, vector<1x16xf32>,
        %get3A_1131 = vector.shape_cast %get3A_1130 : vector<1x16xf32> to vector<16xf32>
        %mul3A_1132 = arith.constant 3.125000e-02 : f32
        %mul3A_1133 = vector.broadcast %mul3A_1132 : f32 to vector<16xf32>
        %mul3A_1134 = arith.mulf %get3A_1131, %mul3A_1133 : vector<16xf32>
        %swap3A = arith.index_cast %scan3A_1120 : i32 to index
        %swap3A_1135 = arith.index_cast %mul3A_1128 : i32 to index
        %swap3A_1136 = tpu.vector_load %arg5[%swap3A, %swap3A_1135] {strides = array<i32>} : memref<32x1024xf32, #tpu.memory_space<vmem>>, vector<1x16xf32>,
        %swap3A_1137 = vector.shape_cast %swap3A_1136 : vector<1x16xf32> to vector<16xf32>
        %swap3A_1138 = vector.shape_cast %mul3A_1134 : vector<16xf32> to vector<1x16xf32>
        tpu.vector_store %arg5[%swap3A, %swap3A_1135], %swap3A_1138 {strides = array<i32>} : memref<32x1024xf32, #tpu.memory_space<vmem>>, vector<1x16xf32>,
        %scan3A_1139 = arith.constant 1 : i32
        %scan3A_1140 = arith.addi %scan3A_1126, %scan3A_1139 : i32
        %mul3A_1141 = arith.constant 16 : i32
        %mul3A_1142 = arith.muli %scan3A_1140, %mul3A_1141 : i32
        %get3A_1143 = arith.index_cast %scan3A_1120 : i32 to index
        %get3A_1144 = arith.index_cast %mul3A_1142 : i32 to index
        %get3A_1145 = tpu.vector_load %arg5[%get3A_1143, %get3A_1144] {strides = array<i32>} : memref<32x1024xf32, #tpu.memory_space<vmem>>, vector<1x16xf32>,
        %get3A_1146 = vector.shape_cast %get3A_1145 : vector<1x16xf32> to vector<16xf32>
        %mul3A_1147 = arith.constant 3.125000e-02 : f32
        %mul3A_1148 = vector.broadcast %mul3A_1147 : f32 to vector<16xf32>
        %mul3A_1149 = arith.mulf %get3A_1146, %mul3A_1148 : vector<16xf32>
        %swap3A_1150 = arith.index_cast %scan3A_1120 : i32 to index
        %swap3A_1151 = arith.index_cast %mul3A_1142 : i32 to index
        %swap3A_1152 = tpu.vector_load %arg5[%swap3A_1150, %swap3A_1151] {strides = array<i32>} : memref<32x1024xf32, #tpu.memory_space<vmem>>, vector<1x16xf32>,
        %swap3A_1153 = vector.shape_cast %swap3A_1152 : vector<1x16xf32> to vector<16xf32>
        %swap3A_1154 = vector.shape_cast %mul3A_1149 : vector<16xf32> to vector<1x16xf32>
        tpu.vector_store %arg5[%swap3A_1150, %swap3A_1151], %swap3A_1154 {strides = array<i32>} : memref<32x1024xf32, #tpu.memory_space<vmem>>, vector<1x16xf32>,
        %scan3A_1155 = arith.constant 2 : i32
        %scan3A_1156 = arith.addi %scan3A_1126, %scan3A_1155 : i32
        %mul3A_1157 = arith.constant 16 : i32
        %mul3A_1158 = arith.muli %scan3A_1156, %mul3A_1157 : i32
        %get3A_1159 = arith.index_cast %scan3A_1120 : i32 to index
        %get3A_1160 = arith.index_cast %mul3A_1158 : i32 to index
        %get3A_1161 = tpu.vector_load %arg5[%get3A_1159, %get3A_1160] {strides = array<i32>} : memref<32x1024xf32, #tpu.memory_space<vmem>>, vector<1x16xf32>,
        %get3A_1162 = vector.shape_cast %get3A_1161 : vector<1x16xf32> to vector<16xf32>
        %mul3A_1163 = arith.constant 3.125000e-02 : f32
        %mul3A_1164 = vector.broadcast %mul3A_1163 : f32 to vector<16xf32>
        %mul3A_1165 = arith.mulf %get3A_1162, %mul3A_1164 : vector<16xf32>
        %swap3A_1166 = arith.index_cast %scan3A_1120 : i32 to index
        %swap3A_1167 = arith.index_cast %mul3A_1158 : i32 to index
        %swap3A_1168 = tpu.vector_load %arg5[%swap3A_1166, %swap3A_1167] {strides = array<i32>} : memref<32x1024xf32, #tpu.memory_space<vmem>>, vector<1x16xf32>,
        %swap3A_1169 = vector.shape_cast %swap3A_1168 : vector<1x16xf32> to vector<16xf32>
        %swap3A_1170 = vector.shape_cast %mul3A_1165 : vector<16xf32> to vector<1x16xf32>
        tpu.vector_store %arg5[%swap3A_1166, %swap3A_1167], %swap3A_1170 {strides = array<i32>} : memref<32x1024xf32, #tpu.memory_space<vmem>>, vector<1x16xf32>,
        %scan3A_1171 = arith.constant 3 : i32
        %scan3A_1172 = arith.addi %scan3A_1126, %scan3A_1171 : i32
        %mul3A_1173 = arith.constant 16 : i32
        %mul3A_1174 = arith.muli %scan3A_1172, %mul3A_1173 : i32
        %get3A_1175 = arith.index_cast %scan3A_1120 : i32 to index
        %get3A_1176 = arith.index_cast %mul3A_1174 : i32 to index
        %get3A_1177 = tpu.vector_load %arg5[%get3A_1175, %get3A_1176] {strides = array<i32>} : memref<32x1024xf32, #tpu.memory_space<vmem>>, vector<1x16xf32>,
        %get3A_1178 = vector.shape_cast %get3A_1177 : vector<1x16xf32> to vector<16xf32>
        %mul3A_1179 = arith.constant 3.125000e-02 : f32
        %mul3A_1180 = vector.broadcast %mul3A_1179 : f32 to vector<16xf32>
        %mul3A_1181 = arith.mulf %get3A_1178, %mul3A_1180 : vector<16xf32>
        %swap3A_1182 = arith.index_cast %scan3A_1120 : i32 to index
        %swap3A_1183 = arith.index_cast %mul3A_1174 : i32 to index
        %swap3A_1184 = tpu.vector_load %arg5[%swap3A_1182, %swap3A_1183] {strides = array<i32>} : memref<32x1024xf32, #tpu.memory_space<vmem>>, vector<1x16xf32>,
        %swap3A_1185 = vector.shape_cast %swap3A_1184 : vector<1x16xf32> to vector<16xf32>
        %swap3A_1186 = vector.shape_cast %mul3A_1181 : vector<16xf32> to vector<1x16xf32>
        tpu.vector_store %arg5[%swap3A_1182, %swap3A_1183], %swap3A_1186 {strides = array<i32>} : memref<32x1024xf32, #tpu.memory_space<vmem>>, vector<1x16xf32>,
        %scan3A_1187 = arith.constant 4 : i32
        %scan3A_1188 = arith.addi %scan3A_1126, %scan3A_1187 : i32
        %mul3A_1189 = arith.constant 16 : i32
        %mul3A_1190 = arith.muli %scan3A_1188, %mul3A_1189 : i32
        %get3A_1191 = arith.index_cast %scan3A_1120 : i32 to index
        %get3A_1192 = arith.index_cast %mul3A_1190 : i32 to index
        %get3A_1193 = tpu.vector_load %arg5[%get3A_1191, %get3A_1192] {strides = array<i32>} : memref<32x1024xf32, #tpu.memory_space<vmem>>, vector<1x16xf32>,
        %get3A_1194 = vector.shape_cast %get3A_1193 : vector<1x16xf32> to vector<16xf32>
        %mul3A_1195 = arith.constant 3.125000e-02 : f32
        %mul3A_1196 = vector.broadcast %mul3A_1195 : f32 to vector<16xf32>
        %mul3A_1197 = arith.mulf %get3A_1194, %mul3A_1196 : vector<16xf32>
        %swap3A_1198 = arith.index_cast %scan3A_1120 : i32 to index
        %swap3A_1199 = arith.index_cast %mul3A_1190 : i32 to index
        %swap3A_1200 = tpu.vector_load %arg5[%swap3A_1198, %swap3A_1199] {strides = array<i32>} : memref<32x1024xf32, #tpu.memory_space<vmem>>, vector<1x16xf32>,
        %swap3A_1201 = vector.shape_cast %swap3A_1200 : vector<1x16xf32> to vector<16xf32>
        %swap3A_1202 = vector.shape_cast %mul3A_1197 : vector<16xf32> to vector<1x16xf32>
        tpu.vector_store %arg5[%swap3A_1198, %swap3A_1199], %swap3A_1202 {strides = array<i32>} : memref<32x1024xf32, #tpu.memory_space<vmem>>, vector<1x16xf32>,
        %scan3A_1203 = arith.constant 5 : i32
        %scan3A_1204 = arith.addi %scan3A_1126, %scan3A_1203 : i32
        %mul3A_1205 = arith.constant 16 : i32
        %mul3A_1206 = arith.muli %scan3A_1204, %mul3A_1205 : i32
        %get3A_1207 = arith.index_cast %scan3A_1120 : i32 to index
        %get3A_1208 = arith.index_cast %mul3A_1206 : i32 to index
        %get3A_1209 = tpu.vector_load %arg5[%get3A_1207, %get3A_1208] {strides = array<i32>} : memref<32x1024xf32, #tpu.memory_space<vmem>>, vector<1x16xf32>,
        %get3A_1210 = vector.shape_cast %get3A_1209 : vector<1x16xf32> to vector<16xf32>
        %mul3A_1211 = arith.constant 3.125000e-02 : f32
        %mul3A_1212 = vector.broadcast %mul3A_1211 : f32 to vector<16xf32>
        %mul3A_1213 = arith.mulf %get3A_1210, %mul3A_1212 : vector<16xf32>
        %swap3A_1214 = arith.index_cast %scan3A_1120 : i32 to index
        %swap3A_1215 = arith.index_cast %mul3A_1206 : i32 to index
        %swap3A_1216 = tpu.vector_load %arg5[%swap3A_1214, %swap3A_1215] {strides = array<i32>} : memref<32x1024xf32, #tpu.memory_space<vmem>>, vector<1x16xf32>,
        %swap3A_1217 = vector.shape_cast %swap3A_1216 : vector<1x16xf32> to vector<16xf32>
        %swap3A_1218 = vector.shape_cast %mul3A_1213 : vector<16xf32> to vector<1x16xf32>
        tpu.vector_store %arg5[%swap3A_1214, %swap3A_1215], %swap3A_1218 {strides = array<i32>} : memref<32x1024xf32, #tpu.memory_space<vmem>>, vector<1x16xf32>,
        %scan3A_1219 = arith.constant 6 : i32
        %scan3A_1220 = arith.addi %scan3A_1126, %scan3A_1219 : i32
        %mul3A_1221 = arith.constant 16 : i32
        %mul3A_1222 = arith.muli %scan3A_1220, %mul3A_1221 : i32
        %get3A_1223 = arith.index_cast %scan3A_1120 : i32 to index
        %get3A_1224 = arith.index_cast %mul3A_1222 : i32 to index
        %get3A_1225 = tpu.vector_load %arg5[%get3A_1223, %get3A_1224] {strides = array<i32>} : memref<32x1024xf32, #tpu.memory_space<vmem>>, vector<1x16xf32>,
        %get3A_1226 = vector.shape_cast %get3A_1225 : vector<1x16xf32> to vector<16xf32>
        %mul3A_1227 = arith.constant 3.125000e-02 : f32
        %mul3A_1228 = vector.broadcast %mul3A_1227 : f32 to vector<16xf32>
        %mul3A_1229 = arith.mulf %get3A_1226, %mul3A_1228 : vector<16xf32>
        %swap3A_1230 = arith.index_cast %scan3A_1120 : i32 to index
        %swap3A_1231 = arith.index_cast %mul3A_1222 : i32 to index
        %swap3A_1232 = tpu.vector_load %arg5[%swap3A_1230, %swap3A_1231] {strides = array<i32>} : memref<32x1024xf32, #tpu.memory_space<vmem>>, vector<1x16xf32>,
        %swap3A_1233 = vector.shape_cast %swap3A_1232 : vector<1x16xf32> to vector<16xf32>
        %swap3A_1234 = vector.shape_cast %mul3A_1229 : vector<16xf32> to vector<1x16xf32>
        tpu.vector_store %arg5[%swap3A_1230, %swap3A_1231], %swap3A_1234 {strides = array<i32>} : memref<32x1024xf32, #tpu.memory_space<vmem>>, vector<1x16xf32>,
        %scan3A_1235 = arith.constant 7 : i32
        %scan3A_1236 = arith.addi %scan3A_1126, %scan3A_1235 : i32
        %mul3A_1237 = arith.constant 16 : i32
        %mul3A_1238 = arith.muli %scan3A_1236, %mul3A_1237 : i32
        %get3A_1239 = arith.index_cast %scan3A_1120 : i32 to index
        %get3A_1240 = arith.index_cast %mul3A_1238 : i32 to index
        %get3A_1241 = tpu.vector_load %arg5[%get3A_1239, %get3A_1240] {strides = array<i32>} : memref<32x1024xf32, #tpu.memory_space<vmem>>, vector<1x16xf32>,
        %get3A_1242 = vector.shape_cast %get3A_1241 : vector<1x16xf32> to vector<16xf32>
        %mul3A_1243 = arith.constant 3.125000e-02 : f32
        %mul3A_1244 = vector.broadcast %mul3A_1243 : f32 to vector<16xf32>
        %mul3A_1245 = arith.mulf %get3A_1242, %mul3A_1244 : vector<16xf32>
        %swap3A_1246 = arith.index_cast %scan3A_1120 : i32 to index
        %swap3A_1247 = arith.index_cast %mul3A_1238 : i32 to index
        %swap3A_1248 = tpu.vector_load %arg5[%swap3A_1246, %swap3A_1247] {strides = array<i32>} : memref<32x1024xf32, #tpu.memory_space<vmem>>, vector<1x16xf32>,
        %swap3A_1249 = vector.shape_cast %swap3A_1248 : vector<1x16xf32> to vector<16xf32>
        %swap3A_1250 = vector.shape_cast %mul3A_1245 : vector<16xf32> to vector<1x16xf32>
        tpu.vector_store %arg5[%swap3A_1246, %swap3A_1247], %swap3A_1250 {strides = array<i32>} : memref<32x1024xf32, #tpu.memory_space<vmem>>, vector<1x16xf32>,
      }
      %scan3A_1125 = arith.constant 64 : i32
    }
    %scan3A_1007 = arith.constant 32 : i32
    %add3A_1008 = arith.constant 224 : i32
    %add3A_1009 = arith.addi %mul3A_2, %add3A_1008 : i32
    %dma_start3A_1010 = arith.constant 0 : i32
    %dma_start3A_1011 = arith.constant 0 : i32
    %dma_start3A_1012 = arith.constant 0 : i32
    %dma_start3A_1013 = tpu.memref_slice %arg5[%dma_start3A_1011, %dma_start3A_1012] : memref<32x1024xf32, #tpu.memory_space<vmem>> -> memref<32x1024xf32, #tpu.memory_space<vmem>>
    %dma_start3A_1014 = arith.constant 0 : i32
    %dma_start3A_1015 = tpu.memref_slice %arg3[%dma_start3A_1010, %add3A_1009, %dma_start3A_1014] : memref<4x8192x1024xf32, #tpu.memory_space<hbm>> -> memref<1x32x1024xf32, #tpu.memory_space<hbm>>
    %dma_start3A_1016 = tpu.memref_squeeze %dma_start3A_1015 : memref<1x32x1024xf32, #tpu.memory_space<hbm>> -> memref<32x1024xf32, #tpu.memory_space<hbm>>
    %dma_start3A_1017 = arith.constant 0 : i32
    %dma_start3A_1018 = tpu.memref_slice %arg3[%dma_start3A_1010, %add3A_1009, %dma_start3A_1017] : memref<4x8192x1024xf32, #tpu.memory_space<hbm>> -> memref<1x32x1024xf32, #tpu.memory_space<hbm>>
    %dma_start3A_1019 = tpu.memref_squeeze %dma_start3A_1018 : memref<1x32x1024xf32, #tpu.memory_space<hbm>> -> memref<32x1024xf32, #tpu.memory_space<hbm>>
    %dma_start3A_1020 = arith.constant 0 : i32
    %dma_start3A_1021 = arith.constant 0 : i32
    %dma_start3A_1022 = tpu.memref_slice %arg5[%dma_start3A_1020, %dma_start3A_1021] : memref<32x1024xf32, #tpu.memory_space<vmem>> -> memref<32x1024xf32, #tpu.memory_space<vmem>>
    tpu.enqueue_dma source(%dma_start3A_1022 : memref<32x1024xf32, #tpu.memory_space<vmem>>) target(%dma_start3A_1019 : memref<32x1024xf32, #tpu.memory_space<hbm>>) target_semaphore(%arg9 : memref<!tpu.dma_semaphore, #tpu.memory_space<semaphore_mem>>)
    %add3A_1023 = arith.constant 224 : i32
    %add3A_1024 = arith.addi %mul3A_2, %add3A_1023 : i32
    %dma_start3A_1025 = arith.constant 1 : i32
    %dma_start3A_1026 = arith.constant 0 : i32
    %dma_start3A_1027 = arith.constant 0 : i32
    %dma_start3A_1028 = tpu.memref_slice %arg5[%dma_start3A_1026, %dma_start3A_1027] : memref<32x1024xf32, #tpu.memory_space<vmem>> -> memref<32x1024xf32, #tpu.memory_space<vmem>>
    %dma_start3A_1029 = arith.constant 0 : i32
    %dma_start3A_1030 = tpu.memref_slice %arg3[%dma_start3A_1025, %add3A_1024, %dma_start3A_1029] : memref<4x8192x1024xf32, #tpu.memory_space<hbm>> -> memref<1x32x1024xf32, #tpu.memory_space<hbm>>
    %dma_start3A_1031 = tpu.memref_squeeze %dma_start3A_1030 : memref<1x32x1024xf32, #tpu.memory_space<hbm>> -> memref<32x1024xf32, #tpu.memory_space<hbm>>
    %dma_start3A_1032 = arith.constant 0 : i32
    %dma_start3A_1033 = tpu.memref_slice %arg3[%dma_start3A_1025, %add3A_1024, %dma_start3A_1032] : memref<4x8192x1024xf32, #tpu.memory_space<hbm>> -> memref<1x32x1024xf32, #tpu.memory_space<hbm>>
    %dma_start3A_1034 = tpu.memref_squeeze %dma_start3A_1033 : memref<1x32x1024xf32, #tpu.memory_space<hbm>> -> memref<32x1024xf32, #tpu.memory_space<hbm>>
    %dma_start3A_1035 = arith.constant 0 : i32
    %dma_start3A_1036 = arith.constant 0 : i32
    %dma_start3A_1037 = tpu.memref_slice %arg5[%dma_start3A_1035, %dma_start3A_1036] : memref<32x1024xf32, #tpu.memory_space<vmem>> -> memref<32x1024xf32, #tpu.memory_space<vmem>>
    tpu.enqueue_dma source(%dma_start3A_1037 : memref<32x1024xf32, #tpu.memory_space<vmem>>) target(%dma_start3A_1034 : memref<32x1024xf32, #tpu.memory_space<hbm>>) target_semaphore(%arg9 : memref<!tpu.dma_semaphore, #tpu.memory_space<semaphore_mem>>)
    %add3A_1038 = arith.constant 224 : i32
    %add3A_1039 = arith.addi %mul3A_2, %add3A_1038 : i32
    %dma_start3A_1040 = arith.constant 2 : i32
    %dma_start3A_1041 = arith.constant 0 : i32
    %dma_start3A_1042 = arith.constant 0 : i32
    %dma_start3A_1043 = tpu.memref_slice %arg5[%dma_start3A_1041, %dma_start3A_1042] : memref<32x1024xf32, #tpu.memory_space<vmem>> -> memref<32x1024xf32, #tpu.memory_space<vmem>>
    %dma_start3A_1044 = arith.constant 0 : i32
    %dma_start3A_1045 = tpu.memref_slice %arg3[%dma_start3A_1040, %add3A_1039, %dma_start3A_1044] : memref<4x8192x1024xf32, #tpu.memory_space<hbm>> -> memref<1x32x1024xf32, #tpu.memory_space<hbm>>
    %dma_start3A_1046 = tpu.memref_squeeze %dma_start3A_1045 : memref<1x32x1024xf32, #tpu.memory_space<hbm>> -> memref<32x1024xf32, #tpu.memory_space<hbm>>
    %dma_start3A_1047 = arith.constant 0 : i32
    %dma_start3A_1048 = tpu.memref_slice %arg3[%dma_start3A_1040, %add3A_1039, %dma_start3A_1047] : memref<4x8192x1024xf32, #tpu.memory_space<hbm>> -> memref<1x32x1024xf32, #tpu.memory_space<hbm>>
    %dma_start3A_1049 = tpu.memref_squeeze %dma_start3A_1048 : memref<1x32x1024xf32, #tpu.memory_space<hbm>> -> memref<32x1024xf32, #tpu.memory_space<hbm>>
    %dma_start3A_1050 = arith.constant 0 : i32
    %dma_start3A_1051 = arith.constant 0 : i32
    %dma_start3A_1052 = tpu.memref_slice %arg5[%dma_start3A_1050, %dma_start3A_1051] : memref<32x1024xf32, #tpu.memory_space<vmem>> -> memref<32x1024xf32, #tpu.memory_space<vmem>>
    tpu.enqueue_dma source(%dma_start3A_1052 : memref<32x1024xf32, #tpu.memory_space<vmem>>) target(%dma_start3A_1049 : memref<32x1024xf32, #tpu.memory_space<hbm>>) target_semaphore(%arg9 : memref<!tpu.dma_semaphore, #tpu.memory_space<semaphore_mem>>)
    %add3A_1053 = arith.constant 224 : i32
    %add3A_1054 = arith.addi %mul3A_2, %add3A_1053 : i32
    %dma_start3A_1055 = arith.constant 3 : i32
    %dma_start3A_1056 = arith.constant 0 : i32
    %dma_start3A_1057 = arith.constant 0 : i32
    %dma_start3A_1058 = tpu.memref_slice %arg5[%dma_start3A_1056, %dma_start3A_1057] : memref<32x1024xf32, #tpu.memory_space<vmem>> -> memref<32x1024xf32, #tpu.memory_space<vmem>>
    %dma_start3A_1059 = arith.constant 0 : i32
    %dma_start3A_1060 = tpu.memref_slice %arg3[%dma_start3A_1055, %add3A_1054, %dma_start3A_1059] : memref<4x8192x1024xf32, #tpu.memory_space<hbm>> -> memref<1x32x1024xf32, #tpu.memory_space<hbm>>
    %dma_start3A_1061 = tpu.memref_squeeze %dma_start3A_1060 : memref<1x32x1024xf32, #tpu.memory_space<hbm>> -> memref<32x1024xf32, #tpu.memory_space<hbm>>
    %dma_start3A_1062 = arith.constant 0 : i32
    %dma_start3A_1063 = tpu.memref_slice %arg3[%dma_start3A_1055, %add3A_1054, %dma_start3A_1062] : memref<4x8192x1024xf32, #tpu.memory_space<hbm>> -> memref<1x32x1024xf32, #tpu.memory_space<hbm>>
    %dma_start3A_1064 = tpu.memref_squeeze %dma_start3A_1063 : memref<1x32x1024xf32, #tpu.memory_space<hbm>> -> memref<32x1024xf32, #tpu.memory_space<hbm>>
    %dma_start3A_1065 = arith.constant 0 : i32
    %dma_start3A_1066 = arith.constant 0 : i32
    %dma_start3A_1067 = tpu.memref_slice %arg5[%dma_start3A_1065, %dma_start3A_1066] : memref<32x1024xf32, #tpu.memory_space<vmem>> -> memref<32x1024xf32, #tpu.memory_space<vmem>>
    tpu.enqueue_dma source(%dma_start3A_1067 : memref<32x1024xf32, #tpu.memory_space<vmem>>) target(%dma_start3A_1064 : memref<32x1024xf32, #tpu.memory_space<hbm>>) target_semaphore(%arg9 : memref<!tpu.dma_semaphore, #tpu.memory_space<semaphore_mem>>)
    %dma_wait3A_1068 = arith.constant 0 : i32
    %dma_wait3A_1069 = arith.constant 0 : i32
    %dma_wait3A_1070 = arith.constant 0 : i32
    %dma_wait3A_1071 = tpu.memref_slice %arg5[%dma_wait3A_1069, %dma_wait3A_1070] : memref<32x1024xf32, #tpu.memory_space<vmem>> -> memref<32x1024xf32, #tpu.memory_space<vmem>>
    %dma_wait3A_1072 = arith.constant 0 : i32
    %dma_wait3A_1073 = tpu.memref_slice %arg3[%dma_wait3A_1068, %add3A_1009, %dma_wait3A_1072] : memref<4x8192x1024xf32, #tpu.memory_space<hbm>> -> memref<1x32x1024xf32, #tpu.memory_space<hbm>>
    %dma_wait3A_1074 = tpu.memref_squeeze %dma_wait3A_1073 : memref<1x32x1024xf32, #tpu.memory_space<hbm>> -> memref<32x1024xf32, #tpu.memory_space<hbm>>
    %dma_wait3A_1075 = arith.constant 0 : i32
    %dma_wait3A_1076 = tpu.memref_slice %arg3[%dma_wait3A_1068, %add3A_1009, %dma_wait3A_1075] : memref<4x8192x1024xf32, #tpu.memory_space<hbm>> -> memref<1x32x1024xf32, #tpu.memory_space<hbm>>
    %dma_wait3A_1077 = tpu.memref_squeeze %dma_wait3A_1076 : memref<1x32x1024xf32, #tpu.memory_space<hbm>> -> memref<32x1024xf32, #tpu.memory_space<hbm>>
    %dma_wait3A_1078 = arith.constant 0 : i32
    %dma_wait3A_1079 = arith.constant 0 : i32
    %dma_wait3A_1080 = tpu.memref_slice %arg5[%dma_wait3A_1078, %dma_wait3A_1079] : memref<32x1024xf32, #tpu.memory_space<vmem>> -> memref<32x1024xf32, #tpu.memory_space<vmem>>
    tpu.wait_dma2 semaphore(%arg9 : memref<!tpu.dma_semaphore, #tpu.memory_space<semaphore_mem>>) src(%dma_wait3A_1080 : memref<32x1024xf32, #tpu.memory_space<vmem>>) dst(%dma_wait3A_1077 : memref<32x1024xf32, #tpu.memory_space<hbm>>)
    %dma_wait3A_1081 = arith.constant 1 : i32
    %dma_wait3A_1082 = arith.constant 0 : i32
    %dma_wait3A_1083 = arith.constant 0 : i32
    %dma_wait3A_1084 = tpu.memref_slice %arg5[%dma_wait3A_1082, %dma_wait3A_1083] : memref<32x1024xf32, #tpu.memory_space<vmem>> -> memref<32x1024xf32, #tpu.memory_space<vmem>>
    %dma_wait3A_1085 = arith.constant 0 : i32
    %dma_wait3A_1086 = tpu.memref_slice %arg3[%dma_wait3A_1081, %add3A_1024, %dma_wait3A_1085] : memref<4x8192x1024xf32, #tpu.memory_space<hbm>> -> memref<1x32x1024xf32, #tpu.memory_space<hbm>>
    %dma_wait3A_1087 = tpu.memref_squeeze %dma_wait3A_1086 : memref<1x32x1024xf32, #tpu.memory_space<hbm>> -> memref<32x1024xf32, #tpu.memory_space<hbm>>
    %dma_wait3A_1088 = arith.constant 0 : i32
    %dma_wait3A_1089 = tpu.memref_slice %arg3[%dma_wait3A_1081, %add3A_1024, %dma_wait3A_1088] : memref<4x8192x1024xf32, #tpu.memory_space<hbm>> -> memref<1x32x1024xf32, #tpu.memory_space<hbm>>
    %dma_wait3A_1090 = tpu.memref_squeeze %dma_wait3A_1089 : memref<1x32x1024xf32, #tpu.memory_space<hbm>> -> memref<32x1024xf32, #tpu.memory_space<hbm>>
    %dma_wait3A_1091 = arith.constant 0 : i32
    %dma_wait3A_1092 = arith.constant 0 : i32
    %dma_wait3A_1093 = tpu.memref_slice %arg5[%dma_wait3A_1091, %dma_wait3A_1092] : memref<32x1024xf32, #tpu.memory_space<vmem>> -> memref<32x1024xf32, #tpu.memory_space<vmem>>
    tpu.wait_dma2 semaphore(%arg9 : memref<!tpu.dma_semaphore, #tpu.memory_space<semaphore_mem>>) src(%dma_wait3A_1093 : memref<32x1024xf32, #tpu.memory_space<vmem>>) dst(%dma_wait3A_1090 : memref<32x1024xf32, #tpu.memory_space<hbm>>)
    %dma_wait3A_1094 = arith.constant 2 : i32
    %dma_wait3A_1095 = arith.constant 0 : i32
    %dma_wait3A_1096 = arith.constant 0 : i32
    %dma_wait3A_1097 = tpu.memref_slice %arg5[%dma_wait3A_1095, %dma_wait3A_1096] : memref<32x1024xf32, #tpu.memory_space<vmem>> -> memref<32x1024xf32, #tpu.memory_space<vmem>>
    %dma_wait3A_1098 = arith.constant 0 : i32
    %dma_wait3A_1099 = tpu.memref_slice %arg3[%dma_wait3A_1094, %add3A_1039, %dma_wait3A_1098] : memref<4x8192x1024xf32, #tpu.memory_space<hbm>> -> memref<1x32x1024xf32, #tpu.memory_space<hbm>>
    %dma_wait3A_1100 = tpu.memref_squeeze %dma_wait3A_1099 : memref<1x32x1024xf32, #tpu.memory_space<hbm>> -> memref<32x1024xf32, #tpu.memory_space<hbm>>
    %dma_wait3A_1101 = arith.constant 0 : i32
    %dma_wait3A_1102 = tpu.memref_slice %arg3[%dma_wait3A_1094, %add3A_1039, %dma_wait3A_1101] : memref<4x8192x1024xf32, #tpu.memory_space<hbm>> -> memref<1x32x1024xf32, #tpu.memory_space<hbm>>
    %dma_wait3A_1103 = tpu.memref_squeeze %dma_wait3A_1102 : memref<1x32x1024xf32, #tpu.memory_space<hbm>> -> memref<32x1024xf32, #tpu.memory_space<hbm>>
    %dma_wait3A_1104 = arith.constant 0 : i32
    %dma_wait3A_1105 = arith.constant 0 : i32
    %dma_wait3A_1106 = tpu.memref_slice %arg5[%dma_wait3A_1104, %dma_wait3A_1105] : memref<32x1024xf32, #tpu.memory_space<vmem>> -> memref<32x1024xf32, #tpu.memory_space<vmem>>
    tpu.wait_dma2 semaphore(%arg9 : memref<!tpu.dma_semaphore, #tpu.memory_space<semaphore_mem>>) src(%dma_wait3A_1106 : memref<32x1024xf32, #tpu.memory_space<vmem>>) dst(%dma_wait3A_1103 : memref<32x1024xf32, #tpu.memory_space<hbm>>)
    %dma_wait3A_1107 = arith.constant 3 : i32
    %dma_wait3A_1108 = arith.constant 0 : i32
    %dma_wait3A_1109 = arith.constant 0 : i32
    %dma_wait3A_1110 = tpu.memref_slice %arg5[%dma_wait3A_1108, %dma_wait3A_1109] : memref<32x1024xf32, #tpu.memory_space<vmem>> -> memref<32x1024xf32, #tpu.memory_space<vmem>>
    %dma_wait3A_1111 = arith.constant 0 : i32
    %dma_wait3A_1112 = tpu.memref_slice %arg3[%dma_wait3A_1107, %add3A_1054, %dma_wait3A_1111] : memref<4x8192x1024xf32, #tpu.memory_space<hbm>> -> memref<1x32x1024xf32, #tpu.memory_space<hbm>>
    %dma_wait3A_1113 = tpu.memref_squeeze %dma_wait3A_1112 : memref<1x32x1024xf32, #tpu.memory_space<hbm>> -> memref<32x1024xf32, #tpu.memory_space<hbm>>
    %dma_wait3A_1114 = arith.constant 0 : i32
    %dma_wait3A_1115 = tpu.memref_slice %arg3[%dma_wait3A_1107, %add3A_1054, %dma_wait3A_1114] : memref<4x8192x1024xf32, #tpu.memory_space<hbm>> -> memref<1x32x1024xf32, #tpu.memory_space<hbm>>
    %dma_wait3A_1116 = tpu.memref_squeeze %dma_wait3A_1115 : memref<1x32x1024xf32, #tpu.memory_space<hbm>> -> memref<32x1024xf32, #tpu.memory_space<hbm>>
    %dma_wait3A_1117 = arith.constant 0 : i32
    %dma_wait3A_1118 = arith.constant 0 : i32
    %dma_wait3A_1119 = tpu.memref_slice %arg5[%dma_wait3A_1117, %dma_wait3A_1118] : memref<32x1024xf32, #tpu.memory_space<vmem>> -> memref<32x1024xf32, #tpu.memory_space<vmem>>
    tpu.wait_dma2 semaphore(%arg9 : memref<!tpu.dma_semaphore, #tpu.memory_space<semaphore_mem>>) src(%dma_wait3A_1119 : memref<32x1024xf32, #tpu.memory_space<vmem>>) dst(%dma_wait3A_1116 : memref<32x1024xf32, #tpu.memory_space<hbm>>)
    return
  }
}

</mosaic_0001>

<sc_bundles>
// kernel: kernel.3.cloned.1.call-start
scs
__scs_entry_jumppad:
0x0: {  	(pc) =	sbr.rel $0x88, $3  }
0x1: {  	(tag) =	ssettag $0x0;
	lr =	simm.s32 $0x1  }
0x2: {  	[smem:$0x3FA0] =	sst lr;
	_ =	strace $0xD0000000  }
0x3: {  	_ = 	snop  }
0x4: {  	_ = 	snop  }
0x5: {  	_ = 	snop  }
0x6: {  	_ = 	snop  }
0x7: {  	_ = 	snop  }
__scs_overlays_trampoline_lowered:
0x8: {  	[smem:$0x3FAF] =	sst s0  }
0x9: {  	[smem:$0x3FB0] =	sst s1  }
0xa: {  	[smem:$0x3FB1] =	sst s2  }
0xb: {  	[smem:$0x3FB2] =	sst s3  }
0xc: {  	[smem:$0x3FB3] =	sst s4  }
0xd: {  	[smem:$0x3FB4] =	sst s5  }
0xe: {  	[smem:$0x3FB5] =	sst s6  }
0xf: {  	[smem:$0x3FB6] =	sst s7  }
0x10: {  	[smem:$0x3FB7] =	sst s8  }
0x11: {  	[smem:$0x3FB8] =	sst s9;
	s0 =	simm.s32 @!p0 $0x0  }
0x12: {  	s1 =	sld [smem:$0x3F9E];
	s0 =	simm.s32 @p0 $0x1  }
0x13: {  	[smem:$0x3FB9] =	sst s0;
	s0 =	simm.s32 @!p1 $0x0  }
0x14: {  	s2 =	sld [smem:$0x3F9D];
	s0 =	simm.s32 @p1 $0x1  }
0x15: {  	[smem:$0x3FBA] =	sst s0;
	s0 =	simm.s32 @!p2 $0x0  }
0x16: {  	s3 =	sld [smem:$0x3FDB];
	s0 =	simm.s32 @p2 $0x1  }
0x17: {  	s4 =	simm.s32 $0x1BF5;
	[smem:$0x3FBC] =	sst s0  }
0x18: {  	s0 =	sld [smem:$0x3F9F];
	_ =	swait.ge [sflag:s4], $0x0  }
0x19: {  	s7 =	sld [smem:$0x3FA0]  }
0x1a: {  	s8 =	sadd.s32 $0xFFFFE003, lr  }
0x1b: {  	s9 =	sadd.s32 $0xFFFFFEF7, lr;
	s5 =	simm.s32 $0xFFFFFFFF;
	p2 =	slt.u32 s8, $0xFFFFF086  }
0x1c: {  	p1 =	slt.u32 s9, $0xF7A;
	s5 =	simm.s32 @!p2 $0x0  }
0x1d: {  	s5 =	simm.s32 @p1 $0x1;
	p0 =	seq.s32 s7, s2  }
0x1e: {  	s7 =	smul.u32 @!p0 $0xF7A, s2;
	p2 =	seq.s32 @!p0 s5, $0x0  }
0x1f: {  	s9 =	smul.u32 $0xF7A, s1;
	s8 =	simm.s32 @!p0 $0x1BF5;
	p2 =	por !p2, p0  }
0x20: {  	[sflag:s8] =	ssyncset.s32 @!p0 $0xFFFFF086;
	s6 =	sadd.s32 @!p0 s3, s7;
	s7 =	simm.s32 @!p0 $0x108  }
0x21: {  	s3 =	sadd.s32 s3, s9;
	s6 =	sadd.s32 @!p0 $0x88, s6;
	s7 =	simm.s32 @p2 $0x1082  }
0x22: {  	[simem:s7], [sflag:s8] =	dma.local @!p0 [hbm:s6], $0xF7A  }
0x23: {  	s9 =	sor.u32 $0xD0000000, s2;
	s6 =	simm.s32 $0x108;
	_ =	swait.ge @!p0 [sflag:s8], $0x0  }
0x24: {  	s3 =	sadd.s32 $0x88, s3;
	s6 =	simm.s32 @!p1 $0x1082;
	[sflag:s4] =	ssyncset.s32 $0xFFFFF086  }
0x25: {  	[simem:s6], [sflag:s4] =	dma.local [hbm:s3], $0xF7A  }
0x26: {  	[smem:$0x3FA0] =	sst s1;
	(tag) =	ssettag s2;
	_ =	strace s9  }
0x27: {  	s1 =	sld [smem:$0x3FB0]  }
0x28: {  	s2 =	sld [smem:$0x3FB1]  }
0x29: {  	s4 =	sld [smem:$0x3FB3]  }
0x2a: {  	p0 =	seq.s32 s5, $0x0;
	s5 =	sld [smem:$0x3FB4]  }
0x2b: {  	s6 =	sld [smem:$0x3FB5]  }
0x2c: {  	s7 =	sld [smem:$0x3FB6]  }
0x2d: {  	s3 =	simm.s32 $0x108;
	s8 =	sld [smem:$0x3FB7]  }
0x2e: {  	s3 =	simm.s32 @!p0 $0x1082;
	s9 =	sld [smem:$0x3FB8]  }
0x2f: {  	lr =	sadd.s32 s0, s3;
	s0 =	sld [smem:$0x3FAF]  }
0x30: {  	s3 =	sld [smem:$0x3FB2]  }
0x31: {  	[smem:$0x3FBB] =	sst s10  }
0x32: {  	s10 =	sld [smem:$0x3FB9];
	_ =	sdelay $0x3  }
0x33: {  	p0 =	seq.s32 s10, $0x1;
	s10 =	sld [smem:$0x3FBB];
	_ =	sdelay $0x3  }
0x34: {  	[smem:$0x3FBB] =	sst s10  }
0x35: {  	s10 =	sld [smem:$0x3FBA];
	_ =	sdelay $0x3  }
0x36: {  	p1 =	seq.s32 s10, $0x1;
	s10 =	sld [smem:$0x3FBB];
	_ =	sdelay $0x3  }
0x37: {  	[smem:$0x3FBB] =	sst s10  }
0x38: {  	s10 =	sld [smem:$0x3FBC]  }
0x39: {  	_ = 	snop;
	(pc) =	sbr.ind lr, $3  }
0x3a: {  	_ = 	snop  }
0x3b: {  	_ = 	snop  }
0x3c: {  	p2 =	seq.s32 s10, $0x1;
	s10 =	sld [smem:$0x3FBB]  }
0x3d: {  	_ =	shalt  }
0x3e: {  	_ =	shalt  }
0x3f: {  	_ =	shalt  }
0x40: {  	_ =	shalt  }
0x41: {  	_ =	shalt  }
0x42: {  	_ =	shalt  }
0x43: {  	_ =	shalt  }
0x44: {  	_ =	shalt  }
0x45: {  	_ =	shalt  }
0x46: {  	_ =	shalt  }
0x47: {  	_ =	shalt  }
0x48: {  	_ =	shalt  }
0x49: {  	_ =	shalt  }
0x4a: {  	_ =	shalt  }
0x4b: {  	_ =	shalt  }
0x4c: {  	_ =	shalt  }
0x4d: {  	_ =	shalt  }
0x4e: {  	_ =	shalt  }
0x4f: {  	_ =	shalt  }
0x50: {  	_ =	shalt  }
0x51: {  	_ =	shalt  }
0x52: {  	_ =	shalt  }
0x53: {  	_ =	shalt  }
0x54: {  	_ =	shalt  }
0x55: {  	_ =	shalt  }
0x56: {  	_ =	shalt  }
0x57: {  	_ =	shalt  }
0x58: {  	_ =	shalt  }
0x59: {  	_ =	shalt  }
0x5a: {  	_ =	shalt  }
0x5b: {  	_ =	shalt  }
0x5c: {  	_ =	shalt  }
0x5d: {  	_ =	shalt  }
0x5e: {  	_ =	shalt  }
0x5f: {  	_ =	shalt  }
0x60: {  	_ =	shalt  }
0x61: {  	_ =	shalt  }
0x62: {  	_ =	shalt  }
0x63: {  	_ =	shalt  }
0x64: {  	_ =	shalt  }
0x65: {  	_ =	shalt  }
0x66: {  	_ =	shalt  }
0x67: {  	_ =	shalt  }
0x68: {  	_ =	shalt  }
0x69: {  	_ =	shalt  }
0x6a: {  	_ =	shalt  }
0x6b: {  	_ =	shalt  }
0x6c: {  	_ =	shalt  }
0x6d: {  	_ =	shalt  }
0x6e: {  	_ =	shalt  }
0x6f: {  	_ =	shalt  }
0x70: {  	_ =	shalt  }
0x71: {  	_ =	shalt  }
0x72: {  	_ =	shalt  }
0x73: {  	_ =	shalt  }
0x74: {  	_ =	shalt  }
0x75: {  	_ =	shalt  }
0x76: {  	_ =	shalt  }
0x77: {  	_ =	shalt  }
0x78: {  	_ =	shalt  }
0x79: {  	_ =	shalt  }
0x7a: {  	_ =	shalt  }
0x7b: {  	_ =	shalt  }
0x7c: {  	_ =	shalt  }
0x7d: {  	_ =	shalt  }
0x7e: {  	_ =	shalt  }
0x7f: {  	_ =	shalt  }
0x80: {  	_ =	shalt  }
0x81: {  	_ =	shalt  }
0x82: {  	_ =	shalt  }
0x83: {  	_ =	shalt  }
0x84: {  	_ =	shalt  }
0x85: {  	_ =	shalt  }
0x86: {  	_ =	shalt  }
0x87: {  	_ =	shalt  }
.Lfunc_end0:
.L_simem_size_0:
called_computation_lowered:
.L_overlay_start_0:
0x88: {  	s2 =	sld [smem:$0x3FD9]  }
0x89: {  	s3 =	sld [smem:$0x3FFE];
	_ =	sdelay $0x1  }
0x8a: {  	s1 =	srdreg.scid  }
0x8b: {  	s0 =	sand.u32 $0x1, s1  }
0x8c: {  	s18 =	sshll.u32 s0, $0xA;
	s2 =	sadd.s32 s3, s2  }
0x8d: {  	s2 =	sadd.s32 s2, s18  }
0x8e: {  	[smem:$0x3FC7] =	sst s2  }
0x8f: {  	_ = 	snop  }
0x90: {  	s2 =	sld [smem:$0x3FC9]  }
0x91: {  	s19 =	sld [smem:$0x3FD0];
	(tm) =	ssettm $0x1  }
0x92: {  	s4 =	sld [smem:$0x3FFB];
	_ =	sdelay $0x3  }
0x93: {  	_ =	strace s4  }
0x94: {  	s4 =	sld [smem:$0x3FFC];
	_ =	sdelay $0x3  }
0x95: {  	_ =	strace s4  }
0x96: {  	s4 =	sld [smem:$0x3FFD];
	_ =	sdelay $0x3  }
0x97: {  	_ =	strace s4  }
0x98: {  	_ =	strace $0x8FFFFFFF  }
0x99: {  	s20 =	sld [smem:$0x3FDB];
	_ =	sdelay $0x1  }
0x9a: {  	s5 =	simm.s32 $_scs_section_size  }
0x9b: {  	s6 =	simm.s32 $_size__tile_overlayer_lowered;
	s7 =	simm.s32 $_tile_overlayer_lowered  }
0x9c: {  	s23 =	simm.s32 $0x1BFF;
	s22 =	sshll.u32 s7, $0x1;
	s4 =	sadd.s32 s5, s20  }
0x9d: {  	s8 =	simm.s32 $0x0;
	s21 =	sshll.u32 s6, $0x1;
	s6 =	sadd.s32 s22, s4  }
0x9e: {  	[timem:s8], [sflag:s23] =	dma.local [hbm:s6], s21  }
0x9f: {  	_ =	swait.ge [sflag:s23], s21  }
0xa0: {  	s5 =	ssub.s32 $0x0, s21;
	[sflag:s23] =	ssyncset.done $0x0  }
0xa1: {  	[sflag:s23] =	ssyncadd.s32 s5;
	_ =	sdelay $0x1  }
0xa2: {  	s24 =	simm.s32 $0x1B8B  }
0xa3: {  	_ =	swait.ge [sflag:s24], $0x1  }
0xa4: {  	[sflag:s24] =	ssyncset.done $0x0  }
0xa5: {  	s25 =	simm.s32 $0x1B8E;
	[sflag:s24] =	ssyncadd.s32 $0xFFFFFFFF  }
0xa6: {  	s26 =	simm.s32 $execute0_lowered;
	[smem:$0x3FD2] =	sst s25  }
0xa7: {  	s5 =	sshll.u32 s26, $0x1;
	_ =	strace $0x80000046;
	[dreg:$0x1] =	wrdreg $0xFFFFFFFF  }
0xa8: {  	s28 =	simm.s32 $_size_execute0_lowered;
	s4 =	sadd.s32 s4, s5;
	[dreg:$0x0] =	wrdreg $0x0  }
0xa9: {  	s5 =	sshll.u32 s28, $0x1;
	[dreg:$0x2] =	wrdreg s4  }
0xaa: {  	[dreg:$0x3] =	wrdreg s5  }
0xab: {  	[dreg:$0x4] =	wrdreg $0xC0  }
0xac: {  	_ =	task [dreg:s8], $0x5FFFF  }
0xad: {  	[dreg:$0x1] =	wrdreg $0xFFFFFFFF  }
0xae: {  	[dreg:$0x0] =	wrdreg $0x60  }
0xaf: {  	[dreg:$0x2] =	wrdreg s2  }
0xb0: {  	[dreg:$0x3] =	wrdreg s19  }
0xb1: {  	[dreg:$0x4] =	wrdreg $0x9  }
0xb2: {  	_ =	task.clear_ibuf [dreg:s8], $0x5FFFF;
	_ =	strace $0x90000046  }
0xb3: {  	s29 =	simm.s32 $0x9;
	_ =	strace $0x80000048  }
0xb4: {  	_ =	swait.ge [sflag:s29], $0x1  }
0xb5: {  	[sflag:s29] =	ssyncadd.s32 $0xFFFFFFFF  }
0xb6: {  	_ =	strace $0x90000048  }
0xb7: {  	_ =	sfence  }
0xb8: {  	s30 =	sld [smem:$0x0];
	_ =	sdelay $0x2  }
0xb9: {  	s31 =	sshll.u32 s1, $0xD;
	s1 =	sshrl.u32 s1, $0x2  }
0xba: {  	s3 =	sand.u32 $0x4000, s31;
	s1 =	sadd.s32 s1, s30  }
0xbb: {  	s0 =	sor.u32 s3, s0;
	s1 =	sshll.u32 s1, $0x11  }
0xbc: {  	s0 =	sor.u32 s1, s0  }
0xbd: {  	s0 =	sadd.s32 $0x8F2B, s0  }
0xbe: {  	[sflag:s0] =	ssyncadd.remote.s32 $0x1  }
0xbf: {  	_ =	sfence.sel $0xFFFF  }
0xc0: {  	[dreg:$0x0] =	wrdreg $0xFFFFFFFF;
	(pc) =	sbr.abs _section_cstart, $3  }
0xc1: {  	[dreg:$0x1] =	wrdreg $0xFFFFFFFF  }
0xc2: {  	_ =	task.clear_ibuf [dreg:s8], $0x2FFFF;
	_ =	strace $0x9FFFFFFF  }
0xc3: {  	(tm) =	ssettm $0x7FFFFFFF  }
tec
execute0_lowered:
.L_overlay_start_1:
0x0: {  	(tag) =	ssettag $0x1  }
0x1: {  	s0 =	rddreg [dreg:$0x0]  }
0x2: {  	s1 =	rddreg [dreg:$0x1];
	s3 =	srdreg.scid;
	s2 =	simm.s32 $0x0  }
0x3: {  	s6 =	stileid.u32;
	s3 =	sand.u32 $0x1, s3;
	[smem:$0x7FF] =	sst s2  }
0x4: {  	s6 =	sshll.u32 s6, $0x10;
	s4 =	ssub.s32 $0x2, s3;
	s3 =	sshll.u32 s3, $0xF  }
0x5: {  	_ =	strace $0x80000047;
	s5 =	sshrl.u32 s4, $0x1;
	s3 =	sor.u32 s3, s6  }
0x6: {  	s5 =	ssub.s32 s4, s5;
	s7 =	sadd.s32 s0, s3;
	s6 =	sor.u32 $0x1000, s3  }
0x7: {  	s4 =	sadd.s32 s1, s3;
	[dreg:$0x3] =	wrdreg s7;
	s7 =	sadd.s32 s0, s6  }
0x8: {  	s9 =	sor.u32 $0x2000, s3;
	s8 =	sadd.s32 $0x100000, s4;
	[dreg:$0x4] =	wrdreg s7  }
0x9: {  	s13 =	sor.u32 $0x3000, s3;
	s10 =	sadd.s32 $0x300000, s4;
	[dreg:$0x5] =	wrdreg s8  }
0xa: {  	s16 =	sor.u32 $0x4000, s3;
	s11 =	sadd.s32 s0, s9;
	[dreg:$0x7] =	wrdreg s10  }
0xb: {  	s18 =	sor.u32 $0x5000, s3;
	s6 =	sadd.s32 s1, s6;
	[dreg:$0x8] =	wrdreg s11  }
0xc: {  	s20 =	sor.u32 $0x6000, s3;
	s12 =	sadd.s32 $0x101000, s4;
	[dreg:$0x9] =	wrdreg s6  }
0xd: {  	s3 =	sor.u32 $0x7000, s3;
	s14 =	sadd.s32 $0x201000, s4;
	[dreg:$0xa] =	wrdreg s12  }
0xe: {  	s15 =	sadd.s32 s0, s13;
	s17 =	sadd.s32 s0, s16;
	[dreg:$0xb] =	wrdreg s14  }
0xf: {  	s19 =	sadd.s32 s0, s18;
	s21 =	sadd.s32 s0, s20;
	[dreg:$0xc] =	wrdreg s15  }
0x10: {  	s0 =	sadd.s32 s0, s3;
	s22 =	sadd.s32 s1, s20;
	[dreg:$0xe] =	wrdreg s17  }
0x11: {  	s23 =	sadd.s32 s1, s3;
	s24 =	sadd.s32 $0x301000, s4;
	[dreg:$0x10] =	wrdreg s19  }
0x12: {  	s25 =	smax.u32 s5, $0x1;
	s26 =	sadd.s32 $0x102000, s4;
	[dreg:$0x12] =	wrdreg s21  }
0x13: {  	s28 =	sadd.s32 $0x202000, s4;
	s29 =	sadd.s32 $0x302000, s4;
	[dreg:$0x14] =	wrdreg s0  }
0x14: {  	s30 =	sadd.s32 $0x103000, s4;
	s31 =	sadd.s32 $0x203000, s4;
	[dreg:$0x15] =	wrdreg s22  }
0x15: {  	s3 =	sadd.s32 $0x204000, s4;
	s5 =	sadd.s32 $0x304000, s4;
	[dreg:$0x16] =	wrdreg s23  }
0x16: {  	s20 =	simm.s32 $0x0;
	s8 =	sadd.s32 $0x200000, s4;
	[dreg:$0x17] =	wrdreg s24  }
0x17: {  	s7 =	sadd.s32 s1, s9;
	s6 =	sadd.s32 s1, s13;
	[dreg:$0x18] =	wrdreg s25  }
0x18: {  	[dreg:$0x19] =	wrdreg s26;
	s0 =	sadd.s32 $0x303000, s4;
	s9 =	sadd.s32 $0x106000, s4  }
0x19: {  	s10 =	sadd.s32 $0x206000, s4;
	s11 =	sadd.s32 $0x306000, s4;
	s12 =	sadd.s32 $0x107000, s4  }
0x1a: {  	s13 =	sadd.s32 $0x207000, s4;
	s14 =	sadd.s32 $0x307000, s4;
	[dreg:$0x6] =	wrdreg s8  }
0x1b: {  	s15 =	simm.s32 $0x1;
	s17 =	simm.s32 $0x2;
	[dreg:$0xd] =	wrdreg s7  }
0x1c: {  	s19 =	simm.s32 $0x4;
	[dreg:$0xf] =	wrdreg s6;
	s8 =	sadd.s32 s1, s16  }
0x1d: {  	s7 =	sadd.s32 s1, s18;
	s1 =	sadd.s32 $0x104000, s4;
	s6 =	sadd.s32 $0x105000, s4  }
0x1e: {  	s16 =	simm.s32 $0x8000;
	s18 =	simm.s32 $0x3;
	[dreg:$0x11] =	wrdreg s8  }
0x1f: {  	[dreg:$0x13] =	wrdreg s7;
	s7 =	sadd.s32 $0x205000, s4;
	s8 =	sadd.s32 $0x305000, s4  }
.LBB2_1:
0x20: {  	s21 =	rddreg [dreg:$0x3]  }
0x21: {  	[tilespmem:s2], [sflag:$0x1] =	stream.linear.gather [hbm4b:s21+s2], $0x8000, $0x38;
	[tilespmem:$0x10000] =	vst v63  }
0x22: {  	_ =	swait.ge [sflag:s15], $0x8000  }
0x23: {  	s22 =	simm.s32 $0x0;
	s23 =	simm.s32 $0x0;
	[sflag:s15] =	ssyncset.done $0x0  }
0x24: {  	s21 =	simm.s32 $0x0;
	s26 =	rddreg [dreg:$0x4];
	[sflag:s15] =	ssyncadd.s32 $0xFFFF8000  }
0x25: {  	[tilespmem:s16], [sflag:$0x2] =	stream.linear.gather [hbm4b:s26+s2], $0x8000, $0x38;
	[tilespmem:$0x10000] =	vst v63  }
.LBB2_2:
0x26: {  	s24 =	sshll.u32 s22, $0x2;
	s25 =	sand.u32 $0x7, s21  }
0x27: {  	s24 =	sand.u32 $0xFFFF8000, s24;
	s25 =	sshll.u32 s25, $0x9  }
0x28: {  	s24 =	sor.u32 s25, s24  }
0x29: {  	s24 =	sshrl.u32 s24, $0x2  }
0x2a: {  	s24 =	sor.u32 $0x40, s24  }
0x2b: {  	v1 =	vld [tilespmem:s24+$0xFFFFFFC0];
	_ =	sdelay $0x1  }
0x2c: {  	v4 =	vld [tilespmem:s24+$0xFFFFFFD0]  }
0x2d: {  	v6 =	vld [tilespmem:s24+$0xFFFFFFE0]  }
0x2e: {  	v2 =	vld [tilespmem:s24+$0x0]  }
0x2f: {  	v0 =	vld [tilespmem:s24+$0x10];
	v5 =	vmul.f32 $3.125000000e-02, v1  }
0x30: {  	v3 =	vld [tilespmem:s24+$0x20]  }
0x31: {  	v1 =	vld [tilespmem:s24+$0x30];
	[tilespmem:s24+$0xFFFFFFC0] =	vst v5;
	v5 =	vmul.f32 $3.125000000e-02, v4  }
0x32: {  	s25 =	simm.s32 $0x0;
	s26 =	sadd.s32 $0x400, s24;
	v6 =	vmul.f32 $3.125000000e-02, v6;
	v4 =	vld [tilespmem:s24+$0xFFFFFFF0]  }
.LBB2_3:
0x33: {  	v7 =	vld [tilespmem:s26+$0xFFFFFFC0];
	[tilespmem:s24+$0xFFFFFFD0] =	vst v5;
	v2 =	vmul.f32 $3.125000000e-02, v2  }
0x34: {  	s25 =	sadd.s32 $0x8, s25;
	v5 =	vld [tilespmem:s26+$0xFFFFFFD0];
	[tilespmem:s24+$0xFFFFFFE0] =	vst v6;
	v0 =	vmul.f32 $3.125000000e-02, v0  }
0x35: {  	p0 =	slt.u32 s25, $0x38;
	v6 =	vld [tilespmem:s26+$0xFFFFFFE0];
	[tilespmem:s24+$0x0] =	vst v2;
	v3 =	vmul.f32 $3.125000000e-02, v3  }
.Ltmp0:
0x36: {  	v2 =	vld [tilespmem:s26+$0x0];
	[tilespmem:s24+$0x10] =	vst v0;
	v1 =	vmul.f32 $3.125000000e-02, v1;
	(pc) =	sbr.rel @p0 .LBB2_3-.Ltmp0, $4  }
0x37: {  	v0 =	vld [tilespmem:s26+$0x10];
	v4 =	vmul.f32 $3.125000000e-02, v4;
	[tilespmem:s24+$0x20] =	vst v3  }
0x38: {  	v7 =	vmul.f32 $3.125000000e-02, v7;
	v3 =	vld [tilespmem:s26+$0x20];
	[tilespmem:s24+$0x30] =	vst v1  }
0x39: {  	v5 =	vmul.f32 $3.125000000e-02, v5;
	v1 =	vld [tilespmem:s26+$0x30];
	[tilespmem:s24+$0xFFFFFFF0] =	vst v4;
	s24 =	smov.u32 s26  }
0x3a: {  	s26 =	sadd.s32 $0x400, s26;
	[tilespmem:s24+$0xFFFFFFC0] =	vst v7;
	v6 =	vmul.f32 $3.125000000e-02, v6;
	v4 =	vld [tilespmem:s24+$0xFFFFFFF0]  }
0x3b: {  	[tilespmem:s24+$0xFFFFFFD0] =	vst v5;
	v2 =	vmul.f32 $3.125000000e-02, v2;
	s23 =	sadd.s32 $0x1, s23  }
0x3c: {  	[tilespmem:s24+$0xFFFFFFE0] =	vst v6;
	v0 =	vmul.f32 $3.125000000e-02, v0;
	p0 =	sne.s32 s23, $0x20  }
.Ltmp1:
0x3d: {  	[tilespmem:s24+$0x0] =	vst v2;
	v61 =	vmul.f32 $3.125000000e-02, v3;
	(pc) =	sbr.rel @p0 .LBB2_2-.Ltmp1, $4  }
0x3e: {  	[tilespmem:s24+$0x10] =	vst v0;
	v62 =	vmul.f32 $3.125000000e-02, v1  }
0x3f: {  	v63 =	vmul.f32 $3.125000000e-02, v4;
	[tilespmem:s24+$0x20] =	vst v61  }
0x40: {  	[tilespmem:s24+$0x30] =	vst v62  }
0x41: {  	s22 =	sadd.s32 $0x400, s22;
	s21 =	sadd.s32 $0x1, s21;
	[tilespmem:s24+$0xFFFFFFF0] =	vst v63  }
0x42: {  	s21 =	simm.s32 $0x0  }
0x43: {  	[hbm4b:s4+s21] =	stream.linear.scatter [tilespmem:s21], [sflag:$0x3], $0x8000, $0x38;
	[tilespmem:$0x10000] =	vst v63  }
0x44: {  	s22 =	rddreg [dreg:$0x5]  }
0x45: {  	[hbm4b:s22+s21] =	stream.linear.scatter [tilespmem:s21], [sflag:$0x3], $0x8000, $0x38;
	[tilespmem:$0x10000] =	vst v63  }
0x46: {  	s24 =	rddreg [dreg:$0x6]  }
0x47: {  	[hbm4b:s24+s21] =	stream.linear.scatter [tilespmem:s21], [sflag:$0x3], $0x8000, $0x38;
	[tilespmem:$0x10000] =	vst v63  }
0x48: {  	s25 =	rddreg [dreg:$0x7]  }
0x49: {  	[hbm4b:s25+s21] =	stream.linear.scatter [tilespmem:s21], [sflag:$0x3], $0x8000, $0x38;
	[tilespmem:$0x10000] =	vst v63  }
0x4a: {  	_ =	swait.ge [sflag:s17], $0x8000  }
0x4b: {  	[sflag:s17] =	ssyncset.done $0x0  }
0x4c: {  	[sflag:s17] =	ssyncadd.s32 $0xFFFF8000  }
0x4d: {  	_ =	swait.ge [sflag:s18], $0x8000  }
0x4e: {  	[sflag:s18] =	ssyncset.done $0x0  }
0x4f: {  	[sflag:s18] =	ssyncadd.s32 $0xFFFF8000  }
0x50: {  	_ =	swait.ge [sflag:s18], $0x8000  }
0x51: {  	[sflag:s18] =	ssyncset.done $0x0  }
0x52: {  	[sflag:s18] =	ssyncadd.s32 $0xFFFF8000  }
0x53: {  	_ =	swait.ge [sflag:s18], $0x8000  }
0x54: {  	[sflag:s18] =	ssyncset.done $0x0  }
0x55: {  	[sflag:s18] =	ssyncadd.s32 $0xFFFF8000  }
0x56: {  	_ =	swait.ge [sflag:s18], $0x8000  }
0x57: {  	s23 =	simm.s32 $0x0;
	[sflag:s18] =	ssyncset.done $0x0  }
0x58: {  	s22 =	simm.s32 $0x0;
	s26 =	rddreg [dreg:$0x8];
	[sflag:s18] =	ssyncadd.s32 $0xFFFF8000  }
0x59: {  	[tilespmem:s21], [sflag:$0x1] =	stream.linear.gather [hbm4b:s26+s21], $0x8000, $0x38;
	[tilespmem:$0x10000] =	vst v63  }
.LBB2_6:
0x5a: {  	s24 =	sshll.u32 s22, $0x2;
	s25 =	sand.u32 $0x7, s21  }
0x5b: {  	s24 =	sand.u32 $0xFFFF8000, s24;
	s25 =	sshll.u32 s25, $0x9  }
0x5c: {  	s24 =	sor.u32 s25, s24  }
0x5d: {  	s24 =	sshrl.u32 s24, $0x2  }
0x5e: {  	s24 =	sadd.s32 $0x8040, s24  }
0x5f: {  	v1 =	vld [tilespmem:s24+$0xFFFFFFC0];
	_ =	sdelay $0x1  }
0x60: {  	v4 =	vld [tilespmem:s24+$0xFFFFFFD0]  }
0x61: {  	v6 =	vld [tilespmem:s24+$0xFFFFFFE0]  }
0x62: {  	v2 =	vld [tilespmem:s24+$0x0]  }
0x63: {  	v0 =	vld [tilespmem:s24+$0x10];
	v5 =	vmul.f32 $3.125000000e-02, v1  }
0x64: {  	v3 =	vld [tilespmem:s24+$0x20]  }
0x65: {  	v1 =	vld [tilespmem:s24+$0x30];
	[tilespmem:s24+$0xFFFFFFC0] =	vst v5;
	v5 =	vmul.f32 $3.125000000e-02, v4  }
0x66: {  	s25 =	simm.s32 $0x0;
	s26 =	sadd.s32 $0x400, s24;
	v6 =	vmul.f32 $3.125000000e-02, v6;
	v4 =	vld [tilespmem:s24+$0xFFFFFFF0]  }
.LBB2_7:
0x67: {  	v7 =	vld [tilespmem:s26+$0xFFFFFFC0];
	[tilespmem:s24+$0xFFFFFFD0] =	vst v5;
	v2 =	vmul.f32 $3.125000000e-02, v2  }
0x68: {  	s25 =	sadd.s32 $0x8, s25;
	v5 =	vld [tilespmem:s26+$0xFFFFFFD0];
	[tilespmem:s24+$0xFFFFFFE0] =	vst v6;
	v0 =	vmul.f32 $3.125000000e-02, v0  }
0x69: {  	p0 =	slt.u32 s25, $0x38;
	v6 =	vld [tilespmem:s26+$0xFFFFFFE0];
	[tilespmem:s24+$0x0] =	vst v2;
	v3 =	vmul.f32 $3.125000000e-02, v3  }
.Ltmp2:
0x6a: {  	v2 =	vld [tilespmem:s26+$0x0];
	[tilespmem:s24+$0x10] =	vst v0;
	v1 =	vmul.f32 $3.125000000e-02, v1;
	(pc) =	sbr.rel @p0 .LBB2_7-.Ltmp2, $4  }
0x6b: {  	v0 =	vld [tilespmem:s26+$0x10];
	v4 =	vmul.f32 $3.125000000e-02, v4;
	[tilespmem:s24+$0x20] =	vst v3  }
0x6c: {  	v7 =	vmul.f32 $3.125000000e-02, v7;
	v3 =	vld [tilespmem:s26+$0x20];
	[tilespmem:s24+$0x30] =	vst v1  }
0x6d: {  	v5 =	vmul.f32 $3.125000000e-02, v5;
	v1 =	vld [tilespmem:s26+$0x30];
	[tilespmem:s24+$0xFFFFFFF0] =	vst v4;
	s24 =	smov.u32 s26  }
0x6e: {  	s26 =	sadd.s32 $0x400, s26;
	[tilespmem:s24+$0xFFFFFFC0] =	vst v7;
	v6 =	vmul.f32 $3.125000000e-02, v6;
	v4 =	vld [tilespmem:s24+$0xFFFFFFF0]  }
0x6f: {  	[tilespmem:s24+$0xFFFFFFD0] =	vst v5;
	v2 =	vmul.f32 $3.125000000e-02, v2;
	s23 =	sadd.s32 $0x1, s23  }
0x70: {  	[tilespmem:s24+$0xFFFFFFE0] =	vst v6;
	v0 =	vmul.f32 $3.125000000e-02, v0;
	p0 =	sne.s32 s23, $0x20  }
.Ltmp3:
0x71: {  	[tilespmem:s24+$0x0] =	vst v2;
	v61 =	vmul.f32 $3.125000000e-02, v3;
	(pc) =	sbr.rel @p0 .LBB2_6-.Ltmp3, $4  }
0x72: {  	[tilespmem:s24+$0x10] =	vst v0;
	v62 =	vmul.f32 $3.125000000e-02, v1  }
0x73: {  	v63 =	vmul.f32 $3.125000000e-02, v4;
	[tilespmem:s24+$0x20] =	vst v61  }
0x74: {  	[tilespmem:s24+$0x30] =	vst v62  }
0x75: {  	s22 =	sadd.s32 $0x400, s22;
	s21 =	sadd.s32 $0x1, s21;
	[tilespmem:s24+$0xFFFFFFF0] =	vst v63  }
0x76: {  	s21 =	simm.s32 $0x0;
	s22 =	rddreg [dreg:$0x9]  }
0x77: {  	[hbm4b:s22+s21] =	stream.linear.scatter [tilespmem:s16], [sflag:$0x4], $0x8000, $0x38;
	[tilespmem:$0x10000] =	vst v63  }
0x78: {  	s23 =	rddreg [dreg:$0xa]  }
0x79: {  	[hbm4b:s23+s21] =	stream.linear.scatter [tilespmem:s16], [sflag:$0x4], $0x8000, $0x38;
	[tilespmem:$0x10000] =	vst v63  }
0x7a: {  	s24 =	rddreg [dreg:$0xb]  }
0x7b: {  	[hbm4b:s24+s21] =	stream.linear.scatter [tilespmem:s16], [sflag:$0x4], $0x8000, $0x38;
	[tilespmem:$0x10000] =	vst v63  }
0x7c: {  	s25 =	rddreg [dreg:$0x17]  }
0x7d: {  	[hbm4b:s25+s21] =	stream.linear.scatter [tilespmem:s16], [sflag:$0x4], $0x8000, $0x38;
	[tilespmem:$0x10000] =	vst v63  }
0x7e: {  	_ =	swait.ge [sflag:s15], $0x8000  }
0x7f: {  	[sflag:s15] =	ssyncset.done $0x0  }
0x80: {  	[sflag:s15] =	ssyncadd.s32 $0xFFFF8000  }
0x81: {  	_ =	swait.ge [sflag:s19], $0x8000  }
0x82: {  	[sflag:s19] =	ssyncset.done $0x0  }
0x83: {  	[sflag:s19] =	ssyncadd.s32 $0xFFFF8000  }
0x84: {  	_ =	swait.ge [sflag:s19], $0x8000  }
0x85: {  	[sflag:s19] =	ssyncset.done $0x0  }
0x86: {  	[sflag:s19] =	ssyncadd.s32 $0xFFFF8000  }
0x87: {  	_ =	swait.ge [sflag:s19], $0x8000  }
0x88: {  	[sflag:s19] =	ssyncset.done $0x0  }
0x89: {  	[sflag:s19] =	ssyncadd.s32 $0xFFFF8000  }
0x8a: {  	_ =	swait.ge [sflag:s19], $0x8000  }
0x8b: {  	s22 =	simm.s32 $0x0;
	[sflag:s19] =	ssyncset.done $0x0  }
0x8c: {  	s23 =	simm.s32 $0x0;
	s26 =	rddreg [dreg:$0xc];
	[sflag:s19] =	ssyncadd.s32 $0xFFFF8000  }
0x8d: {  	[tilespmem:s16], [sflag:$0x2] =	stream.linear.gather [hbm4b:s26+s21], $0x8000, $0x38;
	[tilespmem:$0x10000] =	vst v63  }
.LBB2_10:
0x8e: {  	s24 =	sshll.u32 s22, $0x2;
	s25 =	sand.u32 $0x7, s21  }
0x8f: {  	s24 =	sand.u32 $0xFFFF8000, s24;
	s25 =	sshll.u32 s25, $0x9  }
0x90: {  	s24 =	sor.u32 s25, s24  }
0x91: {  	s24 =	sshrl.u32 s24, $0x2  }
0x92: {  	s24 =	sor.u32 $0x40, s24  }
0x93: {  	v1 =	vld [tilespmem:s24+$0xFFFFFFC0];
	_ =	sdelay $0x1  }
0x94: {  	v4 =	vld [tilespmem:s24+$0xFFFFFFD0]  }
0x95: {  	v6 =	vld [tilespmem:s24+$0xFFFFFFE0]  }
0x96: {  	v2 =	vld [tilespmem:s24+$0x0]  }
0x97: {  	v0 =	vld [tilespmem:s24+$0x10];
	v5 =	vmul.f32 $3.125000000e-02, v1  }
0x98: {  	v3 =	vld [tilespmem:s24+$0x20]  }
0x99: {  	v1 =	vld [tilespmem:s24+$0x30];
	[tilespmem:s24+$0xFFFFFFC0] =	vst v5;
	v5 =	vmul.f32 $3.125000000e-02, v4  }
0x9a: {  	s25 =	simm.s32 $0x0;
	s26 =	sadd.s32 $0x400, s24;
	v6 =	vmul.f32 $3.125000000e-02, v6;
	v4 =	vld [tilespmem:s24+$0xFFFFFFF0]  }
.LBB2_11:
0x9b: {  	v7 =	vld [tilespmem:s26+$0xFFFFFFC0];
	[tilespmem:s24+$0xFFFFFFD0] =	vst v5;
	v2 =	vmul.f32 $3.125000000e-02, v2  }
0x9c: {  	s25 =	sadd.s32 $0x8, s25;
	v5 =	vld [tilespmem:s26+$0xFFFFFFD0];
	[tilespmem:s24+$0xFFFFFFE0] =	vst v6;
	v0 =	vmul.f32 $3.125000000e-02, v0  }
0x9d: {  	p0 =	slt.u32 s25, $0x38;
	v6 =	vld [tilespmem:s26+$0xFFFFFFE0];
	[tilespmem:s24+$0x0] =	vst v2;
	v3 =	vmul.f32 $3.125000000e-02, v3  }
.Ltmp4:
0x9e: {  	v2 =	vld [tilespmem:s26+$0x0];
	[tilespmem:s24+$0x10] =	vst v0;
	v1 =	vmul.f32 $3.125000000e-02, v1;
	(pc) =	sbr.rel @p0 .LBB2_11-.Ltmp4, $4  }
0x9f: {  	v0 =	vld [tilespmem:s26+$0x10];
	v4 =	vmul.f32 $3.125000000e-02, v4;
	[tilespmem:s24+$0x20] =	vst v3  }
0xa0: {  	v7 =	vmul.f32 $3.125000000e-02, v7;
	v3 =	vld [tilespmem:s26+$0x20];
	[tilespmem:s24+$0x30] =	vst v1  }
0xa1: {  	v5 =	vmul.f32 $3.125000000e-02, v5;
	v1 =	vld [tilespmem:s26+$0x30];
	[tilespmem:s24+$0xFFFFFFF0] =	vst v4;
	s24 =	smov.u32 s26  }
0xa2: {  	s26 =	sadd.s32 $0x400, s26;
	[tilespmem:s24+$0xFFFFFFC0] =	vst v7;
	v6 =	vmul.f32 $3.125000000e-02, v6;
	v4 =	vld [tilespmem:s24+$0xFFFFFFF0]  }
0xa3: {  	[tilespmem:s24+$0xFFFFFFD0] =	vst v5;
	v2 =	vmul.f32 $3.125000000e-02, v2;
	s23 =	sadd.s32 $0x1, s23  }
0xa4: {  	[tilespmem:s24+$0xFFFFFFE0] =	vst v6;
	v0 =	vmul.f32 $3.125000000e-02, v0;
	p0 =	sne.s32 s23, $0x20  }
.Ltmp5:
0xa5: {  	[tilespmem:s24+$0x0] =	vst v2;
	v61 =	vmul.f32 $3.125000000e-02, v3;
	(pc) =	sbr.rel @p0 .LBB2_10-.Ltmp5, $4  }
0xa6: {  	[tilespmem:s24+$0x10] =	vst v0;
	v62 =	vmul.f32 $3.125000000e-02, v1  }
0xa7: {  	v63 =	vmul.f32 $3.125000000e-02, v4;
	[tilespmem:s24+$0x20] =	vst v61  }
0xa8: {  	[tilespmem:s24+$0x30] =	vst v62  }
0xa9: {  	s22 =	sadd.s32 $0x400, s22;
	s21 =	sadd.s32 $0x1, s21;
	[tilespmem:s24+$0xFFFFFFF0] =	vst v63  }
0xaa: {  	s21 =	simm.s32 $0x0;
	s22 =	rddreg [dreg:$0xd]  }
0xab: {  	[hbm4b:s22+s21] =	stream.linear.scatter [tilespmem:s21], [sflag:$0x3], $0x8000, $0x38;
	[tilespmem:$0x10000] =	vst v63  }
0xac: {  	s25 =	rddreg [dreg:$0x19]  }
0xad: {  	[hbm4b:s25+s21] =	stream.linear.scatter [tilespmem:s21], [sflag:$0x3], $0x8000, $0x38;
	[tilespmem:$0x10000] =	vst v63  }
0xae: {  	_ = 	snop  }
0xaf: {  	[hbm4b:s28+s21] =	stream.linear.scatter [tilespmem:s21], [sflag:$0x3], $0x8000, $0x38;
	[tilespmem:$0x10000] =	vst v63  }
0xb0: {  	_ = 	snop  }
0xb1: {  	[hbm4b:s29+s21] =	stream.linear.scatter [tilespmem:s21], [sflag:$0x3], $0x8000, $0x38;
	[tilespmem:$0x10000] =	vst v63  }
0xb2: {  	_ =	swait.ge [sflag:s17], $0x8000  }
0xb3: {  	[sflag:s17] =	ssyncset.done $0x0  }
0xb4: {  	[sflag:s17] =	ssyncadd.s32 $0xFFFF8000  }
0xb5: {  	_ =	swait.ge [sflag:s18], $0x8000  }
0xb6: {  	[sflag:s18] =	ssyncset.done $0x0  }
0xb7: {  	[sflag:s18] =	ssyncadd.s32 $0xFFFF8000  }
0xb8: {  	_ =	swait.ge [sflag:s18], $0x8000  }
0xb9: {  	[sflag:s18] =	ssyncset.done $0x0  }
0xba: {  	[sflag:s18] =	ssyncadd.s32 $0xFFFF8000  }
0xbb: {  	_ =	swait.ge [sflag:s18], $0x8000  }
0xbc: {  	[sflag:s18] =	ssyncset.done $0x0  }
0xbd: {  	[sflag:s18] =	ssyncadd.s32 $0xFFFF8000  }
0xbe: {  	_ =	swait.ge [sflag:s18], $0x8000  }
0xbf: {  	s23 =	simm.s32 $0x0;
	[sflag:s18] =	ssyncset.done $0x0  }
0xc0: {  	s22 =	simm.s32 $0x0;
	s26 =	rddreg [dreg:$0xe];
	[sflag:s18] =	ssyncadd.s32 $0xFFFF8000  }
0xc1: {  	[tilespmem:s21], [sflag:$0x1] =	stream.linear.gather [hbm4b:s26+s21], $0x8000, $0x38;
	[tilespmem:$0x10000] =	vst v63  }
.LBB2_14:
0xc2: {  	s24 =	sshll.u32 s22, $0x2;
	s25 =	sand.u32 $0x7, s21  }
0xc3: {  	s24 =	sand.u32 $0xFFFF8000, s24;
	s25 =	sshll.u32 s25, $0x9  }
0xc4: {  	s24 =	sor.u32 s25, s24  }
0xc5: {  	s24 =	sshrl.u32 s24, $0x2  }
0xc6: {  	s24 =	sadd.s32 $0x8040, s24  }
0xc7: {  	v1 =	vld [tilespmem:s24+$0xFFFFFFC0];
	_ =	sdelay $0x1  }
0xc8: {  	v4 =	vld [tilespmem:s24+$0xFFFFFFD0]  }
0xc9: {  	v6 =	vld [tilespmem:s24+$0xFFFFFFE0]  }
0xca: {  	v2 =	vld [tilespmem:s24+$0x0]  }
0xcb: {  	v0 =	vld [tilespmem:s24+$0x10];
	v5 =	vmul.f32 $3.125000000e-02, v1  }
0xcc: {  	v3 =	vld [tilespmem:s24+$0x20]  }
0xcd: {  	v1 =	vld [tilespmem:s24+$0x30];
	[tilespmem:s24+$0xFFFFFFC0] =	vst v5;
	v5 =	vmul.f32 $3.125000000e-02, v4  }
0xce: {  	s25 =	simm.s32 $0x0;
	s26 =	sadd.s32 $0x400, s24;
	v6 =	vmul.f32 $3.125000000e-02, v6;
	v4 =	vld [tilespmem:s24+$0xFFFFFFF0]  }
.LBB2_15:
0xcf: {  	v7 =	vld [tilespmem:s26+$0xFFFFFFC0];
	[tilespmem:s24+$0xFFFFFFD0] =	vst v5;
	v2 =	vmul.f32 $3.125000000e-02, v2  }
0xd0: {  	s25 =	sadd.s32 $0x8, s25;
	v5 =	vld [tilespmem:s26+$0xFFFFFFD0];
	[tilespmem:s24+$0xFFFFFFE0] =	vst v6;
	v0 =	vmul.f32 $3.125000000e-02, v0  }
0xd1: {  	p0 =	slt.u32 s25, $0x38;
	v6 =	vld [tilespmem:s26+$0xFFFFFFE0];
	[tilespmem:s24+$0x0] =	vst v2;
	v3 =	vmul.f32 $3.125000000e-02, v3  }
.Ltmp6:
0xd2: {  	v2 =	vld [tilespmem:s26+$0x0];
	[tilespmem:s24+$0x10] =	vst v0;
	v1 =	vmul.f32 $3.125000000e-02, v1;
	(pc) =	sbr.rel @p0 .LBB2_15-.Ltmp6, $4  }
0xd3: {  	v0 =	vld [tilespmem:s26+$0x10];
	v4 =	vmul.f32 $3.125000000e-02, v4;
	[tilespmem:s24+$0x20] =	vst v3  }
0xd4: {  	v7 =	vmul.f32 $3.125000000e-02, v7;
	v3 =	vld [tilespmem:s26+$0x20];
	[tilespmem:s24+$0x30] =	vst v1  }
0xd5: {  	v5 =	vmul.f32 $3.125000000e-02, v5;
	v1 =	vld [tilespmem:s26+$0x30];
	[tilespmem:s24+$0xFFFFFFF0] =	vst v4;
	s24 =	smov.u32 s26  }
0xd6: {  	s26 =	sadd.s32 $0x400, s26;
	[tilespmem:s24+$0xFFFFFFC0] =	vst v7;
	v6 =	vmul.f32 $3.125000000e-02, v6;
	v4 =	vld [tilespmem:s24+$0xFFFFFFF0]  }
0xd7: {  	[tilespmem:s24+$0xFFFFFFD0] =	vst v5;
	v2 =	vmul.f32 $3.125000000e-02, v2;
	s23 =	sadd.s32 $0x1, s23  }
0xd8: {  	[tilespmem:s24+$0xFFFFFFE0] =	vst v6;
	v0 =	vmul.f32 $3.125000000e-02, v0;
	p0 =	sne.s32 s23, $0x20  }
.Ltmp7:
0xd9: {  	[tilespmem:s24+$0x0] =	vst v2;
	v61 =	vmul.f32 $3.125000000e-02, v3;
	(pc) =	sbr.rel @p0 .LBB2_14-.Ltmp7, $4  }
0xda: {  	[tilespmem:s24+$0x10] =	vst v0;
	v62 =	vmul.f32 $3.125000000e-02, v1  }
0xdb: {  	v63 =	vmul.f32 $3.125000000e-02, v4;
	[tilespmem:s24+$0x20] =	vst v61  }
0xdc: {  	[tilespmem:s24+$0x30] =	vst v62  }
0xdd: {  	s22 =	sadd.s32 $0x400, s22;
	s21 =	sadd.s32 $0x1, s21;
	[tilespmem:s24+$0xFFFFFFF0] =	vst v63  }
0xde: {  	s21 =	simm.s32 $0x0;
	s22 =	rddreg [dreg:$0xf]  }
0xdf: {  	[hbm4b:s22+s21] =	stream.linear.scatter [tilespmem:s16], [sflag:$0x4], $0x8000, $0x38;
	[tilespmem:$0x10000] =	vst v63  }
0xe0: {  	_ = 	snop  }
0xe1: {  	[hbm4b:s30+s21] =	stream.linear.scatter [tilespmem:s16], [sflag:$0x4], $0x8000, $0x38;
	[tilespmem:$0x10000] =	vst v63  }
0xe2: {  	_ = 	snop  }
0xe3: {  	[hbm4b:s31+s21] =	stream.linear.scatter [tilespmem:s16], [sflag:$0x4], $0x8000, $0x38;
	[tilespmem:$0x10000] =	vst v63  }
0xe4: {  	_ = 	snop  }
0xe5: {  	[hbm4b:s0+s21] =	stream.linear.scatter [tilespmem:s16], [sflag:$0x4], $0x8000, $0x38;
	[tilespmem:$0x10000] =	vst v63  }
0xe6: {  	_ =	swait.ge [sflag:s15], $0x8000  }
0xe7: {  	[sflag:s15] =	ssyncset.done $0x0  }
0xe8: {  	[sflag:s15] =	ssyncadd.s32 $0xFFFF8000  }
0xe9: {  	_ =	swait.ge [sflag:s19], $0x8000  }
0xea: {  	[sflag:s19] =	ssyncset.done $0x0  }
0xeb: {  	[sflag:s19] =	ssyncadd.s32 $0xFFFF8000  }
0xec: {  	_ =	swait.ge [sflag:s19], $0x8000  }
0xed: {  	[sflag:s19] =	ssyncset.done $0x0  }
0xee: {  	[sflag:s19] =	ssyncadd.s32 $0xFFFF8000  }
0xef: {  	_ =	swait.ge [sflag:s19], $0x8000  }
0xf0: {  	[sflag:s19] =	ssyncset.done $0x0  }
0xf1: {  	[sflag:s19] =	ssyncadd.s32 $0xFFFF8000  }
0xf2: {  	_ =	swait.ge [sflag:s19], $0x8000  }
0xf3: {  	s23 =	simm.s32 $0x0;
	[sflag:s19] =	ssyncset.done $0x0  }
0xf4: {  	s22 =	simm.s32 $0x0;
	s26 =	rddreg [dreg:$0x10];
	[sflag:s19] =	ssyncadd.s32 $0xFFFF8000  }
0xf5: {  	[tilespmem:s16], [sflag:$0x2] =	stream.linear.gather [hbm4b:s26+s21], $0x8000, $0x38;
	[tilespmem:$0x10000] =	vst v63  }
.LBB2_18:
0xf6: {  	s24 =	sshll.u32 s22, $0x2;
	s25 =	sand.u32 $0x7, s21  }
0xf7: {  	s24 =	sand.u32 $0xFFFF8000, s24;
	s25 =	sshll.u32 s25, $0x9  }
0xf8: {  	s24 =	sor.u32 s25, s24  }
0xf9: {  	s24 =	sshrl.u32 s24, $0x2  }
0xfa: {  	s24 =	sor.u32 $0x40, s24  }
0xfb: {  	v1 =	vld [tilespmem:s24+$0xFFFFFFC0];
	_ =	sdelay $0x1  }
0xfc: {  	v4 =	vld [tilespmem:s24+$0xFFFFFFD0]  }
0xfd: {  	v6 =	vld [tilespmem:s24+$0xFFFFFFE0]  }
0xfe: {  	v2 =	vld [tilespmem:s24+$0x0]  }
0xff: {  	v0 =	vld [tilespmem:s24+$0x10];
	v5 =	vmul.f32 $3.125000000e-02, v1  }
0x100: {  	v3 =	vld [tilespmem:s24+$0x20]  }
0x101: {  	v1 =	vld [tilespmem:s24+$0x30];
	[tilespmem:s24+$0xFFFFFFC0] =	vst v5;
	v5 =	vmul.f32 $3.125000000e-02, v4  }
0x102: {  	s25 =	simm.s32 $0x0;
	s26 =	sadd.s32 $0x400, s24;
	v6 =	vmul.f32 $3.125000000e-02, v6;
	v4 =	vld [tilespmem:s24+$0xFFFFFFF0]  }
.LBB2_19:
0x103: {  	v7 =	vld [tilespmem:s26+$0xFFFFFFC0];
	[tilespmem:s24+$0xFFFFFFD0] =	vst v5;
	v2 =	vmul.f32 $3.125000000e-02, v2  }
0x104: {  	s25 =	sadd.s32 $0x8, s25;
	v5 =	vld [tilespmem:s26+$0xFFFFFFD0];
	[tilespmem:s24+$0xFFFFFFE0] =	vst v6;
	v0 =	vmul.f32 $3.125000000e-02, v0  }
0x105: {  	p0 =	slt.u32 s25, $0x38;
	v6 =	vld [tilespmem:s26+$0xFFFFFFE0];
	[tilespmem:s24+$0x0] =	vst v2;
	v3 =	vmul.f32 $3.125000000e-02, v3  }
.Ltmp8:
0x106: {  	v2 =	vld [tilespmem:s26+$0x0];
	[tilespmem:s24+$0x10] =	vst v0;
	v1 =	vmul.f32 $3.125000000e-02, v1;
	(pc) =	sbr.rel @p0 .LBB2_19-.Ltmp8, $4  }
0x107: {  	v0 =	vld [tilespmem:s26+$0x10];
	v4 =	vmul.f32 $3.125000000e-02, v4;
	[tilespmem:s24+$0x20] =	vst v3  }
0x108: {  	v7 =	vmul.f32 $3.125000000e-02, v7;
	v3 =	vld [tilespmem:s26+$0x20];
	[tilespmem:s24+$0x30] =	vst v1  }
0x109: {  	v5 =	vmul.f32 $3.125000000e-02, v5;
	v1 =	vld [tilespmem:s26+$0x30];
	[tilespmem:s24+$0xFFFFFFF0] =	vst v4;
	s24 =	smov.u32 s26  }
0x10a: {  	s26 =	sadd.s32 $0x400, s26;
	[tilespmem:s24+$0xFFFFFFC0] =	vst v7;
	v6 =	vmul.f32 $3.125000000e-02, v6;
	v4 =	vld [tilespmem:s24+$0xFFFFFFF0]  }
0x10b: {  	[tilespmem:s24+$0xFFFFFFD0] =	vst v5;
	v2 =	vmul.f32 $3.125000000e-02, v2;
	s23 =	sadd.s32 $0x1, s23  }
0x10c: {  	[tilespmem:s24+$0xFFFFFFE0] =	vst v6;
	v0 =	vmul.f32 $3.125000000e-02, v0;
	p0 =	sne.s32 s23, $0x20  }
.Ltmp9:
0x10d: {  	[tilespmem:s24+$0x0] =	vst v2;
	v61 =	vmul.f32 $3.125000000e-02, v3;
	(pc) =	sbr.rel @p0 .LBB2_18-.Ltmp9, $4  }
0x10e: {  	[tilespmem:s24+$0x10] =	vst v0;
	v62 =	vmul.f32 $3.125000000e-02, v1  }
0x10f: {  	v63 =	vmul.f32 $3.125000000e-02, v4;
	[tilespmem:s24+$0x20] =	vst v61  }
0x110: {  	[tilespmem:s24+$0x30] =	vst v62  }
0x111: {  	s22 =	sadd.s32 $0x400, s22;
	s21 =	sadd.s32 $0x1, s21;
	[tilespmem:s24+$0xFFFFFFF0] =	vst v63  }
0x112: {  	s21 =	simm.s32 $0x0;
	s22 =	rddreg [dreg:$0x11]  }
0x113: {  	[hbm4b:s22+s21] =	stream.linear.scatter [tilespmem:s21], [sflag:$0x3], $0x8000, $0x38;
	[tilespmem:$0x10000] =	vst v63  }
0x114: {  	_ = 	snop  }
0x115: {  	[hbm4b:s1+s21] =	stream.linear.scatter [tilespmem:s21], [sflag:$0x3], $0x8000, $0x38;
	[tilespmem:$0x10000] =	vst v63  }
0x116: {  	_ = 	snop  }
0x117: {  	[hbm4b:s3+s21] =	stream.linear.scatter [tilespmem:s21], [sflag:$0x3], $0x8000, $0x38;
	[tilespmem:$0x10000] =	vst v63  }
0x118: {  	_ = 	snop  }
0x119: {  	[hbm4b:s5+s21] =	stream.linear.scatter [tilespmem:s21], [sflag:$0x3], $0x8000, $0x38;
	[tilespmem:$0x10000] =	vst v63  }
0x11a: {  	_ =	swait.ge [sflag:s17], $0x8000  }
0x11b: {  	[sflag:s17] =	ssyncset.done $0x0  }
0x11c: {  	[sflag:s17] =	ssyncadd.s32 $0xFFFF8000  }
0x11d: {  	_ =	swait.ge [sflag:s18], $0x8000  }
0x11e: {  	[sflag:s18] =	ssyncset.done $0x0  }
0x11f: {  	[sflag:s18] =	ssyncadd.s32 $0xFFFF8000  }
0x120: {  	_ =	swait.ge [sflag:s18], $0x8000  }
0x121: {  	[sflag:s18] =	ssyncset.done $0x0  }
0x122: {  	[sflag:s18] =	ssyncadd.s32 $0xFFFF8000  }
0x123: {  	_ =	swait.ge [sflag:s18], $0x8000  }
0x124: {  	[sflag:s18] =	ssyncset.done $0x0  }
0x125: {  	[sflag:s18] =	ssyncadd.s32 $0xFFFF8000  }
0x126: {  	_ =	swait.ge [sflag:s18], $0x8000  }
0x127: {  	s23 =	simm.s32 $0x0;
	[sflag:s18] =	ssyncset.done $0x0  }
0x128: {  	s22 =	simm.s32 $0x0;
	s26 =	rddreg [dreg:$0x12];
	[sflag:s18] =	ssyncadd.s32 $0xFFFF8000  }
0x129: {  	[tilespmem:s21], [sflag:$0x1] =	stream.linear.gather [hbm4b:s26+s21], $0x8000, $0x38;
	[tilespmem:$0x10000] =	vst v63  }
.LBB2_22:
0x12a: {  	s24 =	sshll.u32 s22, $0x2;
	s25 =	sand.u32 $0x7, s21  }
0x12b: {  	s24 =	sand.u32 $0xFFFF8000, s24;
	s25 =	sshll.u32 s25, $0x9  }
0x12c: {  	s24 =	sor.u32 s25, s24  }
0x12d: {  	s24 =	sshrl.u32 s24, $0x2  }
0x12e: {  	s24 =	sadd.s32 $0x8040, s24  }
0x12f: {  	v1 =	vld [tilespmem:s24+$0xFFFFFFC0];
	_ =	sdelay $0x1  }
0x130: {  	v4 =	vld [tilespmem:s24+$0xFFFFFFD0]  }
0x131: {  	v6 =	vld [tilespmem:s24+$0xFFFFFFE0]  }
0x132: {  	v2 =	vld [tilespmem:s24+$0x0]  }
0x133: {  	v0 =	vld [tilespmem:s24+$0x10];
	v5 =	vmul.f32 $3.125000000e-02, v1  }
0x134: {  	v3 =	vld [tilespmem:s24+$0x20]  }
0x135: {  	v1 =	vld [tilespmem:s24+$0x30];
	[tilespmem:s24+$0xFFFFFFC0] =	vst v5;
	v5 =	vmul.f32 $3.125000000e-02, v4  }
0x136: {  	s25 =	simm.s32 $0x0;
	s26 =	sadd.s32 $0x400, s24;
	v6 =	vmul.f32 $3.125000000e-02, v6;
	v4 =	vld [tilespmem:s24+$0xFFFFFFF0]  }
.LBB2_23:
0x137: {  	v7 =	vld [tilespmem:s26+$0xFFFFFFC0];
	[tilespmem:s24+$0xFFFFFFD0] =	vst v5;
	v2 =	vmul.f32 $3.125000000e-02, v2  }
0x138: {  	s25 =	sadd.s32 $0x8, s25;
	v5 =	vld [tilespmem:s26+$0xFFFFFFD0];
	[tilespmem:s24+$0xFFFFFFE0] =	vst v6;
	v0 =	vmul.f32 $3.125000000e-02, v0  }
0x139: {  	p0 =	slt.u32 s25, $0x38;
	v6 =	vld [tilespmem:s26+$0xFFFFFFE0];
	[tilespmem:s24+$0x0] =	vst v2;
	v3 =	vmul.f32 $3.125000000e-02, v3  }
.Ltmp10:
0x13a: {  	v2 =	vld [tilespmem:s26+$0x0];
	[tilespmem:s24+$0x10] =	vst v0;
	v1 =	vmul.f32 $3.125000000e-02, v1;
	(pc) =	sbr.rel @p0 .LBB2_23-.Ltmp10, $4  }
0x13b: {  	v0 =	vld [tilespmem:s26+$0x10];
	v4 =	vmul.f32 $3.125000000e-02, v4;
	[tilespmem:s24+$0x20] =	vst v3  }
0x13c: {  	v7 =	vmul.f32 $3.125000000e-02, v7;
	v3 =	vld [tilespmem:s26+$0x20];
	[tilespmem:s24+$0x30] =	vst v1  }
0x13d: {  	v5 =	vmul.f32 $3.125000000e-02, v5;
	v1 =	vld [tilespmem:s26+$0x30];
	[tilespmem:s24+$0xFFFFFFF0] =	vst v4;
	s24 =	smov.u32 s26  }
0x13e: {  	s26 =	sadd.s32 $0x400, s26;
	[tilespmem:s24+$0xFFFFFFC0] =	vst v7;
	v6 =	vmul.f32 $3.125000000e-02, v6;
	v4 =	vld [tilespmem:s24+$0xFFFFFFF0]  }
0x13f: {  	[tilespmem:s24+$0xFFFFFFD0] =	vst v5;
	v2 =	vmul.f32 $3.125000000e-02, v2;
	s23 =	sadd.s32 $0x1, s23  }
0x140: {  	[tilespmem:s24+$0xFFFFFFE0] =	vst v6;
	v0 =	vmul.f32 $3.125000000e-02, v0;
	p0 =	sne.s32 s23, $0x20  }
.Ltmp11:
0x141: {  	[tilespmem:s24+$0x0] =	vst v2;
	v61 =	vmul.f32 $3.125000000e-02, v3;
	(pc) =	sbr.rel @p0 .LBB2_22-.Ltmp11, $4  }
0x142: {  	[tilespmem:s24+$0x10] =	vst v0;
	v62 =	vmul.f32 $3.125000000e-02, v1  }
0x143: {  	v63 =	vmul.f32 $3.125000000e-02, v4;
	[tilespmem:s24+$0x20] =	vst v61  }
0x144: {  	[tilespmem:s24+$0x30] =	vst v62  }
0x145: {  	s22 =	sadd.s32 $0x400, s22;
	s21 =	sadd.s32 $0x1, s21;
	[tilespmem:s24+$0xFFFFFFF0] =	vst v63  }
0x146: {  	s21 =	simm.s32 $0x0;
	s22 =	rddreg [dreg:$0x13]  }
0x147: {  	[hbm4b:s22+s21] =	stream.linear.scatter [tilespmem:s16], [sflag:$0x4], $0x8000, $0x38;
	[tilespmem:$0x10000] =	vst v63  }
0x148: {  	_ = 	snop  }
0x149: {  	[hbm4b:s6+s21] =	stream.linear.scatter [tilespmem:s16], [sflag:$0x4], $0x8000, $0x38;
	[tilespmem:$0x10000] =	vst v63  }
0x14a: {  	_ = 	snop  }
0x14b: {  	[hbm4b:s7+s21] =	stream.linear.scatter [tilespmem:s16], [sflag:$0x4], $0x8000, $0x38;
	[tilespmem:$0x10000] =	vst v63  }
0x14c: {  	_ = 	snop  }
0x14d: {  	[hbm4b:s8+s21] =	stream.linear.scatter [tilespmem:s16], [sflag:$0x4], $0x8000, $0x38;
	[tilespmem:$0x10000] =	vst v63  }
0x14e: {  	_ =	swait.ge [sflag:s15], $0x8000  }
0x14f: {  	[sflag:s15] =	ssyncset.done $0x0  }
0x150: {  	[sflag:s15] =	ssyncadd.s32 $0xFFFF8000  }
0x151: {  	_ =	swait.ge [sflag:s19], $0x8000  }
0x152: {  	[sflag:s19] =	ssyncset.done $0x0  }
0x153: {  	[sflag:s19] =	ssyncadd.s32 $0xFFFF8000  }
0x154: {  	_ =	swait.ge [sflag:s19], $0x8000  }
0x155: {  	[sflag:s19] =	ssyncset.done $0x0  }
0x156: {  	[sflag:s19] =	ssyncadd.s32 $0xFFFF8000  }
0x157: {  	_ =	swait.ge [sflag:s19], $0x8000  }
0x158: {  	[sflag:s19] =	ssyncset.done $0x0  }
0x159: {  	[sflag:s19] =	ssyncadd.s32 $0xFFFF8000  }
0x15a: {  	_ =	swait.ge [sflag:s19], $0x8000  }
0x15b: {  	s23 =	simm.s32 $0x0;
	[sflag:s19] =	ssyncset.done $0x0  }
0x15c: {  	s22 =	simm.s32 $0x0;
	s26 =	rddreg [dreg:$0x14];
	[sflag:s19] =	ssyncadd.s32 $0xFFFF8000  }
0x15d: {  	[tilespmem:s16], [sflag:$0x2] =	stream.linear.gather [hbm4b:s26+s21], $0x8000, $0x38;
	[tilespmem:$0x10000] =	vst v63  }
.LBB2_26:
0x15e: {  	s24 =	sshll.u32 s22, $0x2;
	s25 =	sand.u32 $0x7, s21  }
0x15f: {  	s24 =	sand.u32 $0xFFFF8000, s24;
	s25 =	sshll.u32 s25, $0x9  }
0x160: {  	s24 =	sor.u32 s25, s24  }
0x161: {  	s24 =	sshrl.u32 s24, $0x2  }
0x162: {  	s24 =	sor.u32 $0x40, s24  }
0x163: {  	v1 =	vld [tilespmem:s24+$0xFFFFFFC0];
	_ =	sdelay $0x1  }
0x164: {  	v4 =	vld [tilespmem:s24+$0xFFFFFFD0]  }
0x165: {  	v6 =	vld [tilespmem:s24+$0xFFFFFFE0]  }
0x166: {  	v2 =	vld [tilespmem:s24+$0x0]  }
0x167: {  	v0 =	vld [tilespmem:s24+$0x10];
	v5 =	vmul.f32 $3.125000000e-02, v1  }
0x168: {  	v3 =	vld [tilespmem:s24+$0x20]  }
0x169: {  	v1 =	vld [tilespmem:s24+$0x30];
	[tilespmem:s24+$0xFFFFFFC0] =	vst v5;
	v5 =	vmul.f32 $3.125000000e-02, v4  }
0x16a: {  	s25 =	simm.s32 $0x0;
	s26 =	sadd.s32 $0x400, s24;
	v6 =	vmul.f32 $3.125000000e-02, v6;
	v4 =	vld [tilespmem:s24+$0xFFFFFFF0]  }
.LBB2_27:
0x16b: {  	v7 =	vld [tilespmem:s26+$0xFFFFFFC0];
	[tilespmem:s24+$0xFFFFFFD0] =	vst v5;
	v2 =	vmul.f32 $3.125000000e-02, v2  }
0x16c: {  	s25 =	sadd.s32 $0x8, s25;
	v5 =	vld [tilespmem:s26+$0xFFFFFFD0];
	[tilespmem:s24+$0xFFFFFFE0] =	vst v6;
	v0 =	vmul.f32 $3.125000000e-02, v0  }
0x16d: {  	p0 =	slt.u32 s25, $0x38;
	v6 =	vld [tilespmem:s26+$0xFFFFFFE0];
	[tilespmem:s24+$0x0] =	vst v2;
	v3 =	vmul.f32 $3.125000000e-02, v3  }
.Ltmp12:
0x16e: {  	v2 =	vld [tilespmem:s26+$0x0];
	[tilespmem:s24+$0x10] =	vst v0;
	v1 =	vmul.f32 $3.125000000e-02, v1;
	(pc) =	sbr.rel @p0 .LBB2_27-.Ltmp12, $4  }
0x16f: {  	v0 =	vld [tilespmem:s26+$0x10];
	v4 =	vmul.f32 $3.125000000e-02, v4;
	[tilespmem:s24+$0x20] =	vst v3  }
0x170: {  	v7 =	vmul.f32 $3.125000000e-02, v7;
	v3 =	vld [tilespmem:s26+$0x20];
	[tilespmem:s24+$0x30] =	vst v1  }
0x171: {  	v5 =	vmul.f32 $3.125000000e-02, v5;
	v1 =	vld [tilespmem:s26+$0x30];
	[tilespmem:s24+$0xFFFFFFF0] =	vst v4;
	s24 =	smov.u32 s26  }
0x172: {  	s26 =	sadd.s32 $0x400, s26;
	[tilespmem:s24+$0xFFFFFFC0] =	vst v7;
	v6 =	vmul.f32 $3.125000000e-02, v6;
	v4 =	vld [tilespmem:s24+$0xFFFFFFF0]  }
0x173: {  	[tilespmem:s24+$0xFFFFFFD0] =	vst v5;
	v2 =	vmul.f32 $3.125000000e-02, v2;
	s23 =	sadd.s32 $0x1, s23  }
0x174: {  	[tilespmem:s24+$0xFFFFFFE0] =	vst v6;
	v0 =	vmul.f32 $3.125000000e-02, v0;
	p0 =	sne.s32 s23, $0x20  }
.Ltmp13:
0x175: {  	[tilespmem:s24+$0x0] =	vst v2;
	v61 =	vmul.f32 $3.125000000e-02, v3;
	(pc) =	sbr.rel @p0 .LBB2_26-.Ltmp13, $4  }
0x176: {  	[tilespmem:s24+$0x10] =	vst v0;
	v62 =	vmul.f32 $3.125000000e-02, v1  }
0x177: {  	v63 =	vmul.f32 $3.125000000e-02, v4;
	[tilespmem:s24+$0x20] =	vst v61  }
0x178: {  	[tilespmem:s24+$0x30] =	vst v62  }
0x179: {  	s22 =	sadd.s32 $0x400, s22;
	s21 =	sadd.s32 $0x1, s21;
	[tilespmem:s24+$0xFFFFFFF0] =	vst v63  }
0x17a: {  	s21 =	simm.s32 $0x0;
	s22 =	rddreg [dreg:$0x15]  }
0x17b: {  	[hbm4b:s22+s21] =	stream.linear.scatter [tilespmem:s21], [sflag:$0x3], $0x8000, $0x38;
	[tilespmem:$0x10000] =	vst v63  }
0x17c: {  	_ = 	snop  }
0x17d: {  	[hbm4b:s9+s21] =	stream.linear.scatter [tilespmem:s21], [sflag:$0x3], $0x8000, $0x38;
	[tilespmem:$0x10000] =	vst v63  }
0x17e: {  	_ = 	snop  }
0x17f: {  	[hbm4b:s10+s21] =	stream.linear.scatter [tilespmem:s21], [sflag:$0x3], $0x8000, $0x38;
	[tilespmem:$0x10000] =	vst v63  }
0x180: {  	_ = 	snop  }
0x181: {  	[hbm4b:s11+s21] =	stream.linear.scatter [tilespmem:s21], [sflag:$0x3], $0x8000, $0x38;
	[tilespmem:$0x10000] =	vst v63  }
0x182: {  	_ =	swait.ge [sflag:s17], $0x8000  }
0x183: {  	[sflag:s17] =	ssyncset.done $0x0  }
0x184: {  	[sflag:s17] =	ssyncadd.s32 $0xFFFF8000  }
0x185: {  	_ =	swait.ge [sflag:s18], $0x8000  }
0x186: {  	[sflag:s18] =	ssyncset.done $0x0  }
0x187: {  	[sflag:s18] =	ssyncadd.s32 $0xFFFF8000  }
0x188: {  	_ =	swait.ge [sflag:s18], $0x8000  }
0x189: {  	[sflag:s18] =	ssyncset.done $0x0  }
0x18a: {  	[sflag:s18] =	ssyncadd.s32 $0xFFFF8000  }
0x18b: {  	_ =	swait.ge [sflag:s18], $0x8000  }
0x18c: {  	[sflag:s18] =	ssyncset.done $0x0  }
0x18d: {  	[sflag:s18] =	ssyncadd.s32 $0xFFFF8000  }
0x18e: {  	_ =	swait.ge [sflag:s18], $0x8000  }
0x18f: {  	[sflag:s18] =	ssyncset.done $0x0  }
0x190: {  	s23 =	simm.s32 $0x0;
	s22 =	simm.s32 $0x0;
	[sflag:s18] =	ssyncadd.s32 $0xFFFF8000  }
.LBB2_30:
0x191: {  	s24 =	sshll.u32 s22, $0x2;
	s25 =	sand.u32 $0x7, s21  }
0x192: {  	s24 =	sand.u32 $0xFFFF8000, s24;
	s25 =	sshll.u32 s25, $0x9  }
0x193: {  	s24 =	sor.u32 s25, s24  }
0x194: {  	s24 =	sshrl.u32 s24, $0x2  }
0x195: {  	s24 =	sadd.s32 $0x8040, s24  }
0x196: {  	v1 =	vld [tilespmem:s24+$0xFFFFFFC0];
	_ =	sdelay $0x1  }
0x197: {  	v4 =	vld [tilespmem:s24+$0xFFFFFFD0]  }
0x198: {  	v6 =	vld [tilespmem:s24+$0xFFFFFFE0]  }
0x199: {  	v2 =	vld [tilespmem:s24+$0x0]  }
0x19a: {  	v0 =	vld [tilespmem:s24+$0x10];
	v5 =	vmul.f32 $3.125000000e-02, v1  }
0x19b: {  	v3 =	vld [tilespmem:s24+$0x20]  }
0x19c: {  	v1 =	vld [tilespmem:s24+$0x30];
	[tilespmem:s24+$0xFFFFFFC0] =	vst v5;
	v5 =	vmul.f32 $3.125000000e-02, v4  }
0x19d: {  	s25 =	simm.s32 $0x0;
	s26 =	sadd.s32 $0x400, s24;
	v6 =	vmul.f32 $3.125000000e-02, v6;
	v4 =	vld [tilespmem:s24+$0xFFFFFFF0]  }
.LBB2_31:
0x19e: {  	v7 =	vld [tilespmem:s26+$0xFFFFFFC0];
	[tilespmem:s24+$0xFFFFFFD0] =	vst v5;
	v2 =	vmul.f32 $3.125000000e-02, v2  }
0x19f: {  	s25 =	sadd.s32 $0x8, s25;
	v5 =	vld [tilespmem:s26+$0xFFFFFFD0];
	[tilespmem:s24+$0xFFFFFFE0] =	vst v6;
	v0 =	vmul.f32 $3.125000000e-02, v0  }
0x1a0: {  	p0 =	slt.u32 s25, $0x38;
	v6 =	vld [tilespmem:s26+$0xFFFFFFE0];
	[tilespmem:s24+$0x0] =	vst v2;
	v3 =	vmul.f32 $3.125000000e-02, v3  }
.Ltmp14:
0x1a1: {  	v2 =	vld [tilespmem:s26+$0x0];
	[tilespmem:s24+$0x10] =	vst v0;
	v1 =	vmul.f32 $3.125000000e-02, v1;
	(pc) =	sbr.rel @p0 .LBB2_31-.Ltmp14, $4  }
0x1a2: {  	v0 =	vld [tilespmem:s26+$0x10];
	v4 =	vmul.f32 $3.125000000e-02, v4;
	[tilespmem:s24+$0x20] =	vst v3  }
0x1a3: {  	v7 =	vmul.f32 $3.125000000e-02, v7;
	v3 =	vld [tilespmem:s26+$0x20];
	[tilespmem:s24+$0x30] =	vst v1  }
0x1a4: {  	v5 =	vmul.f32 $3.125000000e-02, v5;
	v1 =	vld [tilespmem:s26+$0x30];
	[tilespmem:s24+$0xFFFFFFF0] =	vst v4;
	s24 =	smov.u32 s26  }
0x1a5: {  	s26 =	sadd.s32 $0x400, s26;
	[tilespmem:s24+$0xFFFFFFC0] =	vst v7;
	v6 =	vmul.f32 $3.125000000e-02, v6;
	v4 =	vld [tilespmem:s24+$0xFFFFFFF0]  }
0x1a6: {  	[tilespmem:s24+$0xFFFFFFD0] =	vst v5;
	v2 =	vmul.f32 $3.125000000e-02, v2;
	s23 =	sadd.s32 $0x1, s23  }
0x1a7: {  	[tilespmem:s24+$0xFFFFFFE0] =	vst v6;
	v0 =	vmul.f32 $3.125000000e-02, v0;
	p0 =	sne.s32 s23, $0x20  }
.Ltmp15:
0x1a8: {  	[tilespmem:s24+$0x0] =	vst v2;
	v61 =	vmul.f32 $3.125000000e-02, v3;
	(pc) =	sbr.rel @p0 .LBB2_30-.Ltmp15, $4  }
0x1a9: {  	[tilespmem:s24+$0x10] =	vst v0;
	v62 =	vmul.f32 $3.125000000e-02, v1  }
0x1aa: {  	v63 =	vmul.f32 $3.125000000e-02, v4;
	[tilespmem:s24+$0x20] =	vst v61  }
0x1ab: {  	[tilespmem:s24+$0x30] =	vst v62  }
0x1ac: {  	s22 =	sadd.s32 $0x400, s22;
	s21 =	sadd.s32 $0x1, s21;
	[tilespmem:s24+$0xFFFFFFF0] =	vst v63  }
0x1ad: {  	s21 =	rddreg [dreg:$0x16]  }
0x1ae: {  	[hbm4b:s21+s2] =	stream.linear.scatter [tilespmem:s16], [sflag:$0x4], $0x8000, $0x38;
	[tilespmem:$0x10000] =	vst v63  }
0x1af: {  	_ = 	snop  }
0x1b0: {  	[hbm4b:s12+s2] =	stream.linear.scatter [tilespmem:s16], [sflag:$0x4], $0x8000, $0x38;
	[tilespmem:$0x10000] =	vst v63  }
0x1b1: {  	_ = 	snop  }
0x1b2: {  	[hbm4b:s13+s2] =	stream.linear.scatter [tilespmem:s16], [sflag:$0x4], $0x8000, $0x38;
	[tilespmem:$0x10000] =	vst v63  }
0x1b3: {  	_ = 	snop  }
0x1b4: {  	[hbm4b:s14+s2] =	stream.linear.scatter [tilespmem:s16], [sflag:$0x4], $0x8000, $0x38;
	[tilespmem:$0x10000] =	vst v63  }
0x1b5: {  	_ =	swait.ge [sflag:s19], $0x8000  }
0x1b6: {  	[sflag:s19] =	ssyncset.done $0x0  }
0x1b7: {  	[sflag:s19] =	ssyncadd.s32 $0xFFFF8000  }
0x1b8: {  	_ =	swait.ge [sflag:s19], $0x8000  }
0x1b9: {  	[sflag:s19] =	ssyncset.done $0x0  }
0x1ba: {  	[sflag:s19] =	ssyncadd.s32 $0xFFFF8000  }
0x1bb: {  	_ =	swait.ge [sflag:s19], $0x8000  }
0x1bc: {  	[sflag:s19] =	ssyncset.done $0x0  }
0x1bd: {  	[sflag:s19] =	ssyncadd.s32 $0xFFFF8000  }
0x1be: {  	_ =	swait.ge [sflag:s19], $0x8000  }
0x1bf: {  	s20 =	sadd.s32 $0x1, s20;
	s26 =	rddreg [dreg:$0x18]  }
0x1c0: {  	p0 =	sne.s32 s20, s26  }
.Ltmp16:
0x1c1: {  	_ = 	snop;
	(pc) =	sbr.rel @p0 .LBB2_1-.Ltmp16, $3  }
0x1c2: {  	_ =	sdelay $0x1  }
0x1c3: {  	[sflag:s19] =	ssyncset.done $0x0  }
0x1c4: {  	[sflag:s19] =	ssyncadd.s32 $0xFFFF8000  }
0x1c5: {  	_ =	sfence.sel $0x180000  }
0x1c6: {  	[bflag:$0x0] =	sbarrier.arrive $0xFFFF  }
0x1c7: {  	_ =	strace $0x90000047  }
0x1c8: {  	s0 =	stileid.u32;
	[bflag:$0x2] =	sbarrier.arrive $0xFFFF  }
0x1c9: {  	p0 =	sne.s32 s0, $0x0;
	s0 =	rddreg [dreg:$0x2]  }
0x1ca: {  	s0 =	sadd.s32 @!p0 $0x100000, s0  }
0x1cb: {  	[sflag:s0] =	ssyncadd.tile.s32 @!p0 $0x1;
	_ =	shalt  }
.Lfunc_end2:
_tile_overlayer_lowered:
.L_overlay_start_2:
0x1cc: {  	(tag) =	ssettag $0x2  }
0x1cd: {  	s0 =	rddreg [dreg:$0x0];
	s2 =	stileid.u32  }
0x1ce: {  	s1 =	rddreg [dreg:$0x1];
	p0 =	sne.s32 s2, $0x0  }
0x1cf: {  	s3 =	rddreg [dreg:$0x2];
	[bflag:$0x3] =	sbarrier.arrive $0xFFFF;
	s2 =	simm.s32 @!p0 $0x1C05  }
0x1d0: {  	[timem:s3], [sflag:s2] =	dma.local @!p0 [hbm:s0], s1  }
0x1d1: {  	s0 =	simm.s32 @!p0 $0x5  }
0x1d2: {  	_ =	swait.ge @!p0 [sflag:s0], s1  }
0x1d3: {  	s1 =	ssub.s32 @!p0 $0x0, s1;
	[sflag:s0] =	ssyncset.done @!p0 $0x0  }
0x1d4: {  	[sflag:s0] =	ssyncadd.s32 @!p0 s1  }
0x1d5: {  	[bflag:$0x3] =	sbarrier.arrive $0xFFFF  }
0x1d6: {  	_ =	shalt  }

</sc_bundles>
